<compile_context>
chip_gen: v7x
topology: tpu7x:2x2x1
jax: 0.10.2.dev20260603
libtpu: 0.0.44.dev20260713+nightly
codegen_flags: <defaults>
</compile_context>

<pallas_src>
import functools

import jax
import jax.numpy as jnp
from jax import lax
from jax.experimental import pallas as pl
from jax.experimental.pallas import tpu as pltpu
from jax.experimental.pallas import tpu_sc as plsc


def _gather_call(B, V, D):
    info = plsc.get_sparse_core_info()
    NC, NS, L = info.num_cores, info.num_subcores, info.num_lanes
    NW = NC * NS
    b_per_w = B // NW
    TR = D // 8
    TC = B // 128
    tc_per_w = TC // NW
    slab = tc_per_w * 8 * 128
    n_jc = b_per_w // L
    mesh = plsc.VectorSubcoreMesh(core_axis_name="c", subcore_axis_name="s")

    @functools.partial(
        pl.kernel,
        mesh=mesh,
        out_type=jax.ShapeDtypeStruct((TR * TC * 8 * 128,), jnp.float32),
        scratch_types=[
            pltpu.VMEM((b_per_w,), jnp.int32),
            pltpu.VMEM((V * D,), jnp.float32),
            pltpu.VMEM((TR * slab,), jnp.float32),
            [pltpu.SemaphoreType.DMA] * TR,
            [pltpu.SemaphoreType.DMA] * TR,
        ],
        compiler_params=pltpu.CompilerParams(
            use_tc_tiling_on_sc=False, needs_layout_passes=False,
            disable_bounds_checks=True),
    )
    def gather_kernel(tablet_hbm, idx_hbm, out_hbm, idx_v, tab_v, out_v,
                      gsems, ssems):
        wid = lax.axis_index("s") * NC + lax.axis_index("c")
        base = wid * b_per_w
        stages = [
            pltpu.async_copy(
                tablet_hbm.at[pl.ds(tr * 8 * V, 8 * V)],
                tab_v.at[pl.ds(tr * 8 * V, 8 * V)], gsems[tr])
            for tr in range(TR)
        ]
        pltpu.sync_copy(idx_hbm.at[pl.ds(base, b_per_w)], idx_v)

        stepv = jnp.full((L,), V, jnp.int32)
        tc0 = wid * tc_per_w
        stores = []
        for tr in range(TR):
            stages[tr].wait()
            trbase = jnp.full((L,), tr * 8 * V, jnp.int32)

            @plsc.parallel_loop(0, n_jc, 1, unroll=2)
            def gather_chunk(jc, tr=tr, trbase=trbase):
                off = (jc // 8) * 1024 + (jc % 8) * L
                addr = idx_v[pl.ds(jc * L, L)] + trbase
                for r in range(8):
                    v = plsc.load_gather(tab_v, [addr])
                    out_v[pl.ds(tr * slab + r * 128 + off, L)] = v
                    addr = addr + stepv

            stores.append(pltpu.async_copy(
                out_v.at[pl.ds(tr * slab, slab)],
                out_hbm.at[pl.ds(tr * TC * 1024 + tc0 * 1024, slab)],
                ssems[tr]))
        for cp in stores:
            cp.wait()

    return gather_kernel


def kernel(labels, emb_table):
    B, = labels.shape
    V, D = emb_table.shape
    tablet = emb_table.T.reshape(-1)
    flat = _gather_call(B, V, D)(tablet, labels.astype(jnp.int32))
    return (flat.reshape(D // 8, B // 128, 8, 128)
            .transpose(1, 3, 0, 2).reshape(B, D))

# --- scband reference (transcript-rebuilt; emitter-appended) ---
"""Pipeline reference for scband-phase-one-conditioner-31645319037272 (READ-ONLY COPY).

The authoritative reference and input builder live on the scoring server;
editing this copy changes nothing except your own understanding.
"""

import jax, jax.numpy as jnp
import numpy as np

NUM_CLASSES = 1000
EMB_DIM = 64
BATCH = 16384

def setup_inputs(seed: int = 0) -> dict:
    key = jax.random.key(seed)
    k1, k2 = jax.random.split(key)
    labels = jax.random.randint(k1, (BATCH,), 0, NUM_CLASSES, dtype=jnp.int64 if jax.config.read('jax_enable_x64') else jnp.int32)
    emb_table = jax.random.normal(k2, (NUM_CLASSES, EMB_DIM), dtype=jnp.float32)
    return {"labels": labels, "emb_table": emb_table}

def reference(labels, emb_table):
    # nn.Embedding forward: gather rows of the table by index
    return jnp.take(emb_table, labels, axis=0)

if __name__ == "__main__":
    import jax
    _d = setup_inputs()
    print(jax.jit(kernel)(*tuple(_d.values())))

</pallas_src>

<mosaic_0001>
#map = affine_map<(d0, d1) -> (0)>
module attributes {stable_mosaic.version = 14 : i64} {
  func.func @gather_kernel(%arg0: i32, %arg1: i32, %arg2: memref<64000xf32, #tpu.memory_space<hbm>>, %arg3: memref<16384xi32, #tpu.memory_space<hbm>>, %arg4: memref<1048576xf32, #tpu.memory_space<hbm>>, %arg5: memref<512xi32, #tpu.memory_space<vmem>>, %arg6: memref<64000xf32, #tpu.memory_space<vmem>>, %arg7: memref<32768xf32, #tpu.memory_space<vmem>>, %arg8: memref<!tpu.dma_semaphore, #tpu.memory_space<semaphore_mem>>, %arg9: memref<!tpu.dma_semaphore, #tpu.memory_space<semaphore_mem>>, %arg10: memref<!tpu.dma_semaphore, #tpu.memory_space<semaphore_mem>>, %arg11: memref<!tpu.dma_semaphore, #tpu.memory_space<semaphore_mem>>, %arg12: memref<!tpu.dma_semaphore, #tpu.memory_space<semaphore_mem>>, %arg13: memref<!tpu.dma_semaphore, #tpu.memory_space<semaphore_mem>>, %arg14: memref<!tpu.dma_semaphore, #tpu.memory_space<semaphore_mem>>, %arg15: memref<!tpu.dma_semaphore, #tpu.memory_space<semaphore_mem>>, %arg16: memref<!tpu.dma_semaphore, #tpu.memory_space<semaphore_mem>>, %arg17: memref<!tpu.dma_semaphore, #tpu.memory_space<semaphore_mem>>, %arg18: memref<!tpu.dma_semaphore, #tpu.memory_space<semaphore_mem>>, %arg19: memref<!tpu.dma_semaphore, #tpu.memory_space<semaphore_mem>>, %arg20: memref<!tpu.dma_semaphore, #tpu.memory_space<semaphore_mem>>, %arg21: memref<!tpu.dma_semaphore, #tpu.memory_space<semaphore_mem>>, %arg22: memref<!tpu.dma_semaphore, #tpu.memory_space<semaphore_mem>>, %arg23: memref<!tpu.dma_semaphore, #tpu.memory_space<semaphore_mem>>) attributes {dimension_semantics = [#tpu.dimension_semantics<core_parallel>, #tpu.dimension_semantics<subcore_parallel>], iteration_bounds = array<i64: 2, 16>, scalar_prefetch = 0 : i64, scratch_operands = 19 : i64, tpu.core_type = #tpu.core_type<sc_vector_subcore>, window_params = [{transform_indices = #map}, {transform_indices = #map}, {transform_indices = #map}]} {
    %mul3A = arith.constant 2 : i32
    %mul3A_0 = arith.muli %arg1, %mul3A : i32
    %add3A = arith.addi %mul3A_0, %arg0 : i32
    %mul3A_1 = arith.constant 512 : i32
    %mul3A_2 = arith.muli %add3A, %mul3A_1 : i32
    %dma_start3A = arith.constant 0 : i32
    %dma_start3A_3 = tpu.memref_slice %arg6[%dma_start3A] : memref<64000xf32, #tpu.memory_space<vmem>> -> memref<8000xf32, #tpu.memory_space<vmem>>
    %dma_start3A_4 = arith.constant 0 : i32
    %dma_start3A_5 = tpu.memref_slice %arg2[%dma_start3A_4] : memref<64000xf32, #tpu.memory_space<hbm>> -> memref<8000xf32, #tpu.memory_space<hbm>>
    %dma_start3A_6 = arith.constant 0 : i32
    %dma_start3A_7 = tpu.memref_slice %arg6[%dma_start3A_6] : memref<64000xf32, #tpu.memory_space<vmem>> -> memref<8000xf32, #tpu.memory_space<vmem>>
    %dma_start3A_8 = arith.constant 0 : i32
    %dma_start3A_9 = tpu.memref_slice %arg2[%dma_start3A_8] : memref<64000xf32, #tpu.memory_space<hbm>> -> memref<8000xf32, #tpu.memory_space<hbm>>
    tpu.enqueue_dma source(%dma_start3A_9 : memref<8000xf32, #tpu.memory_space<hbm>>) target(%dma_start3A_7 : memref<8000xf32, #tpu.memory_space<vmem>>) target_semaphore(%arg8 : memref<!tpu.dma_semaphore, #tpu.memory_space<semaphore_mem>>)
    %dma_start3A_10 = arith.constant 8000 : i32
    %dma_start3A_11 = tpu.memref_slice %arg6[%dma_start3A_10] : memref<64000xf32, #tpu.memory_space<vmem>> -> memref<8000xf32, #tpu.memory_space<vmem>>
    %dma_start3A_12 = arith.constant 8000 : i32
    %dma_start3A_13 = tpu.memref_slice %arg2[%dma_start3A_12] : memref<64000xf32, #tpu.memory_space<hbm>> -> memref<8000xf32, #tpu.memory_space<hbm>>
    %dma_start3A_14 = arith.constant 8000 : i32
    %dma_start3A_15 = tpu.memref_slice %arg6[%dma_start3A_14] : memref<64000xf32, #tpu.memory_space<vmem>> -> memref<8000xf32, #tpu.memory_space<vmem>>
    %dma_start3A_16 = arith.constant 8000 : i32
    %dma_start3A_17 = tpu.memref_slice %arg2[%dma_start3A_16] : memref<64000xf32, #tpu.memory_space<hbm>> -> memref<8000xf32, #tpu.memory_space<hbm>>
    tpu.enqueue_dma source(%dma_start3A_17 : memref<8000xf32, #tpu.memory_space<hbm>>) target(%dma_start3A_15 : memref<8000xf32, #tpu.memory_space<vmem>>) target_semaphore(%arg9 : memref<!tpu.dma_semaphore, #tpu.memory_space<semaphore_mem>>)
    %dma_start3A_18 = arith.constant 16000 : i32
    %dma_start3A_19 = tpu.memref_slice %arg6[%dma_start3A_18] : memref<64000xf32, #tpu.memory_space<vmem>> -> memref<8000xf32, #tpu.memory_space<vmem>>
    %dma_start3A_20 = arith.constant 16000 : i32
    %dma_start3A_21 = tpu.memref_slice %arg2[%dma_start3A_20] : memref<64000xf32, #tpu.memory_space<hbm>> -> memref<8000xf32, #tpu.memory_space<hbm>>
    %dma_start3A_22 = arith.constant 16000 : i32
    %dma_start3A_23 = tpu.memref_slice %arg6[%dma_start3A_22] : memref<64000xf32, #tpu.memory_space<vmem>> -> memref<8000xf32, #tpu.memory_space<vmem>>
    %dma_start3A_24 = arith.constant 16000 : i32
    %dma_start3A_25 = tpu.memref_slice %arg2[%dma_start3A_24] : memref<64000xf32, #tpu.memory_space<hbm>> -> memref<8000xf32, #tpu.memory_space<hbm>>
    tpu.enqueue_dma source(%dma_start3A_25 : memref<8000xf32, #tpu.memory_space<hbm>>) target(%dma_start3A_23 : memref<8000xf32, #tpu.memory_space<vmem>>) target_semaphore(%arg10 : memref<!tpu.dma_semaphore, #tpu.memory_space<semaphore_mem>>)
    %dma_start3A_26 = arith.constant 24000 : i32
    %dma_start3A_27 = tpu.memref_slice %arg6[%dma_start3A_26] : memref<64000xf32, #tpu.memory_space<vmem>> -> memref<8000xf32, #tpu.memory_space<vmem>>
    %dma_start3A_28 = arith.constant 24000 : i32
    %dma_start3A_29 = tpu.memref_slice %arg2[%dma_start3A_28] : memref<64000xf32, #tpu.memory_space<hbm>> -> memref<8000xf32, #tpu.memory_space<hbm>>
    %dma_start3A_30 = arith.constant 24000 : i32
    %dma_start3A_31 = tpu.memref_slice %arg6[%dma_start3A_30] : memref<64000xf32, #tpu.memory_space<vmem>> -> memref<8000xf32, #tpu.memory_space<vmem>>
    %dma_start3A_32 = arith.constant 24000 : i32
    %dma_start3A_33 = tpu.memref_slice %arg2[%dma_start3A_32] : memref<64000xf32, #tpu.memory_space<hbm>> -> memref<8000xf32, #tpu.memory_space<hbm>>
    tpu.enqueue_dma source(%dma_start3A_33 : memref<8000xf32, #tpu.memory_space<hbm>>) target(%dma_start3A_31 : memref<8000xf32, #tpu.memory_space<vmem>>) target_semaphore(%arg11 : memref<!tpu.dma_semaphore, #tpu.memory_space<semaphore_mem>>)
    %dma_start3A_34 = arith.constant 32000 : i32
    %dma_start3A_35 = tpu.memref_slice %arg6[%dma_start3A_34] : memref<64000xf32, #tpu.memory_space<vmem>> -> memref<8000xf32, #tpu.memory_space<vmem>>
    %dma_start3A_36 = arith.constant 32000 : i32
    %dma_start3A_37 = tpu.memref_slice %arg2[%dma_start3A_36] : memref<64000xf32, #tpu.memory_space<hbm>> -> memref<8000xf32, #tpu.memory_space<hbm>>
    %dma_start3A_38 = arith.constant 32000 : i32
    %dma_start3A_39 = tpu.memref_slice %arg6[%dma_start3A_38] : memref<64000xf32, #tpu.memory_space<vmem>> -> memref<8000xf32, #tpu.memory_space<vmem>>
    %dma_start3A_40 = arith.constant 32000 : i32
    %dma_start3A_41 = tpu.memref_slice %arg2[%dma_start3A_40] : memref<64000xf32, #tpu.memory_space<hbm>> -> memref<8000xf32, #tpu.memory_space<hbm>>
    tpu.enqueue_dma source(%dma_start3A_41 : memref<8000xf32, #tpu.memory_space<hbm>>) target(%dma_start3A_39 : memref<8000xf32, #tpu.memory_space<vmem>>) target_semaphore(%arg12 : memref<!tpu.dma_semaphore, #tpu.memory_space<semaphore_mem>>)
    %dma_start3A_42 = arith.constant 40000 : i32
    %dma_start3A_43 = tpu.memref_slice %arg6[%dma_start3A_42] : memref<64000xf32, #tpu.memory_space<vmem>> -> memref<8000xf32, #tpu.memory_space<vmem>>
    %dma_start3A_44 = arith.constant 40000 : i32
    %dma_start3A_45 = tpu.memref_slice %arg2[%dma_start3A_44] : memref<64000xf32, #tpu.memory_space<hbm>> -> memref<8000xf32, #tpu.memory_space<hbm>>
    %dma_start3A_46 = arith.constant 40000 : i32
    %dma_start3A_47 = tpu.memref_slice %arg6[%dma_start3A_46] : memref<64000xf32, #tpu.memory_space<vmem>> -> memref<8000xf32, #tpu.memory_space<vmem>>
    %dma_start3A_48 = arith.constant 40000 : i32
    %dma_start3A_49 = tpu.memref_slice %arg2[%dma_start3A_48] : memref<64000xf32, #tpu.memory_space<hbm>> -> memref<8000xf32, #tpu.memory_space<hbm>>
    tpu.enqueue_dma source(%dma_start3A_49 : memref<8000xf32, #tpu.memory_space<hbm>>) target(%dma_start3A_47 : memref<8000xf32, #tpu.memory_space<vmem>>) target_semaphore(%arg13 : memref<!tpu.dma_semaphore, #tpu.memory_space<semaphore_mem>>)
    %dma_start3A_50 = arith.constant 48000 : i32
    %dma_start3A_51 = tpu.memref_slice %arg6[%dma_start3A_50] : memref<64000xf32, #tpu.memory_space<vmem>> -> memref<8000xf32, #tpu.memory_space<vmem>>
    %dma_start3A_52 = arith.constant 48000 : i32
    %dma_start3A_53 = tpu.memref_slice %arg2[%dma_start3A_52] : memref<64000xf32, #tpu.memory_space<hbm>> -> memref<8000xf32, #tpu.memory_space<hbm>>
    %dma_start3A_54 = arith.constant 48000 : i32
    %dma_start3A_55 = tpu.memref_slice %arg6[%dma_start3A_54] : memref<64000xf32, #tpu.memory_space<vmem>> -> memref<8000xf32, #tpu.memory_space<vmem>>
    %dma_start3A_56 = arith.constant 48000 : i32
    %dma_start3A_57 = tpu.memref_slice %arg2[%dma_start3A_56] : memref<64000xf32, #tpu.memory_space<hbm>> -> memref<8000xf32, #tpu.memory_space<hbm>>
    tpu.enqueue_dma source(%dma_start3A_57 : memref<8000xf32, #tpu.memory_space<hbm>>) target(%dma_start3A_55 : memref<8000xf32, #tpu.memory_space<vmem>>) target_semaphore(%arg14 : memref<!tpu.dma_semaphore, #tpu.memory_space<semaphore_mem>>)
    %dma_start3A_58 = arith.constant 56000 : i32
    %dma_start3A_59 = tpu.memref_slice %arg6[%dma_start3A_58] : memref<64000xf32, #tpu.memory_space<vmem>> -> memref<8000xf32, #tpu.memory_space<vmem>>
    %dma_start3A_60 = arith.constant 56000 : i32
    %dma_start3A_61 = tpu.memref_slice %arg2[%dma_start3A_60] : memref<64000xf32, #tpu.memory_space<hbm>> -> memref<8000xf32, #tpu.memory_space<hbm>>
    %dma_start3A_62 = arith.constant 56000 : i32
    %dma_start3A_63 = tpu.memref_slice %arg6[%dma_start3A_62] : memref<64000xf32, #tpu.memory_space<vmem>> -> memref<8000xf32, #tpu.memory_space<vmem>>
    %dma_start3A_64 = arith.constant 56000 : i32
    %dma_start3A_65 = tpu.memref_slice %arg2[%dma_start3A_64] : memref<64000xf32, #tpu.memory_space<hbm>> -> memref<8000xf32, #tpu.memory_space<hbm>>
    tpu.enqueue_dma source(%dma_start3A_65 : memref<8000xf32, #tpu.memory_space<hbm>>) target(%dma_start3A_63 : memref<8000xf32, #tpu.memory_space<vmem>>) target_semaphore(%arg15 : memref<!tpu.dma_semaphore, #tpu.memory_space<semaphore_mem>>)
    "tpu.region"() ({
      %run_scoped3A = tpu.sem_alloc : memref<!tpu.dma_semaphore, #tpu.memory_space<semaphore_mem>>
      %dma_start3A_299 = tpu.memref_slice %arg3[%mul3A_2] : memref<16384xi32, #tpu.memory_space<hbm>> -> memref<512xi32, #tpu.memory_space<hbm>>
      %dma_start3A_300 = tpu.memref_slice %arg3[%mul3A_2] : memref<16384xi32, #tpu.memory_space<hbm>> -> memref<512xi32, #tpu.memory_space<hbm>>
      tpu.enqueue_dma source(%dma_start3A_300 : memref<512xi32, #tpu.memory_space<hbm>>) target(%arg5 : memref<512xi32, #tpu.memory_space<vmem>>) target_semaphore(%run_scoped3A : memref<!tpu.dma_semaphore, #tpu.memory_space<semaphore_mem>>)
      %dma_wait3A_301 = tpu.memref_slice %arg3[%mul3A_2] : memref<16384xi32, #tpu.memory_space<hbm>> -> memref<512xi32, #tpu.memory_space<hbm>>
      %dma_wait3A_302 = tpu.memref_slice %arg3[%mul3A_2] : memref<16384xi32, #tpu.memory_space<hbm>> -> memref<512xi32, #tpu.memory_space<hbm>>
      tpu.wait_dma2 semaphore(%run_scoped3A : memref<!tpu.dma_semaphore, #tpu.memory_space<semaphore_mem>>) src(%dma_wait3A_302 : memref<512xi32, #tpu.memory_space<hbm>>) dst(%arg5 : memref<512xi32, #tpu.memory_space<vmem>>)
      tpu.yield
    }) : () -> ()
    %broadcast_in_dim3A = arith.constant 1000 : i32
    %broadcast_in_dim3A_66 = vector.broadcast %broadcast_in_dim3A : i32 to vector<16xi32>
    %mul3A_67 = arith.constant 4 : i32
    %mul3A_68 = arith.muli %add3A, %mul3A_67 : i32
    %dma_wait3A = arith.constant 0 : i32
    %dma_wait3A_69 = tpu.memref_slice %arg6[%dma_wait3A] : memref<64000xf32, #tpu.memory_space<vmem>> -> memref<8000xf32, #tpu.memory_space<vmem>>
    %dma_wait3A_70 = arith.constant 0 : i32
    %dma_wait3A_71 = tpu.memref_slice %arg2[%dma_wait3A_70] : memref<64000xf32, #tpu.memory_space<hbm>> -> memref<8000xf32, #tpu.memory_space<hbm>>
    %dma_wait3A_72 = arith.constant 0 : i32
    %dma_wait3A_73 = tpu.memref_slice %arg6[%dma_wait3A_72] : memref<64000xf32, #tpu.memory_space<vmem>> -> memref<8000xf32, #tpu.memory_space<vmem>>
    %dma_wait3A_74 = arith.constant 0 : i32
    %dma_wait3A_75 = tpu.memref_slice %arg2[%dma_wait3A_74] : memref<64000xf32, #tpu.memory_space<hbm>> -> memref<8000xf32, #tpu.memory_space<hbm>>
    tpu.wait_dma2 semaphore(%arg8 : memref<!tpu.dma_semaphore, #tpu.memory_space<semaphore_mem>>) src(%dma_wait3A_75 : memref<8000xf32, #tpu.memory_space<hbm>>) dst(%dma_wait3A_73 : memref<8000xf32, #tpu.memory_space<vmem>>)
    %broadcast_in_dim3A_76 = arith.constant 0 : i32
    %broadcast_in_dim3A_77 = vector.broadcast %broadcast_in_dim3A_76 : i32 to vector<16xi32>
    %parallel_loop3A = arith.constant 0 : i32
    %parallel_loop3A_78 = arith.constant 32 : i32
    %parallel_loop3A_79 = arith.constant 1 : i32
    scf.for %parallel_loop3A_299 = %parallel_loop3A to %parallel_loop3A_78 step %parallel_loop3A_79  : i32 {
      %parallel_loop3A_300 = arith.constant 8 : i32
      %parallel_loop3A_301 = arith.divsi %parallel_loop3A_299, %parallel_loop3A_300 : i32
      %parallel_loop3A_302 = arith.constant 0 : i32
      %parallel_loop3A_303 = arith.cmpi sgt, %parallel_loop3A_299, %parallel_loop3A_302 : i32
      %parallel_loop3A_304 = arith.extui %parallel_loop3A_303 : i1 to i32
      %parallel_loop3A_305 = arith.constant 0 : i32
      %parallel_loop3A_306 = arith.cmpi slt, %parallel_loop3A_299, %parallel_loop3A_305 : i32
      %parallel_loop3A_307 = arith.extui %parallel_loop3A_306 : i1 to i32
      %parallel_loop3A_308 = arith.subi %parallel_loop3A_304, %parallel_loop3A_307 : i32
      %parallel_loop3A_309 = arith.constant 0 : i32
      %parallel_loop3A_310 = arith.cmpi sgt, %parallel_loop3A_300, %parallel_loop3A_309 : i32
      %parallel_loop3A_311 = arith.extui %parallel_loop3A_310 : i1 to i32
      %parallel_loop3A_312 = arith.constant 0 : i32
      %parallel_loop3A_313 = arith.cmpi slt, %parallel_loop3A_300, %parallel_loop3A_312 : i32
      %parallel_loop3A_314 = arith.extui %parallel_loop3A_313 : i1 to i32
      %parallel_loop3A_315 = arith.subi %parallel_loop3A_311, %parallel_loop3A_314 : i32
      %parallel_loop3A_316 = arith.cmpi ne, %parallel_loop3A_308, %parallel_loop3A_315 : i32
      %parallel_loop3A_317 = arith.remsi %parallel_loop3A_299, %parallel_loop3A_300 : i32
      %parallel_loop3A_318 = arith.constant 0 : i32
      %parallel_loop3A_319 = arith.cmpi ne, %parallel_loop3A_317, %parallel_loop3A_318 : i32
      %parallel_loop3A_320 = arith.andi %parallel_loop3A_316, %parallel_loop3A_319 : i1
      %parallel_loop3A_321 = arith.constant 1 : i32
      %parallel_loop3A_322 = arith.subi %parallel_loop3A_301, %parallel_loop3A_321 : i32
      %parallel_loop3A_323 = arith.select %parallel_loop3A_320, %parallel_loop3A_322, %parallel_loop3A_301 : i32
      %parallel_loop3A_324 = arith.constant 1024 : i32
      %parallel_loop3A_325 = arith.muli %parallel_loop3A_323, %parallel_loop3A_324 : i32
      %parallel_loop3A_326 = arith.constant 8 : i32
      %parallel_loop3A_327 = arith.constant 0 : i32
      %parallel_loop3A_328 = arith.cmpi eq, %parallel_loop3A_326, %parallel_loop3A_327 : i32
      %parallel_loop3A_329 = arith.constant 1 : i32
      %parallel_loop3A_330 = arith.select %parallel_loop3A_328, %parallel_loop3A_329, %parallel_loop3A_326 : i32
      %parallel_loop3A_331 = arith.remsi %parallel_loop3A_299, %parallel_loop3A_330 : i32
      %parallel_loop3A_332 = arith.constant 0 : i32
      %parallel_loop3A_333 = arith.cmpi ne, %parallel_loop3A_331, %parallel_loop3A_332 : i32
      %parallel_loop3A_334 = arith.constant 0 : i32
      %parallel_loop3A_335 = arith.cmpi slt, %parallel_loop3A_331, %parallel_loop3A_334 : i32
      %parallel_loop3A_336 = arith.constant 0 : i32
      %parallel_loop3A_337 = arith.cmpi slt, %parallel_loop3A_330, %parallel_loop3A_336 : i32
      %parallel_loop3A_338 = arith.xori %parallel_loop3A_335, %parallel_loop3A_337 : i1
      %parallel_loop3A_339 = arith.andi %parallel_loop3A_338, %parallel_loop3A_333 : i1
      %parallel_loop3A_340 = arith.addi %parallel_loop3A_331, %parallel_loop3A_330 : i32
      %parallel_loop3A_341 = arith.select %parallel_loop3A_339, %parallel_loop3A_340, %parallel_loop3A_331 : i32
      %parallel_loop3A_342 = arith.constant 16 : i32
      %parallel_loop3A_343 = arith.muli %parallel_loop3A_341, %parallel_loop3A_342 : i32
      %parallel_loop3A_344 = arith.addi %parallel_loop3A_325, %parallel_loop3A_343 : i32
      %parallel_loop3A_345 = arith.constant 16 : i32
      %parallel_loop3A_346 = arith.muli %parallel_loop3A_299, %parallel_loop3A_345 : i32
      %parallel_loop3A_347 = arith.index_cast %parallel_loop3A_346 : i32 to index
      %parallel_loop3A_348 = tpu.vector_load %arg5[%parallel_loop3A_347] {strides = array<i32>} : memref<512xi32, #tpu.memory_space<vmem>>, vector<16xi32>,
      %parallel_loop3A_349 = arith.addi %parallel_loop3A_348, %broadcast_in_dim3A_77 : vector<16xi32>
      %parallel_loop3A_350 = tpu.vector_load_idx %arg6[%parallel_loop3A_349] : memref<64000xf32, #tpu.memory_space<vmem>>[vector<16xi32>], vector<16xf32>,
      %parallel_loop3A_351 = arith.constant 0 : i32
      %parallel_loop3A_352 = arith.addi %parallel_loop3A_351, %parallel_loop3A_344 : i32
      %parallel_loop3A_353 = arith.index_cast %parallel_loop3A_352 : i32 to index
      %parallel_loop3A_354 = tpu.vector_load %arg7[%parallel_loop3A_353] {strides = array<i32>} : memref<32768xf32, #tpu.memory_space<vmem>>, vector<16xf32>,
      tpu.vector_store %arg7[%parallel_loop3A_353], %parallel_loop3A_350 {strides = array<i32>} : memref<32768xf32, #tpu.memory_space<vmem>>, vector<16xf32>,
      %parallel_loop3A_355 = arith.addi %parallel_loop3A_349, %broadcast_in_dim3A_66 : vector<16xi32>
      %parallel_loop3A_356 = tpu.vector_load_idx %arg6[%parallel_loop3A_355] : memref<64000xf32, #tpu.memory_space<vmem>>[vector<16xi32>], vector<16xf32>,
      %parallel_loop3A_357 = arith.constant 128 : i32
      %parallel_loop3A_358 = arith.addi %parallel_loop3A_357, %parallel_loop3A_344 : i32
      %parallel_loop3A_359 = arith.index_cast %parallel_loop3A_358 : i32 to index
      %parallel_loop3A_360 = tpu.vector_load %arg7[%parallel_loop3A_359] {strides = array<i32>} : memref<32768xf32, #tpu.memory_space<vmem>>, vector<16xf32>,
      tpu.vector_store %arg7[%parallel_loop3A_359], %parallel_loop3A_356 {strides = array<i32>} : memref<32768xf32, #tpu.memory_space<vmem>>, vector<16xf32>,
      %parallel_loop3A_361 = arith.addi %parallel_loop3A_355, %broadcast_in_dim3A_66 : vector<16xi32>
      %parallel_loop3A_362 = tpu.vector_load_idx %arg6[%parallel_loop3A_361] : memref<64000xf32, #tpu.memory_space<vmem>>[vector<16xi32>], vector<16xf32>,
      %parallel_loop3A_363 = arith.constant 256 : i32
      %parallel_loop3A_364 = arith.addi %parallel_loop3A_363, %parallel_loop3A_344 : i32
      %parallel_loop3A_365 = arith.index_cast %parallel_loop3A_364 : i32 to index
      %parallel_loop3A_366 = tpu.vector_load %arg7[%parallel_loop3A_365] {strides = array<i32>} : memref<32768xf32, #tpu.memory_space<vmem>>, vector<16xf32>,
      tpu.vector_store %arg7[%parallel_loop3A_365], %parallel_loop3A_362 {strides = array<i32>} : memref<32768xf32, #tpu.memory_space<vmem>>, vector<16xf32>,
      %parallel_loop3A_367 = arith.addi %parallel_loop3A_361, %broadcast_in_dim3A_66 : vector<16xi32>
      %parallel_loop3A_368 = tpu.vector_load_idx %arg6[%parallel_loop3A_367] : memref<64000xf32, #tpu.memory_space<vmem>>[vector<16xi32>], vector<16xf32>,
      %parallel_loop3A_369 = arith.constant 384 : i32
      %parallel_loop3A_370 = arith.addi %parallel_loop3A_369, %parallel_loop3A_344 : i32
      %parallel_loop3A_371 = arith.index_cast %parallel_loop3A_370 : i32 to index
      %parallel_loop3A_372 = tpu.vector_load %arg7[%parallel_loop3A_371] {strides = array<i32>} : memref<32768xf32, #tpu.memory_space<vmem>>, vector<16xf32>,
      tpu.vector_store %arg7[%parallel_loop3A_371], %parallel_loop3A_368 {strides = array<i32>} : memref<32768xf32, #tpu.memory_space<vmem>>, vector<16xf32>,
      %parallel_loop3A_373 = arith.addi %parallel_loop3A_367, %broadcast_in_dim3A_66 : vector<16xi32>
      %parallel_loop3A_374 = tpu.vector_load_idx %arg6[%parallel_loop3A_373] : memref<64000xf32, #tpu.memory_space<vmem>>[vector<16xi32>], vector<16xf32>,
      %parallel_loop3A_375 = arith.constant 512 : i32
      %parallel_loop3A_376 = arith.addi %parallel_loop3A_375, %parallel_loop3A_344 : i32
      %parallel_loop3A_377 = arith.index_cast %parallel_loop3A_376 : i32 to index
      %parallel_loop3A_378 = tpu.vector_load %arg7[%parallel_loop3A_377] {strides = array<i32>} : memref<32768xf32, #tpu.memory_space<vmem>>, vector<16xf32>,
      tpu.vector_store %arg7[%parallel_loop3A_377], %parallel_loop3A_374 {strides = array<i32>} : memref<32768xf32, #tpu.memory_space<vmem>>, vector<16xf32>,
      %parallel_loop3A_379 = arith.addi %parallel_loop3A_373, %broadcast_in_dim3A_66 : vector<16xi32>
      %parallel_loop3A_380 = tpu.vector_load_idx %arg6[%parallel_loop3A_379] : memref<64000xf32, #tpu.memory_space<vmem>>[vector<16xi32>], vector<16xf32>,
      %parallel_loop3A_381 = arith.constant 640 : i32
      %parallel_loop3A_382 = arith.addi %parallel_loop3A_381, %parallel_loop3A_344 : i32
      %parallel_loop3A_383 = arith.index_cast %parallel_loop3A_382 : i32 to index
      %parallel_loop3A_384 = tpu.vector_load %arg7[%parallel_loop3A_383] {strides = array<i32>} : memref<32768xf32, #tpu.memory_space<vmem>>, vector<16xf32>,
      tpu.vector_store %arg7[%parallel_loop3A_383], %parallel_loop3A_380 {strides = array<i32>} : memref<32768xf32, #tpu.memory_space<vmem>>, vector<16xf32>,
      %parallel_loop3A_385 = arith.addi %parallel_loop3A_379, %broadcast_in_dim3A_66 : vector<16xi32>
      %parallel_loop3A_386 = tpu.vector_load_idx %arg6[%parallel_loop3A_385] : memref<64000xf32, #tpu.memory_space<vmem>>[vector<16xi32>], vector<16xf32>,
      %parallel_loop3A_387 = arith.constant 768 : i32
      %parallel_loop3A_388 = arith.addi %parallel_loop3A_387, %parallel_loop3A_344 : i32
      %parallel_loop3A_389 = arith.index_cast %parallel_loop3A_388 : i32 to index
      %parallel_loop3A_390 = tpu.vector_load %arg7[%parallel_loop3A_389] {strides = array<i32>} : memref<32768xf32, #tpu.memory_space<vmem>>, vector<16xf32>,
      tpu.vector_store %arg7[%parallel_loop3A_389], %parallel_loop3A_386 {strides = array<i32>} : memref<32768xf32, #tpu.memory_space<vmem>>, vector<16xf32>,
      %parallel_loop3A_391 = arith.addi %parallel_loop3A_385, %broadcast_in_dim3A_66 : vector<16xi32>
      %parallel_loop3A_392 = tpu.vector_load_idx %arg6[%parallel_loop3A_391] : memref<64000xf32, #tpu.memory_space<vmem>>[vector<16xi32>], vector<16xf32>,
      %parallel_loop3A_393 = arith.constant 896 : i32
      %parallel_loop3A_394 = arith.addi %parallel_loop3A_393, %parallel_loop3A_344 : i32
      %parallel_loop3A_395 = arith.index_cast %parallel_loop3A_394 : i32 to index
      %parallel_loop3A_396 = tpu.vector_load %arg7[%parallel_loop3A_395] {strides = array<i32>} : memref<32768xf32, #tpu.memory_space<vmem>>, vector<16xf32>,
      tpu.vector_store %arg7[%parallel_loop3A_395], %parallel_loop3A_392 {strides = array<i32>} : memref<32768xf32, #tpu.memory_space<vmem>>, vector<16xf32>,
      %parallel_loop3A_397 = arith.addi %parallel_loop3A_391, %broadcast_in_dim3A_66 : vector<16xi32>
    } {sc.loop_unroll_factor = 2 : i64, sc.parallel_access}
    %mul3A_80 = arith.constant 1024 : i32
    %mul3A_81 = arith.muli %mul3A_68, %mul3A_80 : i32
    %add3A_82 = arith.constant 0 : i32
    %add3A_83 = arith.addi %add3A_82, %mul3A_81 : i32
    %dma_start3A_84 = arith.constant 0 : i32
    %dma_start3A_85 = tpu.memref_slice %arg7[%dma_start3A_84] : memref<32768xf32, #tpu.memory_space<vmem>> -> memref<4096xf32, #tpu.memory_space<vmem>>
    %dma_start3A_86 = tpu.memref_slice %arg4[%add3A_83] : memref<1048576xf32, #tpu.memory_space<hbm>> -> memref<4096xf32, #tpu.memory_space<hbm>>
    %dma_start3A_87 = tpu.memref_slice %arg4[%add3A_83] : memref<1048576xf32, #tpu.memory_space<hbm>> -> memref<4096xf32, #tpu.memory_space<hbm>>
    %dma_start3A_88 = arith.constant 0 : i32
    %dma_start3A_89 = tpu.memref_slice %arg7[%dma_start3A_88] : memref<32768xf32, #tpu.memory_space<vmem>> -> memref<4096xf32, #tpu.memory_space<vmem>>
    tpu.enqueue_dma source(%dma_start3A_89 : memref<4096xf32, #tpu.memory_space<vmem>>) target(%dma_start3A_87 : memref<4096xf32, #tpu.memory_space<hbm>>) target_semaphore(%arg16 : memref<!tpu.dma_semaphore, #tpu.memory_space<semaphore_mem>>)
    %dma_wait3A_90 = arith.constant 8000 : i32
    %dma_wait3A_91 = tpu.memref_slice %arg6[%dma_wait3A_90] : memref<64000xf32, #tpu.memory_space<vmem>> -> memref<8000xf32, #tpu.memory_space<vmem>>
    %dma_wait3A_92 = arith.constant 8000 : i32
    %dma_wait3A_93 = tpu.memref_slice %arg2[%dma_wait3A_92] : memref<64000xf32, #tpu.memory_space<hbm>> -> memref<8000xf32, #tpu.memory_space<hbm>>
    %dma_wait3A_94 = arith.constant 8000 : i32
    %dma_wait3A_95 = tpu.memref_slice %arg6[%dma_wait3A_94] : memref<64000xf32, #tpu.memory_space<vmem>> -> memref<8000xf32, #tpu.memory_space<vmem>>
    %dma_wait3A_96 = arith.constant 8000 : i32
    %dma_wait3A_97 = tpu.memref_slice %arg2[%dma_wait3A_96] : memref<64000xf32, #tpu.memory_space<hbm>> -> memref<8000xf32, #tpu.memory_space<hbm>>
    tpu.wait_dma2 semaphore(%arg9 : memref<!tpu.dma_semaphore, #tpu.memory_space<semaphore_mem>>) src(%dma_wait3A_97 : memref<8000xf32, #tpu.memory_space<hbm>>) dst(%dma_wait3A_95 : memref<8000xf32, #tpu.memory_space<vmem>>)
    %broadcast_in_dim3A_98 = arith.constant 8000 : i32
    %broadcast_in_dim3A_99 = vector.broadcast %broadcast_in_dim3A_98 : i32 to vector<16xi32>
    %parallel_loop3A_100 = arith.constant 0 : i32
    %parallel_loop3A_101 = arith.constant 32 : i32
    %parallel_loop3A_102 = arith.constant 1 : i32
    scf.for %parallel_loop3A_299 = %parallel_loop3A_100 to %parallel_loop3A_101 step %parallel_loop3A_102  : i32 {
      %parallel_loop3A_300 = arith.constant 8 : i32
      %parallel_loop3A_301 = arith.divsi %parallel_loop3A_299, %parallel_loop3A_300 : i32
      %parallel_loop3A_302 = arith.constant 0 : i32
      %parallel_loop3A_303 = arith.cmpi sgt, %parallel_loop3A_299, %parallel_loop3A_302 : i32
      %parallel_loop3A_304 = arith.extui %parallel_loop3A_303 : i1 to i32
      %parallel_loop3A_305 = arith.constant 0 : i32
      %parallel_loop3A_306 = arith.cmpi slt, %parallel_loop3A_299, %parallel_loop3A_305 : i32
      %parallel_loop3A_307 = arith.extui %parallel_loop3A_306 : i1 to i32
      %parallel_loop3A_308 = arith.subi %parallel_loop3A_304, %parallel_loop3A_307 : i32
      %parallel_loop3A_309 = arith.constant 0 : i32
      %parallel_loop3A_310 = arith.cmpi sgt, %parallel_loop3A_300, %parallel_loop3A_309 : i32
      %parallel_loop3A_311 = arith.extui %parallel_loop3A_310 : i1 to i32
      %parallel_loop3A_312 = arith.constant 0 : i32
      %parallel_loop3A_313 = arith.cmpi slt, %parallel_loop3A_300, %parallel_loop3A_312 : i32
      %parallel_loop3A_314 = arith.extui %parallel_loop3A_313 : i1 to i32
      %parallel_loop3A_315 = arith.subi %parallel_loop3A_311, %parallel_loop3A_314 : i32
      %parallel_loop3A_316 = arith.cmpi ne, %parallel_loop3A_308, %parallel_loop3A_315 : i32
      %parallel_loop3A_317 = arith.remsi %parallel_loop3A_299, %parallel_loop3A_300 : i32
      %parallel_loop3A_318 = arith.constant 0 : i32
      %parallel_loop3A_319 = arith.cmpi ne, %parallel_loop3A_317, %parallel_loop3A_318 : i32
      %parallel_loop3A_320 = arith.andi %parallel_loop3A_316, %parallel_loop3A_319 : i1
      %parallel_loop3A_321 = arith.constant 1 : i32
      %parallel_loop3A_322 = arith.subi %parallel_loop3A_301, %parallel_loop3A_321 : i32
      %parallel_loop3A_323 = arith.select %parallel_loop3A_320, %parallel_loop3A_322, %parallel_loop3A_301 : i32
      %parallel_loop3A_324 = arith.constant 1024 : i32
      %parallel_loop3A_325 = arith.muli %parallel_loop3A_323, %parallel_loop3A_324 : i32
      %parallel_loop3A_326 = arith.constant 8 : i32
      %parallel_loop3A_327 = arith.constant 0 : i32
      %parallel_loop3A_328 = arith.cmpi eq, %parallel_loop3A_326, %parallel_loop3A_327 : i32
      %parallel_loop3A_329 = arith.constant 1 : i32
      %parallel_loop3A_330 = arith.select %parallel_loop3A_328, %parallel_loop3A_329, %parallel_loop3A_326 : i32
      %parallel_loop3A_331 = arith.remsi %parallel_loop3A_299, %parallel_loop3A_330 : i32
      %parallel_loop3A_332 = arith.constant 0 : i32
      %parallel_loop3A_333 = arith.cmpi ne, %parallel_loop3A_331, %parallel_loop3A_332 : i32
      %parallel_loop3A_334 = arith.constant 0 : i32
      %parallel_loop3A_335 = arith.cmpi slt, %parallel_loop3A_331, %parallel_loop3A_334 : i32
      %parallel_loop3A_336 = arith.constant 0 : i32
      %parallel_loop3A_337 = arith.cmpi slt, %parallel_loop3A_330, %parallel_loop3A_336 : i32
      %parallel_loop3A_338 = arith.xori %parallel_loop3A_335, %parallel_loop3A_337 : i1
      %parallel_loop3A_339 = arith.andi %parallel_loop3A_338, %parallel_loop3A_333 : i1
      %parallel_loop3A_340 = arith.addi %parallel_loop3A_331, %parallel_loop3A_330 : i32
      %parallel_loop3A_341 = arith.select %parallel_loop3A_339, %parallel_loop3A_340, %parallel_loop3A_331 : i32
      %parallel_loop3A_342 = arith.constant 16 : i32
      %parallel_loop3A_343 = arith.muli %parallel_loop3A_341, %parallel_loop3A_342 : i32
      %parallel_loop3A_344 = arith.addi %parallel_loop3A_325, %parallel_loop3A_343 : i32
      %parallel_loop3A_345 = arith.constant 16 : i32
      %parallel_loop3A_346 = arith.muli %parallel_loop3A_299, %parallel_loop3A_345 : i32
      %parallel_loop3A_347 = arith.index_cast %parallel_loop3A_346 : i32 to index
      %parallel_loop3A_348 = tpu.vector_load %arg5[%parallel_loop3A_347] {strides = array<i32>} : memref<512xi32, #tpu.memory_space<vmem>>, vector<16xi32>,
      %parallel_loop3A_349 = arith.addi %parallel_loop3A_348, %broadcast_in_dim3A_99 : vector<16xi32>
      %parallel_loop3A_350 = tpu.vector_load_idx %arg6[%parallel_loop3A_349] : memref<64000xf32, #tpu.memory_space<vmem>>[vector<16xi32>], vector<16xf32>,
      %parallel_loop3A_351 = arith.constant 4096 : i32
      %parallel_loop3A_352 = arith.addi %parallel_loop3A_351, %parallel_loop3A_344 : i32
      %parallel_loop3A_353 = arith.index_cast %parallel_loop3A_352 : i32 to index
      %parallel_loop3A_354 = tpu.vector_load %arg7[%parallel_loop3A_353] {strides = array<i32>} : memref<32768xf32, #tpu.memory_space<vmem>>, vector<16xf32>,
      tpu.vector_store %arg7[%parallel_loop3A_353], %parallel_loop3A_350 {strides = array<i32>} : memref<32768xf32, #tpu.memory_space<vmem>>, vector<16xf32>,
      %parallel_loop3A_355 = arith.addi %parallel_loop3A_349, %broadcast_in_dim3A_66 : vector<16xi32>
      %parallel_loop3A_356 = tpu.vector_load_idx %arg6[%parallel_loop3A_355] : memref<64000xf32, #tpu.memory_space<vmem>>[vector<16xi32>], vector<16xf32>,
      %parallel_loop3A_357 = arith.constant 4224 : i32
      %parallel_loop3A_358 = arith.addi %parallel_loop3A_357, %parallel_loop3A_344 : i32
      %parallel_loop3A_359 = arith.index_cast %parallel_loop3A_358 : i32 to index
      %parallel_loop3A_360 = tpu.vector_load %arg7[%parallel_loop3A_359] {strides = array<i32>} : memref<32768xf32, #tpu.memory_space<vmem>>, vector<16xf32>,
      tpu.vector_store %arg7[%parallel_loop3A_359], %parallel_loop3A_356 {strides = array<i32>} : memref<32768xf32, #tpu.memory_space<vmem>>, vector<16xf32>,
      %parallel_loop3A_361 = arith.addi %parallel_loop3A_355, %broadcast_in_dim3A_66 : vector<16xi32>
      %parallel_loop3A_362 = tpu.vector_load_idx %arg6[%parallel_loop3A_361] : memref<64000xf32, #tpu.memory_space<vmem>>[vector<16xi32>], vector<16xf32>,
      %parallel_loop3A_363 = arith.constant 4352 : i32
      %parallel_loop3A_364 = arith.addi %parallel_loop3A_363, %parallel_loop3A_344 : i32
      %parallel_loop3A_365 = arith.index_cast %parallel_loop3A_364 : i32 to index
      %parallel_loop3A_366 = tpu.vector_load %arg7[%parallel_loop3A_365] {strides = array<i32>} : memref<32768xf32, #tpu.memory_space<vmem>>, vector<16xf32>,
      tpu.vector_store %arg7[%parallel_loop3A_365], %parallel_loop3A_362 {strides = array<i32>} : memref<32768xf32, #tpu.memory_space<vmem>>, vector<16xf32>,
      %parallel_loop3A_367 = arith.addi %parallel_loop3A_361, %broadcast_in_dim3A_66 : vector<16xi32>
      %parallel_loop3A_368 = tpu.vector_load_idx %arg6[%parallel_loop3A_367] : memref<64000xf32, #tpu.memory_space<vmem>>[vector<16xi32>], vector<16xf32>,
      %parallel_loop3A_369 = arith.constant 4480 : i32
      %parallel_loop3A_370 = arith.addi %parallel_loop3A_369, %parallel_loop3A_344 : i32
      %parallel_loop3A_371 = arith.index_cast %parallel_loop3A_370 : i32 to index
      %parallel_loop3A_372 = tpu.vector_load %arg7[%parallel_loop3A_371] {strides = array<i32>} : memref<32768xf32, #tpu.memory_space<vmem>>, vector<16xf32>,
      tpu.vector_store %arg7[%parallel_loop3A_371], %parallel_loop3A_368 {strides = array<i32>} : memref<32768xf32, #tpu.memory_space<vmem>>, vector<16xf32>,
      %parallel_loop3A_373 = arith.addi %parallel_loop3A_367, %broadcast_in_dim3A_66 : vector<16xi32>
      %parallel_loop3A_374 = tpu.vector_load_idx %arg6[%parallel_loop3A_373] : memref<64000xf32, #tpu.memory_space<vmem>>[vector<16xi32>], vector<16xf32>,
      %parallel_loop3A_375 = arith.constant 4608 : i32
      %parallel_loop3A_376 = arith.addi %parallel_loop3A_375, %parallel_loop3A_344 : i32
      %parallel_loop3A_377 = arith.index_cast %parallel_loop3A_376 : i32 to index
      %parallel_loop3A_378 = tpu.vector_load %arg7[%parallel_loop3A_377] {strides = array<i32>} : memref<32768xf32, #tpu.memory_space<vmem>>, vector<16xf32>,
      tpu.vector_store %arg7[%parallel_loop3A_377], %parallel_loop3A_374 {strides = array<i32>} : memref<32768xf32, #tpu.memory_space<vmem>>, vector<16xf32>,
      %parallel_loop3A_379 = arith.addi %parallel_loop3A_373, %broadcast_in_dim3A_66 : vector<16xi32>
      %parallel_loop3A_380 = tpu.vector_load_idx %arg6[%parallel_loop3A_379] : memref<64000xf32, #tpu.memory_space<vmem>>[vector<16xi32>], vector<16xf32>,
      %parallel_loop3A_381 = arith.constant 4736 : i32
      %parallel_loop3A_382 = arith.addi %parallel_loop3A_381, %parallel_loop3A_344 : i32
      %parallel_loop3A_383 = arith.index_cast %parallel_loop3A_382 : i32 to index
      %parallel_loop3A_384 = tpu.vector_load %arg7[%parallel_loop3A_383] {strides = array<i32>} : memref<32768xf32, #tpu.memory_space<vmem>>, vector<16xf32>,
      tpu.vector_store %arg7[%parallel_loop3A_383], %parallel_loop3A_380 {strides = array<i32>} : memref<32768xf32, #tpu.memory_space<vmem>>, vector<16xf32>,
      %parallel_loop3A_385 = arith.addi %parallel_loop3A_379, %broadcast_in_dim3A_66 : vector<16xi32>
      %parallel_loop3A_386 = tpu.vector_load_idx %arg6[%parallel_loop3A_385] : memref<64000xf32, #tpu.memory_space<vmem>>[vector<16xi32>], vector<16xf32>,
      %parallel_loop3A_387 = arith.constant 4864 : i32
      %parallel_loop3A_388 = arith.addi %parallel_loop3A_387, %parallel_loop3A_344 : i32
      %parallel_loop3A_389 = arith.index_cast %parallel_loop3A_388 : i32 to index
      %parallel_loop3A_390 = tpu.vector_load %arg7[%parallel_loop3A_389] {strides = array<i32>} : memref<32768xf32, #tpu.memory_space<vmem>>, vector<16xf32>,
      tpu.vector_store %arg7[%parallel_loop3A_389], %parallel_loop3A_386 {strides = array<i32>} : memref<32768xf32, #tpu.memory_space<vmem>>, vector<16xf32>,
      %parallel_loop3A_391 = arith.addi %parallel_loop3A_385, %broadcast_in_dim3A_66 : vector<16xi32>
      %parallel_loop3A_392 = tpu.vector_load_idx %arg6[%parallel_loop3A_391] : memref<64000xf32, #tpu.memory_space<vmem>>[vector<16xi32>], vector<16xf32>,
      %parallel_loop3A_393 = arith.constant 4992 : i32
      %parallel_loop3A_394 = arith.addi %parallel_loop3A_393, %parallel_loop3A_344 : i32
      %parallel_loop3A_395 = arith.index_cast %parallel_loop3A_394 : i32 to index
      %parallel_loop3A_396 = tpu.vector_load %arg7[%parallel_loop3A_395] {strides = array<i32>} : memref<32768xf32, #tpu.memory_space<vmem>>, vector<16xf32>,
      tpu.vector_store %arg7[%parallel_loop3A_395], %parallel_loop3A_392 {strides = array<i32>} : memref<32768xf32, #tpu.memory_space<vmem>>, vector<16xf32>,
      %parallel_loop3A_397 = arith.addi %parallel_loop3A_391, %broadcast_in_dim3A_66 : vector<16xi32>
    } {sc.loop_unroll_factor = 2 : i64, sc.parallel_access}
    %mul3A_103 = arith.constant 1024 : i32
    %mul3A_104 = arith.muli %mul3A_68, %mul3A_103 : i32
    %add3A_105 = arith.constant 131072 : i32
    %add3A_106 = arith.addi %add3A_105, %mul3A_104 : i32
    %dma_start3A_107 = arith.constant 4096 : i32
    %dma_start3A_108 = tpu.memref_slice %arg7[%dma_start3A_107] : memref<32768xf32, #tpu.memory_space<vmem>> -> memref<4096xf32, #tpu.memory_space<vmem>>
    %dma_start3A_109 = tpu.memref_slice %arg4[%add3A_106] : memref<1048576xf32, #tpu.memory_space<hbm>> -> memref<4096xf32, #tpu.memory_space<hbm>>
    %dma_start3A_110 = tpu.memref_slice %arg4[%add3A_106] : memref<1048576xf32, #tpu.memory_space<hbm>> -> memref<4096xf32, #tpu.memory_space<hbm>>
    %dma_start3A_111 = arith.constant 4096 : i32
    %dma_start3A_112 = tpu.memref_slice %arg7[%dma_start3A_111] : memref<32768xf32, #tpu.memory_space<vmem>> -> memref<4096xf32, #tpu.memory_space<vmem>>
    tpu.enqueue_dma source(%dma_start3A_112 : memref<4096xf32, #tpu.memory_space<vmem>>) target(%dma_start3A_110 : memref<4096xf32, #tpu.memory_space<hbm>>) target_semaphore(%arg17 : memref<!tpu.dma_semaphore, #tpu.memory_space<semaphore_mem>>)
    %dma_wait3A_113 = arith.constant 16000 : i32
    %dma_wait3A_114 = tpu.memref_slice %arg6[%dma_wait3A_113] : memref<64000xf32, #tpu.memory_space<vmem>> -> memref<8000xf32, #tpu.memory_space<vmem>>
    %dma_wait3A_115 = arith.constant 16000 : i32
    %dma_wait3A_116 = tpu.memref_slice %arg2[%dma_wait3A_115] : memref<64000xf32, #tpu.memory_space<hbm>> -> memref<8000xf32, #tpu.memory_space<hbm>>
    %dma_wait3A_117 = arith.constant 16000 : i32
    %dma_wait3A_118 = tpu.memref_slice %arg6[%dma_wait3A_117] : memref<64000xf32, #tpu.memory_space<vmem>> -> memref<8000xf32, #tpu.memory_space<vmem>>
    %dma_wait3A_119 = arith.constant 16000 : i32
    %dma_wait3A_120 = tpu.memref_slice %arg2[%dma_wait3A_119] : memref<64000xf32, #tpu.memory_space<hbm>> -> memref<8000xf32, #tpu.memory_space<hbm>>
    tpu.wait_dma2 semaphore(%arg10 : memref<!tpu.dma_semaphore, #tpu.memory_space<semaphore_mem>>) src(%dma_wait3A_120 : memref<8000xf32, #tpu.memory_space<hbm>>) dst(%dma_wait3A_118 : memref<8000xf32, #tpu.memory_space<vmem>>)
    %broadcast_in_dim3A_121 = arith.constant 16000 : i32
    %broadcast_in_dim3A_122 = vector.broadcast %broadcast_in_dim3A_121 : i32 to vector<16xi32>
    %parallel_loop3A_123 = arith.constant 0 : i32
    %parallel_loop3A_124 = arith.constant 32 : i32
    %parallel_loop3A_125 = arith.constant 1 : i32
    scf.for %parallel_loop3A_299 = %parallel_loop3A_123 to %parallel_loop3A_124 step %parallel_loop3A_125  : i32 {
      %parallel_loop3A_300 = arith.constant 8 : i32
      %parallel_loop3A_301 = arith.divsi %parallel_loop3A_299, %parallel_loop3A_300 : i32
      %parallel_loop3A_302 = arith.constant 0 : i32
      %parallel_loop3A_303 = arith.cmpi sgt, %parallel_loop3A_299, %parallel_loop3A_302 : i32
      %parallel_loop3A_304 = arith.extui %parallel_loop3A_303 : i1 to i32
      %parallel_loop3A_305 = arith.constant 0 : i32
      %parallel_loop3A_306 = arith.cmpi slt, %parallel_loop3A_299, %parallel_loop3A_305 : i32
      %parallel_loop3A_307 = arith.extui %parallel_loop3A_306 : i1 to i32
      %parallel_loop3A_308 = arith.subi %parallel_loop3A_304, %parallel_loop3A_307 : i32
      %parallel_loop3A_309 = arith.constant 0 : i32
      %parallel_loop3A_310 = arith.cmpi sgt, %parallel_loop3A_300, %parallel_loop3A_309 : i32
      %parallel_loop3A_311 = arith.extui %parallel_loop3A_310 : i1 to i32
      %parallel_loop3A_312 = arith.constant 0 : i32
      %parallel_loop3A_313 = arith.cmpi slt, %parallel_loop3A_300, %parallel_loop3A_312 : i32
      %parallel_loop3A_314 = arith.extui %parallel_loop3A_313 : i1 to i32
      %parallel_loop3A_315 = arith.subi %parallel_loop3A_311, %parallel_loop3A_314 : i32
      %parallel_loop3A_316 = arith.cmpi ne, %parallel_loop3A_308, %parallel_loop3A_315 : i32
      %parallel_loop3A_317 = arith.remsi %parallel_loop3A_299, %parallel_loop3A_300 : i32
      %parallel_loop3A_318 = arith.constant 0 : i32
      %parallel_loop3A_319 = arith.cmpi ne, %parallel_loop3A_317, %parallel_loop3A_318 : i32
      %parallel_loop3A_320 = arith.andi %parallel_loop3A_316, %parallel_loop3A_319 : i1
      %parallel_loop3A_321 = arith.constant 1 : i32
      %parallel_loop3A_322 = arith.subi %parallel_loop3A_301, %parallel_loop3A_321 : i32
      %parallel_loop3A_323 = arith.select %parallel_loop3A_320, %parallel_loop3A_322, %parallel_loop3A_301 : i32
      %parallel_loop3A_324 = arith.constant 1024 : i32
      %parallel_loop3A_325 = arith.muli %parallel_loop3A_323, %parallel_loop3A_324 : i32
      %parallel_loop3A_326 = arith.constant 8 : i32
      %parallel_loop3A_327 = arith.constant 0 : i32
      %parallel_loop3A_328 = arith.cmpi eq, %parallel_loop3A_326, %parallel_loop3A_327 : i32
      %parallel_loop3A_329 = arith.constant 1 : i32
      %parallel_loop3A_330 = arith.select %parallel_loop3A_328, %parallel_loop3A_329, %parallel_loop3A_326 : i32
      %parallel_loop3A_331 = arith.remsi %parallel_loop3A_299, %parallel_loop3A_330 : i32
      %parallel_loop3A_332 = arith.constant 0 : i32
      %parallel_loop3A_333 = arith.cmpi ne, %parallel_loop3A_331, %parallel_loop3A_332 : i32
      %parallel_loop3A_334 = arith.constant 0 : i32
      %parallel_loop3A_335 = arith.cmpi slt, %parallel_loop3A_331, %parallel_loop3A_334 : i32
      %parallel_loop3A_336 = arith.constant 0 : i32
      %parallel_loop3A_337 = arith.cmpi slt, %parallel_loop3A_330, %parallel_loop3A_336 : i32
      %parallel_loop3A_338 = arith.xori %parallel_loop3A_335, %parallel_loop3A_337 : i1
      %parallel_loop3A_339 = arith.andi %parallel_loop3A_338, %parallel_loop3A_333 : i1
      %parallel_loop3A_340 = arith.addi %parallel_loop3A_331, %parallel_loop3A_330 : i32
      %parallel_loop3A_341 = arith.select %parallel_loop3A_339, %parallel_loop3A_340, %parallel_loop3A_331 : i32
      %parallel_loop3A_342 = arith.constant 16 : i32
      %parallel_loop3A_343 = arith.muli %parallel_loop3A_341, %parallel_loop3A_342 : i32
      %parallel_loop3A_344 = arith.addi %parallel_loop3A_325, %parallel_loop3A_343 : i32
      %parallel_loop3A_345 = arith.constant 16 : i32
      %parallel_loop3A_346 = arith.muli %parallel_loop3A_299, %parallel_loop3A_345 : i32
      %parallel_loop3A_347 = arith.index_cast %parallel_loop3A_346 : i32 to index
      %parallel_loop3A_348 = tpu.vector_load %arg5[%parallel_loop3A_347] {strides = array<i32>} : memref<512xi32, #tpu.memory_space<vmem>>, vector<16xi32>,
      %parallel_loop3A_349 = arith.addi %parallel_loop3A_348, %broadcast_in_dim3A_122 : vector<16xi32>
      %parallel_loop3A_350 = tpu.vector_load_idx %arg6[%parallel_loop3A_349] : memref<64000xf32, #tpu.memory_space<vmem>>[vector<16xi32>], vector<16xf32>,
      %parallel_loop3A_351 = arith.constant 8192 : i32
      %parallel_loop3A_352 = arith.addi %parallel_loop3A_351, %parallel_loop3A_344 : i32
      %parallel_loop3A_353 = arith.index_cast %parallel_loop3A_352 : i32 to index
      %parallel_loop3A_354 = tpu.vector_load %arg7[%parallel_loop3A_353] {strides = array<i32>} : memref<32768xf32, #tpu.memory_space<vmem>>, vector<16xf32>,
      tpu.vector_store %arg7[%parallel_loop3A_353], %parallel_loop3A_350 {strides = array<i32>} : memref<32768xf32, #tpu.memory_space<vmem>>, vector<16xf32>,
      %parallel_loop3A_355 = arith.addi %parallel_loop3A_349, %broadcast_in_dim3A_66 : vector<16xi32>
      %parallel_loop3A_356 = tpu.vector_load_idx %arg6[%parallel_loop3A_355] : memref<64000xf32, #tpu.memory_space<vmem>>[vector<16xi32>], vector<16xf32>,
      %parallel_loop3A_357 = arith.constant 8320 : i32
      %parallel_loop3A_358 = arith.addi %parallel_loop3A_357, %parallel_loop3A_344 : i32
      %parallel_loop3A_359 = arith.index_cast %parallel_loop3A_358 : i32 to index
      %parallel_loop3A_360 = tpu.vector_load %arg7[%parallel_loop3A_359] {strides = array<i32>} : memref<32768xf32, #tpu.memory_space<vmem>>, vector<16xf32>,
      tpu.vector_store %arg7[%parallel_loop3A_359], %parallel_loop3A_356 {strides = array<i32>} : memref<32768xf32, #tpu.memory_space<vmem>>, vector<16xf32>,
      %parallel_loop3A_361 = arith.addi %parallel_loop3A_355, %broadcast_in_dim3A_66 : vector<16xi32>
      %parallel_loop3A_362 = tpu.vector_load_idx %arg6[%parallel_loop3A_361] : memref<64000xf32, #tpu.memory_space<vmem>>[vector<16xi32>], vector<16xf32>,
      %parallel_loop3A_363 = arith.constant 8448 : i32
      %parallel_loop3A_364 = arith.addi %parallel_loop3A_363, %parallel_loop3A_344 : i32
      %parallel_loop3A_365 = arith.index_cast %parallel_loop3A_364 : i32 to index
      %parallel_loop3A_366 = tpu.vector_load %arg7[%parallel_loop3A_365] {strides = array<i32>} : memref<32768xf32, #tpu.memory_space<vmem>>, vector<16xf32>,
      tpu.vector_store %arg7[%parallel_loop3A_365], %parallel_loop3A_362 {strides = array<i32>} : memref<32768xf32, #tpu.memory_space<vmem>>, vector<16xf32>,
      %parallel_loop3A_367 = arith.addi %parallel_loop3A_361, %broadcast_in_dim3A_66 : vector<16xi32>
      %parallel_loop3A_368 = tpu.vector_load_idx %arg6[%parallel_loop3A_367] : memref<64000xf32, #tpu.memory_space<vmem>>[vector<16xi32>], vector<16xf32>,
      %parallel_loop3A_369 = arith.constant 8576 : i32
      %parallel_loop3A_370 = arith.addi %parallel_loop3A_369, %parallel_loop3A_344 : i32
      %parallel_loop3A_371 = arith.index_cast %parallel_loop3A_370 : i32 to index
      %parallel_loop3A_372 = tpu.vector_load %arg7[%parallel_loop3A_371] {strides = array<i32>} : memref<32768xf32, #tpu.memory_space<vmem>>, vector<16xf32>,
      tpu.vector_store %arg7[%parallel_loop3A_371], %parallel_loop3A_368 {strides = array<i32>} : memref<32768xf32, #tpu.memory_space<vmem>>, vector<16xf32>,
      %parallel_loop3A_373 = arith.addi %parallel_loop3A_367, %broadcast_in_dim3A_66 : vector<16xi32>
      %parallel_loop3A_374 = tpu.vector_load_idx %arg6[%parallel_loop3A_373] : memref<64000xf32, #tpu.memory_space<vmem>>[vector<16xi32>], vector<16xf32>,
      %parallel_loop3A_375 = arith.constant 8704 : i32
      %parallel_loop3A_376 = arith.addi %parallel_loop3A_375, %parallel_loop3A_344 : i32
      %parallel_loop3A_377 = arith.index_cast %parallel_loop3A_376 : i32 to index
      %parallel_loop3A_378 = tpu.vector_load %arg7[%parallel_loop3A_377] {strides = array<i32>} : memref<32768xf32, #tpu.memory_space<vmem>>, vector<16xf32>,
      tpu.vector_store %arg7[%parallel_loop3A_377], %parallel_loop3A_374 {strides = array<i32>} : memref<32768xf32, #tpu.memory_space<vmem>>, vector<16xf32>,
      %parallel_loop3A_379 = arith.addi %parallel_loop3A_373, %broadcast_in_dim3A_66 : vector<16xi32>
      %parallel_loop3A_380 = tpu.vector_load_idx %arg6[%parallel_loop3A_379] : memref<64000xf32, #tpu.memory_space<vmem>>[vector<16xi32>], vector<16xf32>,
      %parallel_loop3A_381 = arith.constant 8832 : i32
      %parallel_loop3A_382 = arith.addi %parallel_loop3A_381, %parallel_loop3A_344 : i32
      %parallel_loop3A_383 = arith.index_cast %parallel_loop3A_382 : i32 to index
      %parallel_loop3A_384 = tpu.vector_load %arg7[%parallel_loop3A_383] {strides = array<i32>} : memref<32768xf32, #tpu.memory_space<vmem>>, vector<16xf32>,
      tpu.vector_store %arg7[%parallel_loop3A_383], %parallel_loop3A_380 {strides = array<i32>} : memref<32768xf32, #tpu.memory_space<vmem>>, vector<16xf32>,
      %parallel_loop3A_385 = arith.addi %parallel_loop3A_379, %broadcast_in_dim3A_66 : vector<16xi32>
      %parallel_loop3A_386 = tpu.vector_load_idx %arg6[%parallel_loop3A_385] : memref<64000xf32, #tpu.memory_space<vmem>>[vector<16xi32>], vector<16xf32>,
      %parallel_loop3A_387 = arith.constant 8960 : i32
      %parallel_loop3A_388 = arith.addi %parallel_loop3A_387, %parallel_loop3A_344 : i32
      %parallel_loop3A_389 = arith.index_cast %parallel_loop3A_388 : i32 to index
      %parallel_loop3A_390 = tpu.vector_load %arg7[%parallel_loop3A_389] {strides = array<i32>} : memref<32768xf32, #tpu.memory_space<vmem>>, vector<16xf32>,
      tpu.vector_store %arg7[%parallel_loop3A_389], %parallel_loop3A_386 {strides = array<i32>} : memref<32768xf32, #tpu.memory_space<vmem>>, vector<16xf32>,
      %parallel_loop3A_391 = arith.addi %parallel_loop3A_385, %broadcast_in_dim3A_66 : vector<16xi32>
      %parallel_loop3A_392 = tpu.vector_load_idx %arg6[%parallel_loop3A_391] : memref<64000xf32, #tpu.memory_space<vmem>>[vector<16xi32>], vector<16xf32>,
      %parallel_loop3A_393 = arith.constant 9088 : i32
      %parallel_loop3A_394 = arith.addi %parallel_loop3A_393, %parallel_loop3A_344 : i32
      %parallel_loop3A_395 = arith.index_cast %parallel_loop3A_394 : i32 to index
      %parallel_loop3A_396 = tpu.vector_load %arg7[%parallel_loop3A_395] {strides = array<i32>} : memref<32768xf32, #tpu.memory_space<vmem>>, vector<16xf32>,
      tpu.vector_store %arg7[%parallel_loop3A_395], %parallel_loop3A_392 {strides = array<i32>} : memref<32768xf32, #tpu.memory_space<vmem>>, vector<16xf32>,
      %parallel_loop3A_397 = arith.addi %parallel_loop3A_391, %broadcast_in_dim3A_66 : vector<16xi32>
    } {sc.loop_unroll_factor = 2 : i64, sc.parallel_access}
    %mul3A_126 = arith.constant 1024 : i32
    %mul3A_127 = arith.muli %mul3A_68, %mul3A_126 : i32
    %add3A_128 = arith.constant 262144 : i32
    %add3A_129 = arith.addi %add3A_128, %mul3A_127 : i32
    %dma_start3A_130 = arith.constant 8192 : i32
    %dma_start3A_131 = tpu.memref_slice %arg7[%dma_start3A_130] : memref<32768xf32, #tpu.memory_space<vmem>> -> memref<4096xf32, #tpu.memory_space<vmem>>
    %dma_start3A_132 = tpu.memref_slice %arg4[%add3A_129] : memref<1048576xf32, #tpu.memory_space<hbm>> -> memref<4096xf32, #tpu.memory_space<hbm>>
    %dma_start3A_133 = tpu.memref_slice %arg4[%add3A_129] : memref<1048576xf32, #tpu.memory_space<hbm>> -> memref<4096xf32, #tpu.memory_space<hbm>>
    %dma_start3A_134 = arith.constant 8192 : i32
    %dma_start3A_135 = tpu.memref_slice %arg7[%dma_start3A_134] : memref<32768xf32, #tpu.memory_space<vmem>> -> memref<4096xf32, #tpu.memory_space<vmem>>
    tpu.enqueue_dma source(%dma_start3A_135 : memref<4096xf32, #tpu.memory_space<vmem>>) target(%dma_start3A_133 : memref<4096xf32, #tpu.memory_space<hbm>>) target_semaphore(%arg18 : memref<!tpu.dma_semaphore, #tpu.memory_space<semaphore_mem>>)
    %dma_wait3A_136 = arith.constant 24000 : i32
    %dma_wait3A_137 = tpu.memref_slice %arg6[%dma_wait3A_136] : memref<64000xf32, #tpu.memory_space<vmem>> -> memref<8000xf32, #tpu.memory_space<vmem>>
    %dma_wait3A_138 = arith.constant 24000 : i32
    %dma_wait3A_139 = tpu.memref_slice %arg2[%dma_wait3A_138] : memref<64000xf32, #tpu.memory_space<hbm>> -> memref<8000xf32, #tpu.memory_space<hbm>>
    %dma_wait3A_140 = arith.constant 24000 : i32
    %dma_wait3A_141 = tpu.memref_slice %arg6[%dma_wait3A_140] : memref<64000xf32, #tpu.memory_space<vmem>> -> memref<8000xf32, #tpu.memory_space<vmem>>
    %dma_wait3A_142 = arith.constant 24000 : i32
    %dma_wait3A_143 = tpu.memref_slice %arg2[%dma_wait3A_142] : memref<64000xf32, #tpu.memory_space<hbm>> -> memref<8000xf32, #tpu.memory_space<hbm>>
    tpu.wait_dma2 semaphore(%arg11 : memref<!tpu.dma_semaphore, #tpu.memory_space<semaphore_mem>>) src(%dma_wait3A_143 : memref<8000xf32, #tpu.memory_space<hbm>>) dst(%dma_wait3A_141 : memref<8000xf32, #tpu.memory_space<vmem>>)
    %broadcast_in_dim3A_144 = arith.constant 24000 : i32
    %broadcast_in_dim3A_145 = vector.broadcast %broadcast_in_dim3A_144 : i32 to vector<16xi32>
    %parallel_loop3A_146 = arith.constant 0 : i32
    %parallel_loop3A_147 = arith.constant 32 : i32
    %parallel_loop3A_148 = arith.constant 1 : i32
    scf.for %parallel_loop3A_299 = %parallel_loop3A_146 to %parallel_loop3A_147 step %parallel_loop3A_148  : i32 {
      %parallel_loop3A_300 = arith.constant 8 : i32
      %parallel_loop3A_301 = arith.divsi %parallel_loop3A_299, %parallel_loop3A_300 : i32
      %parallel_loop3A_302 = arith.constant 0 : i32
      %parallel_loop3A_303 = arith.cmpi sgt, %parallel_loop3A_299, %parallel_loop3A_302 : i32
      %parallel_loop3A_304 = arith.extui %parallel_loop3A_303 : i1 to i32
      %parallel_loop3A_305 = arith.constant 0 : i32
      %parallel_loop3A_306 = arith.cmpi slt, %parallel_loop3A_299, %parallel_loop3A_305 : i32
      %parallel_loop3A_307 = arith.extui %parallel_loop3A_306 : i1 to i32
      %parallel_loop3A_308 = arith.subi %parallel_loop3A_304, %parallel_loop3A_307 : i32
      %parallel_loop3A_309 = arith.constant 0 : i32
      %parallel_loop3A_310 = arith.cmpi sgt, %parallel_loop3A_300, %parallel_loop3A_309 : i32
      %parallel_loop3A_311 = arith.extui %parallel_loop3A_310 : i1 to i32
      %parallel_loop3A_312 = arith.constant 0 : i32
      %parallel_loop3A_313 = arith.cmpi slt, %parallel_loop3A_300, %parallel_loop3A_312 : i32
      %parallel_loop3A_314 = arith.extui %parallel_loop3A_313 : i1 to i32
      %parallel_loop3A_315 = arith.subi %parallel_loop3A_311, %parallel_loop3A_314 : i32
      %parallel_loop3A_316 = arith.cmpi ne, %parallel_loop3A_308, %parallel_loop3A_315 : i32
      %parallel_loop3A_317 = arith.remsi %parallel_loop3A_299, %parallel_loop3A_300 : i32
      %parallel_loop3A_318 = arith.constant 0 : i32
      %parallel_loop3A_319 = arith.cmpi ne, %parallel_loop3A_317, %parallel_loop3A_318 : i32
      %parallel_loop3A_320 = arith.andi %parallel_loop3A_316, %parallel_loop3A_319 : i1
      %parallel_loop3A_321 = arith.constant 1 : i32
      %parallel_loop3A_322 = arith.subi %parallel_loop3A_301, %parallel_loop3A_321 : i32
      %parallel_loop3A_323 = arith.select %parallel_loop3A_320, %parallel_loop3A_322, %parallel_loop3A_301 : i32
      %parallel_loop3A_324 = arith.constant 1024 : i32
      %parallel_loop3A_325 = arith.muli %parallel_loop3A_323, %parallel_loop3A_324 : i32
      %parallel_loop3A_326 = arith.constant 8 : i32
      %parallel_loop3A_327 = arith.constant 0 : i32
      %parallel_loop3A_328 = arith.cmpi eq, %parallel_loop3A_326, %parallel_loop3A_327 : i32
      %parallel_loop3A_329 = arith.constant 1 : i32
      %parallel_loop3A_330 = arith.select %parallel_loop3A_328, %parallel_loop3A_329, %parallel_loop3A_326 : i32
      %parallel_loop3A_331 = arith.remsi %parallel_loop3A_299, %parallel_loop3A_330 : i32
      %parallel_loop3A_332 = arith.constant 0 : i32
      %parallel_loop3A_333 = arith.cmpi ne, %parallel_loop3A_331, %parallel_loop3A_332 : i32
      %parallel_loop3A_334 = arith.constant 0 : i32
      %parallel_loop3A_335 = arith.cmpi slt, %parallel_loop3A_331, %parallel_loop3A_334 : i32
      %parallel_loop3A_336 = arith.constant 0 : i32
      %parallel_loop3A_337 = arith.cmpi slt, %parallel_loop3A_330, %parallel_loop3A_336 : i32
      %parallel_loop3A_338 = arith.xori %parallel_loop3A_335, %parallel_loop3A_337 : i1
      %parallel_loop3A_339 = arith.andi %parallel_loop3A_338, %parallel_loop3A_333 : i1
      %parallel_loop3A_340 = arith.addi %parallel_loop3A_331, %parallel_loop3A_330 : i32
      %parallel_loop3A_341 = arith.select %parallel_loop3A_339, %parallel_loop3A_340, %parallel_loop3A_331 : i32
      %parallel_loop3A_342 = arith.constant 16 : i32
      %parallel_loop3A_343 = arith.muli %parallel_loop3A_341, %parallel_loop3A_342 : i32
      %parallel_loop3A_344 = arith.addi %parallel_loop3A_325, %parallel_loop3A_343 : i32
      %parallel_loop3A_345 = arith.constant 16 : i32
      %parallel_loop3A_346 = arith.muli %parallel_loop3A_299, %parallel_loop3A_345 : i32
      %parallel_loop3A_347 = arith.index_cast %parallel_loop3A_346 : i32 to index
      %parallel_loop3A_348 = tpu.vector_load %arg5[%parallel_loop3A_347] {strides = array<i32>} : memref<512xi32, #tpu.memory_space<vmem>>, vector<16xi32>,
      %parallel_loop3A_349 = arith.addi %parallel_loop3A_348, %broadcast_in_dim3A_145 : vector<16xi32>
      %parallel_loop3A_350 = tpu.vector_load_idx %arg6[%parallel_loop3A_349] : memref<64000xf32, #tpu.memory_space<vmem>>[vector<16xi32>], vector<16xf32>,
      %parallel_loop3A_351 = arith.constant 12288 : i32
      %parallel_loop3A_352 = arith.addi %parallel_loop3A_351, %parallel_loop3A_344 : i32
      %parallel_loop3A_353 = arith.index_cast %parallel_loop3A_352 : i32 to index
      %parallel_loop3A_354 = tpu.vector_load %arg7[%parallel_loop3A_353] {strides = array<i32>} : memref<32768xf32, #tpu.memory_space<vmem>>, vector<16xf32>,
      tpu.vector_store %arg7[%parallel_loop3A_353], %parallel_loop3A_350 {strides = array<i32>} : memref<32768xf32, #tpu.memory_space<vmem>>, vector<16xf32>,
      %parallel_loop3A_355 = arith.addi %parallel_loop3A_349, %broadcast_in_dim3A_66 : vector<16xi32>
      %parallel_loop3A_356 = tpu.vector_load_idx %arg6[%parallel_loop3A_355] : memref<64000xf32, #tpu.memory_space<vmem>>[vector<16xi32>], vector<16xf32>,
      %parallel_loop3A_357 = arith.constant 12416 : i32
      %parallel_loop3A_358 = arith.addi %parallel_loop3A_357, %parallel_loop3A_344 : i32
      %parallel_loop3A_359 = arith.index_cast %parallel_loop3A_358 : i32 to index
      %parallel_loop3A_360 = tpu.vector_load %arg7[%parallel_loop3A_359] {strides = array<i32>} : memref<32768xf32, #tpu.memory_space<vmem>>, vector<16xf32>,
      tpu.vector_store %arg7[%parallel_loop3A_359], %parallel_loop3A_356 {strides = array<i32>} : memref<32768xf32, #tpu.memory_space<vmem>>, vector<16xf32>,
      %parallel_loop3A_361 = arith.addi %parallel_loop3A_355, %broadcast_in_dim3A_66 : vector<16xi32>
      %parallel_loop3A_362 = tpu.vector_load_idx %arg6[%parallel_loop3A_361] : memref<64000xf32, #tpu.memory_space<vmem>>[vector<16xi32>], vector<16xf32>,
      %parallel_loop3A_363 = arith.constant 12544 : i32
      %parallel_loop3A_364 = arith.addi %parallel_loop3A_363, %parallel_loop3A_344 : i32
      %parallel_loop3A_365 = arith.index_cast %parallel_loop3A_364 : i32 to index
      %parallel_loop3A_366 = tpu.vector_load %arg7[%parallel_loop3A_365] {strides = array<i32>} : memref<32768xf32, #tpu.memory_space<vmem>>, vector<16xf32>,
      tpu.vector_store %arg7[%parallel_loop3A_365], %parallel_loop3A_362 {strides = array<i32>} : memref<32768xf32, #tpu.memory_space<vmem>>, vector<16xf32>,
      %parallel_loop3A_367 = arith.addi %parallel_loop3A_361, %broadcast_in_dim3A_66 : vector<16xi32>
      %parallel_loop3A_368 = tpu.vector_load_idx %arg6[%parallel_loop3A_367] : memref<64000xf32, #tpu.memory_space<vmem>>[vector<16xi32>], vector<16xf32>,
      %parallel_loop3A_369 = arith.constant 12672 : i32
      %parallel_loop3A_370 = arith.addi %parallel_loop3A_369, %parallel_loop3A_344 : i32
      %parallel_loop3A_371 = arith.index_cast %parallel_loop3A_370 : i32 to index
      %parallel_loop3A_372 = tpu.vector_load %arg7[%parallel_loop3A_371] {strides = array<i32>} : memref<32768xf32, #tpu.memory_space<vmem>>, vector<16xf32>,
      tpu.vector_store %arg7[%parallel_loop3A_371], %parallel_loop3A_368 {strides = array<i32>} : memref<32768xf32, #tpu.memory_space<vmem>>, vector<16xf32>,
      %parallel_loop3A_373 = arith.addi %parallel_loop3A_367, %broadcast_in_dim3A_66 : vector<16xi32>
      %parallel_loop3A_374 = tpu.vector_load_idx %arg6[%parallel_loop3A_373] : memref<64000xf32, #tpu.memory_space<vmem>>[vector<16xi32>], vector<16xf32>,
      %parallel_loop3A_375 = arith.constant 12800 : i32
      %parallel_loop3A_376 = arith.addi %parallel_loop3A_375, %parallel_loop3A_344 : i32
      %parallel_loop3A_377 = arith.index_cast %parallel_loop3A_376 : i32 to index
      %parallel_loop3A_378 = tpu.vector_load %arg7[%parallel_loop3A_377] {strides = array<i32>} : memref<32768xf32, #tpu.memory_space<vmem>>, vector<16xf32>,
      tpu.vector_store %arg7[%parallel_loop3A_377], %parallel_loop3A_374 {strides = array<i32>} : memref<32768xf32, #tpu.memory_space<vmem>>, vector<16xf32>,
      %parallel_loop3A_379 = arith.addi %parallel_loop3A_373, %broadcast_in_dim3A_66 : vector<16xi32>
      %parallel_loop3A_380 = tpu.vector_load_idx %arg6[%parallel_loop3A_379] : memref<64000xf32, #tpu.memory_space<vmem>>[vector<16xi32>], vector<16xf32>,
      %parallel_loop3A_381 = arith.constant 12928 : i32
      %parallel_loop3A_382 = arith.addi %parallel_loop3A_381, %parallel_loop3A_344 : i32
      %parallel_loop3A_383 = arith.index_cast %parallel_loop3A_382 : i32 to index
      %parallel_loop3A_384 = tpu.vector_load %arg7[%parallel_loop3A_383] {strides = array<i32>} : memref<32768xf32, #tpu.memory_space<vmem>>, vector<16xf32>,
      tpu.vector_store %arg7[%parallel_loop3A_383], %parallel_loop3A_380 {strides = array<i32>} : memref<32768xf32, #tpu.memory_space<vmem>>, vector<16xf32>,
      %parallel_loop3A_385 = arith.addi %parallel_loop3A_379, %broadcast_in_dim3A_66 : vector<16xi32>
      %parallel_loop3A_386 = tpu.vector_load_idx %arg6[%parallel_loop3A_385] : memref<64000xf32, #tpu.memory_space<vmem>>[vector<16xi32>], vector<16xf32>,
      %parallel_loop3A_387 = arith.constant 13056 : i32
      %parallel_loop3A_388 = arith.addi %parallel_loop3A_387, %parallel_loop3A_344 : i32
      %parallel_loop3A_389 = arith.index_cast %parallel_loop3A_388 : i32 to index
      %parallel_loop3A_390 = tpu.vector_load %arg7[%parallel_loop3A_389] {strides = array<i32>} : memref<32768xf32, #tpu.memory_space<vmem>>, vector<16xf32>,
      tpu.vector_store %arg7[%parallel_loop3A_389], %parallel_loop3A_386 {strides = array<i32>} : memref<32768xf32, #tpu.memory_space<vmem>>, vector<16xf32>,
      %parallel_loop3A_391 = arith.addi %parallel_loop3A_385, %broadcast_in_dim3A_66 : vector<16xi32>
      %parallel_loop3A_392 = tpu.vector_load_idx %arg6[%parallel_loop3A_391] : memref<64000xf32, #tpu.memory_space<vmem>>[vector<16xi32>], vector<16xf32>,
      %parallel_loop3A_393 = arith.constant 13184 : i32
      %parallel_loop3A_394 = arith.addi %parallel_loop3A_393, %parallel_loop3A_344 : i32
      %parallel_loop3A_395 = arith.index_cast %parallel_loop3A_394 : i32 to index
      %parallel_loop3A_396 = tpu.vector_load %arg7[%parallel_loop3A_395] {strides = array<i32>} : memref<32768xf32, #tpu.memory_space<vmem>>, vector<16xf32>,
      tpu.vector_store %arg7[%parallel_loop3A_395], %parallel_loop3A_392 {strides = array<i32>} : memref<32768xf32, #tpu.memory_space<vmem>>, vector<16xf32>,
      %parallel_loop3A_397 = arith.addi %parallel_loop3A_391, %broadcast_in_dim3A_66 : vector<16xi32>
    } {sc.loop_unroll_factor = 2 : i64, sc.parallel_access}
    %mul3A_149 = arith.constant 1024 : i32
    %mul3A_150 = arith.muli %mul3A_68, %mul3A_149 : i32
    %add3A_151 = arith.constant 393216 : i32
    %add3A_152 = arith.addi %add3A_151, %mul3A_150 : i32
    %dma_start3A_153 = arith.constant 12288 : i32
    %dma_start3A_154 = tpu.memref_slice %arg7[%dma_start3A_153] : memref<32768xf32, #tpu.memory_space<vmem>> -> memref<4096xf32, #tpu.memory_space<vmem>>
    %dma_start3A_155 = tpu.memref_slice %arg4[%add3A_152] : memref<1048576xf32, #tpu.memory_space<hbm>> -> memref<4096xf32, #tpu.memory_space<hbm>>
    %dma_start3A_156 = tpu.memref_slice %arg4[%add3A_152] : memref<1048576xf32, #tpu.memory_space<hbm>> -> memref<4096xf32, #tpu.memory_space<hbm>>
    %dma_start3A_157 = arith.constant 12288 : i32
    %dma_start3A_158 = tpu.memref_slice %arg7[%dma_start3A_157] : memref<32768xf32, #tpu.memory_space<vmem>> -> memref<4096xf32, #tpu.memory_space<vmem>>
    tpu.enqueue_dma source(%dma_start3A_158 : memref<4096xf32, #tpu.memory_space<vmem>>) target(%dma_start3A_156 : memref<4096xf32, #tpu.memory_space<hbm>>) target_semaphore(%arg19 : memref<!tpu.dma_semaphore, #tpu.memory_space<semaphore_mem>>)
    %dma_wait3A_159 = arith.constant 32000 : i32
    %dma_wait3A_160 = tpu.memref_slice %arg6[%dma_wait3A_159] : memref<64000xf32, #tpu.memory_space<vmem>> -> memref<8000xf32, #tpu.memory_space<vmem>>
    %dma_wait3A_161 = arith.constant 32000 : i32
    %dma_wait3A_162 = tpu.memref_slice %arg2[%dma_wait3A_161] : memref<64000xf32, #tpu.memory_space<hbm>> -> memref<8000xf32, #tpu.memory_space<hbm>>
    %dma_wait3A_163 = arith.constant 32000 : i32
    %dma_wait3A_164 = tpu.memref_slice %arg6[%dma_wait3A_163] : memref<64000xf32, #tpu.memory_space<vmem>> -> memref<8000xf32, #tpu.memory_space<vmem>>
    %dma_wait3A_165 = arith.constant 32000 : i32
    %dma_wait3A_166 = tpu.memref_slice %arg2[%dma_wait3A_165] : memref<64000xf32, #tpu.memory_space<hbm>> -> memref<8000xf32, #tpu.memory_space<hbm>>
    tpu.wait_dma2 semaphore(%arg12 : memref<!tpu.dma_semaphore, #tpu.memory_space<semaphore_mem>>) src(%dma_wait3A_166 : memref<8000xf32, #tpu.memory_space<hbm>>) dst(%dma_wait3A_164 : memref<8000xf32, #tpu.memory_space<vmem>>)
    %broadcast_in_dim3A_167 = arith.constant 32000 : i32
    %broadcast_in_dim3A_168 = vector.broadcast %broadcast_in_dim3A_167 : i32 to vector<16xi32>
    %parallel_loop3A_169 = arith.constant 0 : i32
    %parallel_loop3A_170 = arith.constant 32 : i32
    %parallel_loop3A_171 = arith.constant 1 : i32
    scf.for %parallel_loop3A_299 = %parallel_loop3A_169 to %parallel_loop3A_170 step %parallel_loop3A_171  : i32 {
      %parallel_loop3A_300 = arith.constant 8 : i32
      %parallel_loop3A_301 = arith.divsi %parallel_loop3A_299, %parallel_loop3A_300 : i32
      %parallel_loop3A_302 = arith.constant 0 : i32
      %parallel_loop3A_303 = arith.cmpi sgt, %parallel_loop3A_299, %parallel_loop3A_302 : i32
      %parallel_loop3A_304 = arith.extui %parallel_loop3A_303 : i1 to i32
      %parallel_loop3A_305 = arith.constant 0 : i32
      %parallel_loop3A_306 = arith.cmpi slt, %parallel_loop3A_299, %parallel_loop3A_305 : i32
      %parallel_loop3A_307 = arith.extui %parallel_loop3A_306 : i1 to i32
      %parallel_loop3A_308 = arith.subi %parallel_loop3A_304, %parallel_loop3A_307 : i32
      %parallel_loop3A_309 = arith.constant 0 : i32
      %parallel_loop3A_310 = arith.cmpi sgt, %parallel_loop3A_300, %parallel_loop3A_309 : i32
      %parallel_loop3A_311 = arith.extui %parallel_loop3A_310 : i1 to i32
      %parallel_loop3A_312 = arith.constant 0 : i32
      %parallel_loop3A_313 = arith.cmpi slt, %parallel_loop3A_300, %parallel_loop3A_312 : i32
      %parallel_loop3A_314 = arith.extui %parallel_loop3A_313 : i1 to i32
      %parallel_loop3A_315 = arith.subi %parallel_loop3A_311, %parallel_loop3A_314 : i32
      %parallel_loop3A_316 = arith.cmpi ne, %parallel_loop3A_308, %parallel_loop3A_315 : i32
      %parallel_loop3A_317 = arith.remsi %parallel_loop3A_299, %parallel_loop3A_300 : i32
      %parallel_loop3A_318 = arith.constant 0 : i32
      %parallel_loop3A_319 = arith.cmpi ne, %parallel_loop3A_317, %parallel_loop3A_318 : i32
      %parallel_loop3A_320 = arith.andi %parallel_loop3A_316, %parallel_loop3A_319 : i1
      %parallel_loop3A_321 = arith.constant 1 : i32
      %parallel_loop3A_322 = arith.subi %parallel_loop3A_301, %parallel_loop3A_321 : i32
      %parallel_loop3A_323 = arith.select %parallel_loop3A_320, %parallel_loop3A_322, %parallel_loop3A_301 : i32
      %parallel_loop3A_324 = arith.constant 1024 : i32
      %parallel_loop3A_325 = arith.muli %parallel_loop3A_323, %parallel_loop3A_324 : i32
      %parallel_loop3A_326 = arith.constant 8 : i32
      %parallel_loop3A_327 = arith.constant 0 : i32
      %parallel_loop3A_328 = arith.cmpi eq, %parallel_loop3A_326, %parallel_loop3A_327 : i32
      %parallel_loop3A_329 = arith.constant 1 : i32
      %parallel_loop3A_330 = arith.select %parallel_loop3A_328, %parallel_loop3A_329, %parallel_loop3A_326 : i32
      %parallel_loop3A_331 = arith.remsi %parallel_loop3A_299, %parallel_loop3A_330 : i32
      %parallel_loop3A_332 = arith.constant 0 : i32
      %parallel_loop3A_333 = arith.cmpi ne, %parallel_loop3A_331, %parallel_loop3A_332 : i32
      %parallel_loop3A_334 = arith.constant 0 : i32
      %parallel_loop3A_335 = arith.cmpi slt, %parallel_loop3A_331, %parallel_loop3A_334 : i32
      %parallel_loop3A_336 = arith.constant 0 : i32
      %parallel_loop3A_337 = arith.cmpi slt, %parallel_loop3A_330, %parallel_loop3A_336 : i32
      %parallel_loop3A_338 = arith.xori %parallel_loop3A_335, %parallel_loop3A_337 : i1
      %parallel_loop3A_339 = arith.andi %parallel_loop3A_338, %parallel_loop3A_333 : i1
      %parallel_loop3A_340 = arith.addi %parallel_loop3A_331, %parallel_loop3A_330 : i32
      %parallel_loop3A_341 = arith.select %parallel_loop3A_339, %parallel_loop3A_340, %parallel_loop3A_331 : i32
      %parallel_loop3A_342 = arith.constant 16 : i32
      %parallel_loop3A_343 = arith.muli %parallel_loop3A_341, %parallel_loop3A_342 : i32
      %parallel_loop3A_344 = arith.addi %parallel_loop3A_325, %parallel_loop3A_343 : i32
      %parallel_loop3A_345 = arith.constant 16 : i32
      %parallel_loop3A_346 = arith.muli %parallel_loop3A_299, %parallel_loop3A_345 : i32
      %parallel_loop3A_347 = arith.index_cast %parallel_loop3A_346 : i32 to index
      %parallel_loop3A_348 = tpu.vector_load %arg5[%parallel_loop3A_347] {strides = array<i32>} : memref<512xi32, #tpu.memory_space<vmem>>, vector<16xi32>,
      %parallel_loop3A_349 = arith.addi %parallel_loop3A_348, %broadcast_in_dim3A_168 : vector<16xi32>
      %parallel_loop3A_350 = tpu.vector_load_idx %arg6[%parallel_loop3A_349] : memref<64000xf32, #tpu.memory_space<vmem>>[vector<16xi32>], vector<16xf32>,
      %parallel_loop3A_351 = arith.constant 16384 : i32
      %parallel_loop3A_352 = arith.addi %parallel_loop3A_351, %parallel_loop3A_344 : i32
      %parallel_loop3A_353 = arith.index_cast %parallel_loop3A_352 : i32 to index
      %parallel_loop3A_354 = tpu.vector_load %arg7[%parallel_loop3A_353] {strides = array<i32>} : memref<32768xf32, #tpu.memory_space<vmem>>, vector<16xf32>,
      tpu.vector_store %arg7[%parallel_loop3A_353], %parallel_loop3A_350 {strides = array<i32>} : memref<32768xf32, #tpu.memory_space<vmem>>, vector<16xf32>,
      %parallel_loop3A_355 = arith.addi %parallel_loop3A_349, %broadcast_in_dim3A_66 : vector<16xi32>
      %parallel_loop3A_356 = tpu.vector_load_idx %arg6[%parallel_loop3A_355] : memref<64000xf32, #tpu.memory_space<vmem>>[vector<16xi32>], vector<16xf32>,
      %parallel_loop3A_357 = arith.constant 16512 : i32
      %parallel_loop3A_358 = arith.addi %parallel_loop3A_357, %parallel_loop3A_344 : i32
      %parallel_loop3A_359 = arith.index_cast %parallel_loop3A_358 : i32 to index
      %parallel_loop3A_360 = tpu.vector_load %arg7[%parallel_loop3A_359] {strides = array<i32>} : memref<32768xf32, #tpu.memory_space<vmem>>, vector<16xf32>,
      tpu.vector_store %arg7[%parallel_loop3A_359], %parallel_loop3A_356 {strides = array<i32>} : memref<32768xf32, #tpu.memory_space<vmem>>, vector<16xf32>,
      %parallel_loop3A_361 = arith.addi %parallel_loop3A_355, %broadcast_in_dim3A_66 : vector<16xi32>
      %parallel_loop3A_362 = tpu.vector_load_idx %arg6[%parallel_loop3A_361] : memref<64000xf32, #tpu.memory_space<vmem>>[vector<16xi32>], vector<16xf32>,
      %parallel_loop3A_363 = arith.constant 16640 : i32
      %parallel_loop3A_364 = arith.addi %parallel_loop3A_363, %parallel_loop3A_344 : i32
      %parallel_loop3A_365 = arith.index_cast %parallel_loop3A_364 : i32 to index
      %parallel_loop3A_366 = tpu.vector_load %arg7[%parallel_loop3A_365] {strides = array<i32>} : memref<32768xf32, #tpu.memory_space<vmem>>, vector<16xf32>,
      tpu.vector_store %arg7[%parallel_loop3A_365], %parallel_loop3A_362 {strides = array<i32>} : memref<32768xf32, #tpu.memory_space<vmem>>, vector<16xf32>,
      %parallel_loop3A_367 = arith.addi %parallel_loop3A_361, %broadcast_in_dim3A_66 : vector<16xi32>
      %parallel_loop3A_368 = tpu.vector_load_idx %arg6[%parallel_loop3A_367] : memref<64000xf32, #tpu.memory_space<vmem>>[vector<16xi32>], vector<16xf32>,
      %parallel_loop3A_369 = arith.constant 16768 : i32
      %parallel_loop3A_370 = arith.addi %parallel_loop3A_369, %parallel_loop3A_344 : i32
      %parallel_loop3A_371 = arith.index_cast %parallel_loop3A_370 : i32 to index
      %parallel_loop3A_372 = tpu.vector_load %arg7[%parallel_loop3A_371] {strides = array<i32>} : memref<32768xf32, #tpu.memory_space<vmem>>, vector<16xf32>,
      tpu.vector_store %arg7[%parallel_loop3A_371], %parallel_loop3A_368 {strides = array<i32>} : memref<32768xf32, #tpu.memory_space<vmem>>, vector<16xf32>,
      %parallel_loop3A_373 = arith.addi %parallel_loop3A_367, %broadcast_in_dim3A_66 : vector<16xi32>
      %parallel_loop3A_374 = tpu.vector_load_idx %arg6[%parallel_loop3A_373] : memref<64000xf32, #tpu.memory_space<vmem>>[vector<16xi32>], vector<16xf32>,
      %parallel_loop3A_375 = arith.constant 16896 : i32
      %parallel_loop3A_376 = arith.addi %parallel_loop3A_375, %parallel_loop3A_344 : i32
      %parallel_loop3A_377 = arith.index_cast %parallel_loop3A_376 : i32 to index
      %parallel_loop3A_378 = tpu.vector_load %arg7[%parallel_loop3A_377] {strides = array<i32>} : memref<32768xf32, #tpu.memory_space<vmem>>, vector<16xf32>,
      tpu.vector_store %arg7[%parallel_loop3A_377], %parallel_loop3A_374 {strides = array<i32>} : memref<32768xf32, #tpu.memory_space<vmem>>, vector<16xf32>,
      %parallel_loop3A_379 = arith.addi %parallel_loop3A_373, %broadcast_in_dim3A_66 : vector<16xi32>
      %parallel_loop3A_380 = tpu.vector_load_idx %arg6[%parallel_loop3A_379] : memref<64000xf32, #tpu.memory_space<vmem>>[vector<16xi32>], vector<16xf32>,
      %parallel_loop3A_381 = arith.constant 17024 : i32
      %parallel_loop3A_382 = arith.addi %parallel_loop3A_381, %parallel_loop3A_344 : i32
      %parallel_loop3A_383 = arith.index_cast %parallel_loop3A_382 : i32 to index
      %parallel_loop3A_384 = tpu.vector_load %arg7[%parallel_loop3A_383] {strides = array<i32>} : memref<32768xf32, #tpu.memory_space<vmem>>, vector<16xf32>,
      tpu.vector_store %arg7[%parallel_loop3A_383], %parallel_loop3A_380 {strides = array<i32>} : memref<32768xf32, #tpu.memory_space<vmem>>, vector<16xf32>,
      %parallel_loop3A_385 = arith.addi %parallel_loop3A_379, %broadcast_in_dim3A_66 : vector<16xi32>
      %parallel_loop3A_386 = tpu.vector_load_idx %arg6[%parallel_loop3A_385] : memref<64000xf32, #tpu.memory_space<vmem>>[vector<16xi32>], vector<16xf32>,
      %parallel_loop3A_387 = arith.constant 17152 : i32
      %parallel_loop3A_388 = arith.addi %parallel_loop3A_387, %parallel_loop3A_344 : i32
      %parallel_loop3A_389 = arith.index_cast %parallel_loop3A_388 : i32 to index
      %parallel_loop3A_390 = tpu.vector_load %arg7[%parallel_loop3A_389] {strides = array<i32>} : memref<32768xf32, #tpu.memory_space<vmem>>, vector<16xf32>,
      tpu.vector_store %arg7[%parallel_loop3A_389], %parallel_loop3A_386 {strides = array<i32>} : memref<32768xf32, #tpu.memory_space<vmem>>, vector<16xf32>,
      %parallel_loop3A_391 = arith.addi %parallel_loop3A_385, %broadcast_in_dim3A_66 : vector<16xi32>
      %parallel_loop3A_392 = tpu.vector_load_idx %arg6[%parallel_loop3A_391] : memref<64000xf32, #tpu.memory_space<vmem>>[vector<16xi32>], vector<16xf32>,
      %parallel_loop3A_393 = arith.constant 17280 : i32
      %parallel_loop3A_394 = arith.addi %parallel_loop3A_393, %parallel_loop3A_344 : i32
      %parallel_loop3A_395 = arith.index_cast %parallel_loop3A_394 : i32 to index
      %parallel_loop3A_396 = tpu.vector_load %arg7[%parallel_loop3A_395] {strides = array<i32>} : memref<32768xf32, #tpu.memory_space<vmem>>, vector<16xf32>,
      tpu.vector_store %arg7[%parallel_loop3A_395], %parallel_loop3A_392 {strides = array<i32>} : memref<32768xf32, #tpu.memory_space<vmem>>, vector<16xf32>,
      %parallel_loop3A_397 = arith.addi %parallel_loop3A_391, %broadcast_in_dim3A_66 : vector<16xi32>
    } {sc.loop_unroll_factor = 2 : i64, sc.parallel_access}
    %mul3A_172 = arith.constant 1024 : i32
    %mul3A_173 = arith.muli %mul3A_68, %mul3A_172 : i32
    %add3A_174 = arith.constant 524288 : i32
    %add3A_175 = arith.addi %add3A_174, %mul3A_173 : i32
    %dma_start3A_176 = arith.constant 16384 : i32
    %dma_start3A_177 = tpu.memref_slice %arg7[%dma_start3A_176] : memref<32768xf32, #tpu.memory_space<vmem>> -> memref<4096xf32, #tpu.memory_space<vmem>>
    %dma_start3A_178 = tpu.memref_slice %arg4[%add3A_175] : memref<1048576xf32, #tpu.memory_space<hbm>> -> memref<4096xf32, #tpu.memory_space<hbm>>
    %dma_start3A_179 = tpu.memref_slice %arg4[%add3A_175] : memref<1048576xf32, #tpu.memory_space<hbm>> -> memref<4096xf32, #tpu.memory_space<hbm>>
    %dma_start3A_180 = arith.constant 16384 : i32
    %dma_start3A_181 = tpu.memref_slice %arg7[%dma_start3A_180] : memref<32768xf32, #tpu.memory_space<vmem>> -> memref<4096xf32, #tpu.memory_space<vmem>>
    tpu.enqueue_dma source(%dma_start3A_181 : memref<4096xf32, #tpu.memory_space<vmem>>) target(%dma_start3A_179 : memref<4096xf32, #tpu.memory_space<hbm>>) target_semaphore(%arg20 : memref<!tpu.dma_semaphore, #tpu.memory_space<semaphore_mem>>)
    %dma_wait3A_182 = arith.constant 40000 : i32
    %dma_wait3A_183 = tpu.memref_slice %arg6[%dma_wait3A_182] : memref<64000xf32, #tpu.memory_space<vmem>> -> memref<8000xf32, #tpu.memory_space<vmem>>
    %dma_wait3A_184 = arith.constant 40000 : i32
    %dma_wait3A_185 = tpu.memref_slice %arg2[%dma_wait3A_184] : memref<64000xf32, #tpu.memory_space<hbm>> -> memref<8000xf32, #tpu.memory_space<hbm>>
    %dma_wait3A_186 = arith.constant 40000 : i32
    %dma_wait3A_187 = tpu.memref_slice %arg6[%dma_wait3A_186] : memref<64000xf32, #tpu.memory_space<vmem>> -> memref<8000xf32, #tpu.memory_space<vmem>>
    %dma_wait3A_188 = arith.constant 40000 : i32
    %dma_wait3A_189 = tpu.memref_slice %arg2[%dma_wait3A_188] : memref<64000xf32, #tpu.memory_space<hbm>> -> memref<8000xf32, #tpu.memory_space<hbm>>
    tpu.wait_dma2 semaphore(%arg13 : memref<!tpu.dma_semaphore, #tpu.memory_space<semaphore_mem>>) src(%dma_wait3A_189 : memref<8000xf32, #tpu.memory_space<hbm>>) dst(%dma_wait3A_187 : memref<8000xf32, #tpu.memory_space<vmem>>)
    %broadcast_in_dim3A_190 = arith.constant 40000 : i32
    %broadcast_in_dim3A_191 = vector.broadcast %broadcast_in_dim3A_190 : i32 to vector<16xi32>
    %parallel_loop3A_192 = arith.constant 0 : i32
    %parallel_loop3A_193 = arith.constant 32 : i32
    %parallel_loop3A_194 = arith.constant 1 : i32
    scf.for %parallel_loop3A_299 = %parallel_loop3A_192 to %parallel_loop3A_193 step %parallel_loop3A_194  : i32 {
      %parallel_loop3A_300 = arith.constant 8 : i32
      %parallel_loop3A_301 = arith.divsi %parallel_loop3A_299, %parallel_loop3A_300 : i32
      %parallel_loop3A_302 = arith.constant 0 : i32
      %parallel_loop3A_303 = arith.cmpi sgt, %parallel_loop3A_299, %parallel_loop3A_302 : i32
      %parallel_loop3A_304 = arith.extui %parallel_loop3A_303 : i1 to i32
      %parallel_loop3A_305 = arith.constant 0 : i32
      %parallel_loop3A_306 = arith.cmpi slt, %parallel_loop3A_299, %parallel_loop3A_305 : i32
      %parallel_loop3A_307 = arith.extui %parallel_loop3A_306 : i1 to i32
      %parallel_loop3A_308 = arith.subi %parallel_loop3A_304, %parallel_loop3A_307 : i32
      %parallel_loop3A_309 = arith.constant 0 : i32
      %parallel_loop3A_310 = arith.cmpi sgt, %parallel_loop3A_300, %parallel_loop3A_309 : i32
      %parallel_loop3A_311 = arith.extui %parallel_loop3A_310 : i1 to i32
      %parallel_loop3A_312 = arith.constant 0 : i32
      %parallel_loop3A_313 = arith.cmpi slt, %parallel_loop3A_300, %parallel_loop3A_312 : i32
      %parallel_loop3A_314 = arith.extui %parallel_loop3A_313 : i1 to i32
      %parallel_loop3A_315 = arith.subi %parallel_loop3A_311, %parallel_loop3A_314 : i32
      %parallel_loop3A_316 = arith.cmpi ne, %parallel_loop3A_308, %parallel_loop3A_315 : i32
      %parallel_loop3A_317 = arith.remsi %parallel_loop3A_299, %parallel_loop3A_300 : i32
      %parallel_loop3A_318 = arith.constant 0 : i32
      %parallel_loop3A_319 = arith.cmpi ne, %parallel_loop3A_317, %parallel_loop3A_318 : i32
      %parallel_loop3A_320 = arith.andi %parallel_loop3A_316, %parallel_loop3A_319 : i1
      %parallel_loop3A_321 = arith.constant 1 : i32
      %parallel_loop3A_322 = arith.subi %parallel_loop3A_301, %parallel_loop3A_321 : i32
      %parallel_loop3A_323 = arith.select %parallel_loop3A_320, %parallel_loop3A_322, %parallel_loop3A_301 : i32
      %parallel_loop3A_324 = arith.constant 1024 : i32
      %parallel_loop3A_325 = arith.muli %parallel_loop3A_323, %parallel_loop3A_324 : i32
      %parallel_loop3A_326 = arith.constant 8 : i32
      %parallel_loop3A_327 = arith.constant 0 : i32
      %parallel_loop3A_328 = arith.cmpi eq, %parallel_loop3A_326, %parallel_loop3A_327 : i32
      %parallel_loop3A_329 = arith.constant 1 : i32
      %parallel_loop3A_330 = arith.select %parallel_loop3A_328, %parallel_loop3A_329, %parallel_loop3A_326 : i32
      %parallel_loop3A_331 = arith.remsi %parallel_loop3A_299, %parallel_loop3A_330 : i32
      %parallel_loop3A_332 = arith.constant 0 : i32
      %parallel_loop3A_333 = arith.cmpi ne, %parallel_loop3A_331, %parallel_loop3A_332 : i32
      %parallel_loop3A_334 = arith.constant 0 : i32
      %parallel_loop3A_335 = arith.cmpi slt, %parallel_loop3A_331, %parallel_loop3A_334 : i32
      %parallel_loop3A_336 = arith.constant 0 : i32
      %parallel_loop3A_337 = arith.cmpi slt, %parallel_loop3A_330, %parallel_loop3A_336 : i32
      %parallel_loop3A_338 = arith.xori %parallel_loop3A_335, %parallel_loop3A_337 : i1
      %parallel_loop3A_339 = arith.andi %parallel_loop3A_338, %parallel_loop3A_333 : i1
      %parallel_loop3A_340 = arith.addi %parallel_loop3A_331, %parallel_loop3A_330 : i32
      %parallel_loop3A_341 = arith.select %parallel_loop3A_339, %parallel_loop3A_340, %parallel_loop3A_331 : i32
      %parallel_loop3A_342 = arith.constant 16 : i32
      %parallel_loop3A_343 = arith.muli %parallel_loop3A_341, %parallel_loop3A_342 : i32
      %parallel_loop3A_344 = arith.addi %parallel_loop3A_325, %parallel_loop3A_343 : i32
      %parallel_loop3A_345 = arith.constant 16 : i32
      %parallel_loop3A_346 = arith.muli %parallel_loop3A_299, %parallel_loop3A_345 : i32
      %parallel_loop3A_347 = arith.index_cast %parallel_loop3A_346 : i32 to index
      %parallel_loop3A_348 = tpu.vector_load %arg5[%parallel_loop3A_347] {strides = array<i32>} : memref<512xi32, #tpu.memory_space<vmem>>, vector<16xi32>,
      %parallel_loop3A_349 = arith.addi %parallel_loop3A_348, %broadcast_in_dim3A_191 : vector<16xi32>
      %parallel_loop3A_350 = tpu.vector_load_idx %arg6[%parallel_loop3A_349] : memref<64000xf32, #tpu.memory_space<vmem>>[vector<16xi32>], vector<16xf32>,
      %parallel_loop3A_351 = arith.constant 20480 : i32
      %parallel_loop3A_352 = arith.addi %parallel_loop3A_351, %parallel_loop3A_344 : i32
      %parallel_loop3A_353 = arith.index_cast %parallel_loop3A_352 : i32 to index
      %parallel_loop3A_354 = tpu.vector_load %arg7[%parallel_loop3A_353] {strides = array<i32>} : memref<32768xf32, #tpu.memory_space<vmem>>, vector<16xf32>,
      tpu.vector_store %arg7[%parallel_loop3A_353], %parallel_loop3A_350 {strides = array<i32>} : memref<32768xf32, #tpu.memory_space<vmem>>, vector<16xf32>,
      %parallel_loop3A_355 = arith.addi %parallel_loop3A_349, %broadcast_in_dim3A_66 : vector<16xi32>
      %parallel_loop3A_356 = tpu.vector_load_idx %arg6[%parallel_loop3A_355] : memref<64000xf32, #tpu.memory_space<vmem>>[vector<16xi32>], vector<16xf32>,
      %parallel_loop3A_357 = arith.constant 20608 : i32
      %parallel_loop3A_358 = arith.addi %parallel_loop3A_357, %parallel_loop3A_344 : i32
      %parallel_loop3A_359 = arith.index_cast %parallel_loop3A_358 : i32 to index
      %parallel_loop3A_360 = tpu.vector_load %arg7[%parallel_loop3A_359] {strides = array<i32>} : memref<32768xf32, #tpu.memory_space<vmem>>, vector<16xf32>,
      tpu.vector_store %arg7[%parallel_loop3A_359], %parallel_loop3A_356 {strides = array<i32>} : memref<32768xf32, #tpu.memory_space<vmem>>, vector<16xf32>,
      %parallel_loop3A_361 = arith.addi %parallel_loop3A_355, %broadcast_in_dim3A_66 : vector<16xi32>
      %parallel_loop3A_362 = tpu.vector_load_idx %arg6[%parallel_loop3A_361] : memref<64000xf32, #tpu.memory_space<vmem>>[vector<16xi32>], vector<16xf32>,
      %parallel_loop3A_363 = arith.constant 20736 : i32
      %parallel_loop3A_364 = arith.addi %parallel_loop3A_363, %parallel_loop3A_344 : i32
      %parallel_loop3A_365 = arith.index_cast %parallel_loop3A_364 : i32 to index
      %parallel_loop3A_366 = tpu.vector_load %arg7[%parallel_loop3A_365] {strides = array<i32>} : memref<32768xf32, #tpu.memory_space<vmem>>, vector<16xf32>,
      tpu.vector_store %arg7[%parallel_loop3A_365], %parallel_loop3A_362 {strides = array<i32>} : memref<32768xf32, #tpu.memory_space<vmem>>, vector<16xf32>,
      %parallel_loop3A_367 = arith.addi %parallel_loop3A_361, %broadcast_in_dim3A_66 : vector<16xi32>
      %parallel_loop3A_368 = tpu.vector_load_idx %arg6[%parallel_loop3A_367] : memref<64000xf32, #tpu.memory_space<vmem>>[vector<16xi32>], vector<16xf32>,
      %parallel_loop3A_369 = arith.constant 20864 : i32
      %parallel_loop3A_370 = arith.addi %parallel_loop3A_369, %parallel_loop3A_344 : i32
      %parallel_loop3A_371 = arith.index_cast %parallel_loop3A_370 : i32 to index
      %parallel_loop3A_372 = tpu.vector_load %arg7[%parallel_loop3A_371] {strides = array<i32>} : memref<32768xf32, #tpu.memory_space<vmem>>, vector<16xf32>,
      tpu.vector_store %arg7[%parallel_loop3A_371], %parallel_loop3A_368 {strides = array<i32>} : memref<32768xf32, #tpu.memory_space<vmem>>, vector<16xf32>,
      %parallel_loop3A_373 = arith.addi %parallel_loop3A_367, %broadcast_in_dim3A_66 : vector<16xi32>
      %parallel_loop3A_374 = tpu.vector_load_idx %arg6[%parallel_loop3A_373] : memref<64000xf32, #tpu.memory_space<vmem>>[vector<16xi32>], vector<16xf32>,
      %parallel_loop3A_375 = arith.constant 20992 : i32
      %parallel_loop3A_376 = arith.addi %parallel_loop3A_375, %parallel_loop3A_344 : i32
      %parallel_loop3A_377 = arith.index_cast %parallel_loop3A_376 : i32 to index
      %parallel_loop3A_378 = tpu.vector_load %arg7[%parallel_loop3A_377] {strides = array<i32>} : memref<32768xf32, #tpu.memory_space<vmem>>, vector<16xf32>,
      tpu.vector_store %arg7[%parallel_loop3A_377], %parallel_loop3A_374 {strides = array<i32>} : memref<32768xf32, #tpu.memory_space<vmem>>, vector<16xf32>,
      %parallel_loop3A_379 = arith.addi %parallel_loop3A_373, %broadcast_in_dim3A_66 : vector<16xi32>
      %parallel_loop3A_380 = tpu.vector_load_idx %arg6[%parallel_loop3A_379] : memref<64000xf32, #tpu.memory_space<vmem>>[vector<16xi32>], vector<16xf32>,
      %parallel_loop3A_381 = arith.constant 21120 : i32
      %parallel_loop3A_382 = arith.addi %parallel_loop3A_381, %parallel_loop3A_344 : i32
      %parallel_loop3A_383 = arith.index_cast %parallel_loop3A_382 : i32 to index
      %parallel_loop3A_384 = tpu.vector_load %arg7[%parallel_loop3A_383] {strides = array<i32>} : memref<32768xf32, #tpu.memory_space<vmem>>, vector<16xf32>,
      tpu.vector_store %arg7[%parallel_loop3A_383], %parallel_loop3A_380 {strides = array<i32>} : memref<32768xf32, #tpu.memory_space<vmem>>, vector<16xf32>,
      %parallel_loop3A_385 = arith.addi %parallel_loop3A_379, %broadcast_in_dim3A_66 : vector<16xi32>
      %parallel_loop3A_386 = tpu.vector_load_idx %arg6[%parallel_loop3A_385] : memref<64000xf32, #tpu.memory_space<vmem>>[vector<16xi32>], vector<16xf32>,
      %parallel_loop3A_387 = arith.constant 21248 : i32
      %parallel_loop3A_388 = arith.addi %parallel_loop3A_387, %parallel_loop3A_344 : i32
      %parallel_loop3A_389 = arith.index_cast %parallel_loop3A_388 : i32 to index
      %parallel_loop3A_390 = tpu.vector_load %arg7[%parallel_loop3A_389] {strides = array<i32>} : memref<32768xf32, #tpu.memory_space<vmem>>, vector<16xf32>,
      tpu.vector_store %arg7[%parallel_loop3A_389], %parallel_loop3A_386 {strides = array<i32>} : memref<32768xf32, #tpu.memory_space<vmem>>, vector<16xf32>,
      %parallel_loop3A_391 = arith.addi %parallel_loop3A_385, %broadcast_in_dim3A_66 : vector<16xi32>
      %parallel_loop3A_392 = tpu.vector_load_idx %arg6[%parallel_loop3A_391] : memref<64000xf32, #tpu.memory_space<vmem>>[vector<16xi32>], vector<16xf32>,
      %parallel_loop3A_393 = arith.constant 21376 : i32
      %parallel_loop3A_394 = arith.addi %parallel_loop3A_393, %parallel_loop3A_344 : i32
      %parallel_loop3A_395 = arith.index_cast %parallel_loop3A_394 : i32 to index
      %parallel_loop3A_396 = tpu.vector_load %arg7[%parallel_loop3A_395] {strides = array<i32>} : memref<32768xf32, #tpu.memory_space<vmem>>, vector<16xf32>,
      tpu.vector_store %arg7[%parallel_loop3A_395], %parallel_loop3A_392 {strides = array<i32>} : memref<32768xf32, #tpu.memory_space<vmem>>, vector<16xf32>,
      %parallel_loop3A_397 = arith.addi %parallel_loop3A_391, %broadcast_in_dim3A_66 : vector<16xi32>
    } {sc.loop_unroll_factor = 2 : i64, sc.parallel_access}
    %mul3A_195 = arith.constant 1024 : i32
    %mul3A_196 = arith.muli %mul3A_68, %mul3A_195 : i32
    %add3A_197 = arith.constant 655360 : i32
    %add3A_198 = arith.addi %add3A_197, %mul3A_196 : i32
    %dma_start3A_199 = arith.constant 20480 : i32
    %dma_start3A_200 = tpu.memref_slice %arg7[%dma_start3A_199] : memref<32768xf32, #tpu.memory_space<vmem>> -> memref<4096xf32, #tpu.memory_space<vmem>>
    %dma_start3A_201 = tpu.memref_slice %arg4[%add3A_198] : memref<1048576xf32, #tpu.memory_space<hbm>> -> memref<4096xf32, #tpu.memory_space<hbm>>
    %dma_start3A_202 = tpu.memref_slice %arg4[%add3A_198] : memref<1048576xf32, #tpu.memory_space<hbm>> -> memref<4096xf32, #tpu.memory_space<hbm>>
    %dma_start3A_203 = arith.constant 20480 : i32
    %dma_start3A_204 = tpu.memref_slice %arg7[%dma_start3A_203] : memref<32768xf32, #tpu.memory_space<vmem>> -> memref<4096xf32, #tpu.memory_space<vmem>>
    tpu.enqueue_dma source(%dma_start3A_204 : memref<4096xf32, #tpu.memory_space<vmem>>) target(%dma_start3A_202 : memref<4096xf32, #tpu.memory_space<hbm>>) target_semaphore(%arg21 : memref<!tpu.dma_semaphore, #tpu.memory_space<semaphore_mem>>)
    %dma_wait3A_205 = arith.constant 48000 : i32
    %dma_wait3A_206 = tpu.memref_slice %arg6[%dma_wait3A_205] : memref<64000xf32, #tpu.memory_space<vmem>> -> memref<8000xf32, #tpu.memory_space<vmem>>
    %dma_wait3A_207 = arith.constant 48000 : i32
    %dma_wait3A_208 = tpu.memref_slice %arg2[%dma_wait3A_207] : memref<64000xf32, #tpu.memory_space<hbm>> -> memref<8000xf32, #tpu.memory_space<hbm>>
    %dma_wait3A_209 = arith.constant 48000 : i32
    %dma_wait3A_210 = tpu.memref_slice %arg6[%dma_wait3A_209] : memref<64000xf32, #tpu.memory_space<vmem>> -> memref<8000xf32, #tpu.memory_space<vmem>>
    %dma_wait3A_211 = arith.constant 48000 : i32
    %dma_wait3A_212 = tpu.memref_slice %arg2[%dma_wait3A_211] : memref<64000xf32, #tpu.memory_space<hbm>> -> memref<8000xf32, #tpu.memory_space<hbm>>
    tpu.wait_dma2 semaphore(%arg14 : memref<!tpu.dma_semaphore, #tpu.memory_space<semaphore_mem>>) src(%dma_wait3A_212 : memref<8000xf32, #tpu.memory_space<hbm>>) dst(%dma_wait3A_210 : memref<8000xf32, #tpu.memory_space<vmem>>)
    %broadcast_in_dim3A_213 = arith.constant 48000 : i32
    %broadcast_in_dim3A_214 = vector.broadcast %broadcast_in_dim3A_213 : i32 to vector<16xi32>
    %parallel_loop3A_215 = arith.constant 0 : i32
    %parallel_loop3A_216 = arith.constant 32 : i32
    %parallel_loop3A_217 = arith.constant 1 : i32
    scf.for %parallel_loop3A_299 = %parallel_loop3A_215 to %parallel_loop3A_216 step %parallel_loop3A_217  : i32 {
      %parallel_loop3A_300 = arith.constant 8 : i32
      %parallel_loop3A_301 = arith.divsi %parallel_loop3A_299, %parallel_loop3A_300 : i32
      %parallel_loop3A_302 = arith.constant 0 : i32
      %parallel_loop3A_303 = arith.cmpi sgt, %parallel_loop3A_299, %parallel_loop3A_302 : i32
      %parallel_loop3A_304 = arith.extui %parallel_loop3A_303 : i1 to i32
      %parallel_loop3A_305 = arith.constant 0 : i32
      %parallel_loop3A_306 = arith.cmpi slt, %parallel_loop3A_299, %parallel_loop3A_305 : i32
      %parallel_loop3A_307 = arith.extui %parallel_loop3A_306 : i1 to i32
      %parallel_loop3A_308 = arith.subi %parallel_loop3A_304, %parallel_loop3A_307 : i32
      %parallel_loop3A_309 = arith.constant 0 : i32
      %parallel_loop3A_310 = arith.cmpi sgt, %parallel_loop3A_300, %parallel_loop3A_309 : i32
      %parallel_loop3A_311 = arith.extui %parallel_loop3A_310 : i1 to i32
      %parallel_loop3A_312 = arith.constant 0 : i32
      %parallel_loop3A_313 = arith.cmpi slt, %parallel_loop3A_300, %parallel_loop3A_312 : i32
      %parallel_loop3A_314 = arith.extui %parallel_loop3A_313 : i1 to i32
      %parallel_loop3A_315 = arith.subi %parallel_loop3A_311, %parallel_loop3A_314 : i32
      %parallel_loop3A_316 = arith.cmpi ne, %parallel_loop3A_308, %parallel_loop3A_315 : i32
      %parallel_loop3A_317 = arith.remsi %parallel_loop3A_299, %parallel_loop3A_300 : i32
      %parallel_loop3A_318 = arith.constant 0 : i32
      %parallel_loop3A_319 = arith.cmpi ne, %parallel_loop3A_317, %parallel_loop3A_318 : i32
      %parallel_loop3A_320 = arith.andi %parallel_loop3A_316, %parallel_loop3A_319 : i1
      %parallel_loop3A_321 = arith.constant 1 : i32
      %parallel_loop3A_322 = arith.subi %parallel_loop3A_301, %parallel_loop3A_321 : i32
      %parallel_loop3A_323 = arith.select %parallel_loop3A_320, %parallel_loop3A_322, %parallel_loop3A_301 : i32
      %parallel_loop3A_324 = arith.constant 1024 : i32
      %parallel_loop3A_325 = arith.muli %parallel_loop3A_323, %parallel_loop3A_324 : i32
      %parallel_loop3A_326 = arith.constant 8 : i32
      %parallel_loop3A_327 = arith.constant 0 : i32
      %parallel_loop3A_328 = arith.cmpi eq, %parallel_loop3A_326, %parallel_loop3A_327 : i32
      %parallel_loop3A_329 = arith.constant 1 : i32
      %parallel_loop3A_330 = arith.select %parallel_loop3A_328, %parallel_loop3A_329, %parallel_loop3A_326 : i32
      %parallel_loop3A_331 = arith.remsi %parallel_loop3A_299, %parallel_loop3A_330 : i32
      %parallel_loop3A_332 = arith.constant 0 : i32
      %parallel_loop3A_333 = arith.cmpi ne, %parallel_loop3A_331, %parallel_loop3A_332 : i32
      %parallel_loop3A_334 = arith.constant 0 : i32
      %parallel_loop3A_335 = arith.cmpi slt, %parallel_loop3A_331, %parallel_loop3A_334 : i32
      %parallel_loop3A_336 = arith.constant 0 : i32
      %parallel_loop3A_337 = arith.cmpi slt, %parallel_loop3A_330, %parallel_loop3A_336 : i32
      %parallel_loop3A_338 = arith.xori %parallel_loop3A_335, %parallel_loop3A_337 : i1
      %parallel_loop3A_339 = arith.andi %parallel_loop3A_338, %parallel_loop3A_333 : i1
      %parallel_loop3A_340 = arith.addi %parallel_loop3A_331, %parallel_loop3A_330 : i32
      %parallel_loop3A_341 = arith.select %parallel_loop3A_339, %parallel_loop3A_340, %parallel_loop3A_331 : i32
      %parallel_loop3A_342 = arith.constant 16 : i32
      %parallel_loop3A_343 = arith.muli %parallel_loop3A_341, %parallel_loop3A_342 : i32
      %parallel_loop3A_344 = arith.addi %parallel_loop3A_325, %parallel_loop3A_343 : i32
      %parallel_loop3A_345 = arith.constant 16 : i32
      %parallel_loop3A_346 = arith.muli %parallel_loop3A_299, %parallel_loop3A_345 : i32
      %parallel_loop3A_347 = arith.index_cast %parallel_loop3A_346 : i32 to index
      %parallel_loop3A_348 = tpu.vector_load %arg5[%parallel_loop3A_347] {strides = array<i32>} : memref<512xi32, #tpu.memory_space<vmem>>, vector<16xi32>,
      %parallel_loop3A_349 = arith.addi %parallel_loop3A_348, %broadcast_in_dim3A_214 : vector<16xi32>
      %parallel_loop3A_350 = tpu.vector_load_idx %arg6[%parallel_loop3A_349] : memref<64000xf32, #tpu.memory_space<vmem>>[vector<16xi32>], vector<16xf32>,
      %parallel_loop3A_351 = arith.constant 24576 : i32
      %parallel_loop3A_352 = arith.addi %parallel_loop3A_351, %parallel_loop3A_344 : i32
      %parallel_loop3A_353 = arith.index_cast %parallel_loop3A_352 : i32 to index
      %parallel_loop3A_354 = tpu.vector_load %arg7[%parallel_loop3A_353] {strides = array<i32>} : memref<32768xf32, #tpu.memory_space<vmem>>, vector<16xf32>,
      tpu.vector_store %arg7[%parallel_loop3A_353], %parallel_loop3A_350 {strides = array<i32>} : memref<32768xf32, #tpu.memory_space<vmem>>, vector<16xf32>,
      %parallel_loop3A_355 = arith.addi %parallel_loop3A_349, %broadcast_in_dim3A_66 : vector<16xi32>
      %parallel_loop3A_356 = tpu.vector_load_idx %arg6[%parallel_loop3A_355] : memref<64000xf32, #tpu.memory_space<vmem>>[vector<16xi32>], vector<16xf32>,
      %parallel_loop3A_357 = arith.constant 24704 : i32
      %parallel_loop3A_358 = arith.addi %parallel_loop3A_357, %parallel_loop3A_344 : i32
      %parallel_loop3A_359 = arith.index_cast %parallel_loop3A_358 : i32 to index
      %parallel_loop3A_360 = tpu.vector_load %arg7[%parallel_loop3A_359] {strides = array<i32>} : memref<32768xf32, #tpu.memory_space<vmem>>, vector<16xf32>,
      tpu.vector_store %arg7[%parallel_loop3A_359], %parallel_loop3A_356 {strides = array<i32>} : memref<32768xf32, #tpu.memory_space<vmem>>, vector<16xf32>,
      %parallel_loop3A_361 = arith.addi %parallel_loop3A_355, %broadcast_in_dim3A_66 : vector<16xi32>
      %parallel_loop3A_362 = tpu.vector_load_idx %arg6[%parallel_loop3A_361] : memref<64000xf32, #tpu.memory_space<vmem>>[vector<16xi32>], vector<16xf32>,
      %parallel_loop3A_363 = arith.constant 24832 : i32
      %parallel_loop3A_364 = arith.addi %parallel_loop3A_363, %parallel_loop3A_344 : i32
      %parallel_loop3A_365 = arith.index_cast %parallel_loop3A_364 : i32 to index
      %parallel_loop3A_366 = tpu.vector_load %arg7[%parallel_loop3A_365] {strides = array<i32>} : memref<32768xf32, #tpu.memory_space<vmem>>, vector<16xf32>,
      tpu.vector_store %arg7[%parallel_loop3A_365], %parallel_loop3A_362 {strides = array<i32>} : memref<32768xf32, #tpu.memory_space<vmem>>, vector<16xf32>,
      %parallel_loop3A_367 = arith.addi %parallel_loop3A_361, %broadcast_in_dim3A_66 : vector<16xi32>
      %parallel_loop3A_368 = tpu.vector_load_idx %arg6[%parallel_loop3A_367] : memref<64000xf32, #tpu.memory_space<vmem>>[vector<16xi32>], vector<16xf32>,
      %parallel_loop3A_369 = arith.constant 24960 : i32
      %parallel_loop3A_370 = arith.addi %parallel_loop3A_369, %parallel_loop3A_344 : i32
      %parallel_loop3A_371 = arith.index_cast %parallel_loop3A_370 : i32 to index
      %parallel_loop3A_372 = tpu.vector_load %arg7[%parallel_loop3A_371] {strides = array<i32>} : memref<32768xf32, #tpu.memory_space<vmem>>, vector<16xf32>,
      tpu.vector_store %arg7[%parallel_loop3A_371], %parallel_loop3A_368 {strides = array<i32>} : memref<32768xf32, #tpu.memory_space<vmem>>, vector<16xf32>,
      %parallel_loop3A_373 = arith.addi %parallel_loop3A_367, %broadcast_in_dim3A_66 : vector<16xi32>
      %parallel_loop3A_374 = tpu.vector_load_idx %arg6[%parallel_loop3A_373] : memref<64000xf32, #tpu.memory_space<vmem>>[vector<16xi32>], vector<16xf32>,
      %parallel_loop3A_375 = arith.constant 25088 : i32
      %parallel_loop3A_376 = arith.addi %parallel_loop3A_375, %parallel_loop3A_344 : i32
      %parallel_loop3A_377 = arith.index_cast %parallel_loop3A_376 : i32 to index
      %parallel_loop3A_378 = tpu.vector_load %arg7[%parallel_loop3A_377] {strides = array<i32>} : memref<32768xf32, #tpu.memory_space<vmem>>, vector<16xf32>,
      tpu.vector_store %arg7[%parallel_loop3A_377], %parallel_loop3A_374 {strides = array<i32>} : memref<32768xf32, #tpu.memory_space<vmem>>, vector<16xf32>,
      %parallel_loop3A_379 = arith.addi %parallel_loop3A_373, %broadcast_in_dim3A_66 : vector<16xi32>
      %parallel_loop3A_380 = tpu.vector_load_idx %arg6[%parallel_loop3A_379] : memref<64000xf32, #tpu.memory_space<vmem>>[vector<16xi32>], vector<16xf32>,
      %parallel_loop3A_381 = arith.constant 25216 : i32
      %parallel_loop3A_382 = arith.addi %parallel_loop3A_381, %parallel_loop3A_344 : i32
      %parallel_loop3A_383 = arith.index_cast %parallel_loop3A_382 : i32 to index
      %parallel_loop3A_384 = tpu.vector_load %arg7[%parallel_loop3A_383] {strides = array<i32>} : memref<32768xf32, #tpu.memory_space<vmem>>, vector<16xf32>,
      tpu.vector_store %arg7[%parallel_loop3A_383], %parallel_loop3A_380 {strides = array<i32>} : memref<32768xf32, #tpu.memory_space<vmem>>, vector<16xf32>,
      %parallel_loop3A_385 = arith.addi %parallel_loop3A_379, %broadcast_in_dim3A_66 : vector<16xi32>
      %parallel_loop3A_386 = tpu.vector_load_idx %arg6[%parallel_loop3A_385] : memref<64000xf32, #tpu.memory_space<vmem>>[vector<16xi32>], vector<16xf32>,
      %parallel_loop3A_387 = arith.constant 25344 : i32
      %parallel_loop3A_388 = arith.addi %parallel_loop3A_387, %parallel_loop3A_344 : i32
      %parallel_loop3A_389 = arith.index_cast %parallel_loop3A_388 : i32 to index
      %parallel_loop3A_390 = tpu.vector_load %arg7[%parallel_loop3A_389] {strides = array<i32>} : memref<32768xf32, #tpu.memory_space<vmem>>, vector<16xf32>,
      tpu.vector_store %arg7[%parallel_loop3A_389], %parallel_loop3A_386 {strides = array<i32>} : memref<32768xf32, #tpu.memory_space<vmem>>, vector<16xf32>,
      %parallel_loop3A_391 = arith.addi %parallel_loop3A_385, %broadcast_in_dim3A_66 : vector<16xi32>
      %parallel_loop3A_392 = tpu.vector_load_idx %arg6[%parallel_loop3A_391] : memref<64000xf32, #tpu.memory_space<vmem>>[vector<16xi32>], vector<16xf32>,
      %parallel_loop3A_393 = arith.constant 25472 : i32
      %parallel_loop3A_394 = arith.addi %parallel_loop3A_393, %parallel_loop3A_344 : i32
      %parallel_loop3A_395 = arith.index_cast %parallel_loop3A_394 : i32 to index
      %parallel_loop3A_396 = tpu.vector_load %arg7[%parallel_loop3A_395] {strides = array<i32>} : memref<32768xf32, #tpu.memory_space<vmem>>, vector<16xf32>,
      tpu.vector_store %arg7[%parallel_loop3A_395], %parallel_loop3A_392 {strides = array<i32>} : memref<32768xf32, #tpu.memory_space<vmem>>, vector<16xf32>,
      %parallel_loop3A_397 = arith.addi %parallel_loop3A_391, %broadcast_in_dim3A_66 : vector<16xi32>
    } {sc.loop_unroll_factor = 2 : i64, sc.parallel_access}
    %mul3A_218 = arith.constant 1024 : i32
    %mul3A_219 = arith.muli %mul3A_68, %mul3A_218 : i32
    %add3A_220 = arith.constant 786432 : i32
    %add3A_221 = arith.addi %add3A_220, %mul3A_219 : i32
    %dma_start3A_222 = arith.constant 24576 : i32
    %dma_start3A_223 = tpu.memref_slice %arg7[%dma_start3A_222] : memref<32768xf32, #tpu.memory_space<vmem>> -> memref<4096xf32, #tpu.memory_space<vmem>>
    %dma_start3A_224 = tpu.memref_slice %arg4[%add3A_221] : memref<1048576xf32, #tpu.memory_space<hbm>> -> memref<4096xf32, #tpu.memory_space<hbm>>
    %dma_start3A_225 = tpu.memref_slice %arg4[%add3A_221] : memref<1048576xf32, #tpu.memory_space<hbm>> -> memref<4096xf32, #tpu.memory_space<hbm>>
    %dma_start3A_226 = arith.constant 24576 : i32
    %dma_start3A_227 = tpu.memref_slice %arg7[%dma_start3A_226] : memref<32768xf32, #tpu.memory_space<vmem>> -> memref<4096xf32, #tpu.memory_space<vmem>>
    tpu.enqueue_dma source(%dma_start3A_227 : memref<4096xf32, #tpu.memory_space<vmem>>) target(%dma_start3A_225 : memref<4096xf32, #tpu.memory_space<hbm>>) target_semaphore(%arg22 : memref<!tpu.dma_semaphore, #tpu.memory_space<semaphore_mem>>)
    %dma_wait3A_228 = arith.constant 56000 : i32
    %dma_wait3A_229 = tpu.memref_slice %arg6[%dma_wait3A_228] : memref<64000xf32, #tpu.memory_space<vmem>> -> memref<8000xf32, #tpu.memory_space<vmem>>
    %dma_wait3A_230 = arith.constant 56000 : i32
    %dma_wait3A_231 = tpu.memref_slice %arg2[%dma_wait3A_230] : memref<64000xf32, #tpu.memory_space<hbm>> -> memref<8000xf32, #tpu.memory_space<hbm>>
    %dma_wait3A_232 = arith.constant 56000 : i32
    %dma_wait3A_233 = tpu.memref_slice %arg6[%dma_wait3A_232] : memref<64000xf32, #tpu.memory_space<vmem>> -> memref<8000xf32, #tpu.memory_space<vmem>>
    %dma_wait3A_234 = arith.constant 56000 : i32
    %dma_wait3A_235 = tpu.memref_slice %arg2[%dma_wait3A_234] : memref<64000xf32, #tpu.memory_space<hbm>> -> memref<8000xf32, #tpu.memory_space<hbm>>
    tpu.wait_dma2 semaphore(%arg15 : memref<!tpu.dma_semaphore, #tpu.memory_space<semaphore_mem>>) src(%dma_wait3A_235 : memref<8000xf32, #tpu.memory_space<hbm>>) dst(%dma_wait3A_233 : memref<8000xf32, #tpu.memory_space<vmem>>)
    %broadcast_in_dim3A_236 = arith.constant 56000 : i32
    %broadcast_in_dim3A_237 = vector.broadcast %broadcast_in_dim3A_236 : i32 to vector<16xi32>
    %parallel_loop3A_238 = arith.constant 0 : i32
    %parallel_loop3A_239 = arith.constant 32 : i32
    %parallel_loop3A_240 = arith.constant 1 : i32
    scf.for %parallel_loop3A_299 = %parallel_loop3A_238 to %parallel_loop3A_239 step %parallel_loop3A_240  : i32 {
      %parallel_loop3A_300 = arith.constant 8 : i32
      %parallel_loop3A_301 = arith.divsi %parallel_loop3A_299, %parallel_loop3A_300 : i32
      %parallel_loop3A_302 = arith.constant 0 : i32
      %parallel_loop3A_303 = arith.cmpi sgt, %parallel_loop3A_299, %parallel_loop3A_302 : i32
      %parallel_loop3A_304 = arith.extui %parallel_loop3A_303 : i1 to i32
      %parallel_loop3A_305 = arith.constant 0 : i32
      %parallel_loop3A_306 = arith.cmpi slt, %parallel_loop3A_299, %parallel_loop3A_305 : i32
      %parallel_loop3A_307 = arith.extui %parallel_loop3A_306 : i1 to i32
      %parallel_loop3A_308 = arith.subi %parallel_loop3A_304, %parallel_loop3A_307 : i32
      %parallel_loop3A_309 = arith.constant 0 : i32
      %parallel_loop3A_310 = arith.cmpi sgt, %parallel_loop3A_300, %parallel_loop3A_309 : i32
      %parallel_loop3A_311 = arith.extui %parallel_loop3A_310 : i1 to i32
      %parallel_loop3A_312 = arith.constant 0 : i32
      %parallel_loop3A_313 = arith.cmpi slt, %parallel_loop3A_300, %parallel_loop3A_312 : i32
      %parallel_loop3A_314 = arith.extui %parallel_loop3A_313 : i1 to i32
      %parallel_loop3A_315 = arith.subi %parallel_loop3A_311, %parallel_loop3A_314 : i32
      %parallel_loop3A_316 = arith.cmpi ne, %parallel_loop3A_308, %parallel_loop3A_315 : i32
      %parallel_loop3A_317 = arith.remsi %parallel_loop3A_299, %parallel_loop3A_300 : i32
      %parallel_loop3A_318 = arith.constant 0 : i32
      %parallel_loop3A_319 = arith.cmpi ne, %parallel_loop3A_317, %parallel_loop3A_318 : i32
      %parallel_loop3A_320 = arith.andi %parallel_loop3A_316, %parallel_loop3A_319 : i1
      %parallel_loop3A_321 = arith.constant 1 : i32
      %parallel_loop3A_322 = arith.subi %parallel_loop3A_301, %parallel_loop3A_321 : i32
      %parallel_loop3A_323 = arith.select %parallel_loop3A_320, %parallel_loop3A_322, %parallel_loop3A_301 : i32
      %parallel_loop3A_324 = arith.constant 1024 : i32
      %parallel_loop3A_325 = arith.muli %parallel_loop3A_323, %parallel_loop3A_324 : i32
      %parallel_loop3A_326 = arith.constant 8 : i32
      %parallel_loop3A_327 = arith.constant 0 : i32
      %parallel_loop3A_328 = arith.cmpi eq, %parallel_loop3A_326, %parallel_loop3A_327 : i32
      %parallel_loop3A_329 = arith.constant 1 : i32
      %parallel_loop3A_330 = arith.select %parallel_loop3A_328, %parallel_loop3A_329, %parallel_loop3A_326 : i32
      %parallel_loop3A_331 = arith.remsi %parallel_loop3A_299, %parallel_loop3A_330 : i32
      %parallel_loop3A_332 = arith.constant 0 : i32
      %parallel_loop3A_333 = arith.cmpi ne, %parallel_loop3A_331, %parallel_loop3A_332 : i32
      %parallel_loop3A_334 = arith.constant 0 : i32
      %parallel_loop3A_335 = arith.cmpi slt, %parallel_loop3A_331, %parallel_loop3A_334 : i32
      %parallel_loop3A_336 = arith.constant 0 : i32
      %parallel_loop3A_337 = arith.cmpi slt, %parallel_loop3A_330, %parallel_loop3A_336 : i32
      %parallel_loop3A_338 = arith.xori %parallel_loop3A_335, %parallel_loop3A_337 : i1
      %parallel_loop3A_339 = arith.andi %parallel_loop3A_338, %parallel_loop3A_333 : i1
      %parallel_loop3A_340 = arith.addi %parallel_loop3A_331, %parallel_loop3A_330 : i32
      %parallel_loop3A_341 = arith.select %parallel_loop3A_339, %parallel_loop3A_340, %parallel_loop3A_331 : i32
      %parallel_loop3A_342 = arith.constant 16 : i32
      %parallel_loop3A_343 = arith.muli %parallel_loop3A_341, %parallel_loop3A_342 : i32
      %parallel_loop3A_344 = arith.addi %parallel_loop3A_325, %parallel_loop3A_343 : i32
      %parallel_loop3A_345 = arith.constant 16 : i32
      %parallel_loop3A_346 = arith.muli %parallel_loop3A_299, %parallel_loop3A_345 : i32
      %parallel_loop3A_347 = arith.index_cast %parallel_loop3A_346 : i32 to index
      %parallel_loop3A_348 = tpu.vector_load %arg5[%parallel_loop3A_347] {strides = array<i32>} : memref<512xi32, #tpu.memory_space<vmem>>, vector<16xi32>,
      %parallel_loop3A_349 = arith.addi %parallel_loop3A_348, %broadcast_in_dim3A_237 : vector<16xi32>
      %parallel_loop3A_350 = tpu.vector_load_idx %arg6[%parallel_loop3A_349] : memref<64000xf32, #tpu.memory_space<vmem>>[vector<16xi32>], vector<16xf32>,
      %parallel_loop3A_351 = arith.constant 28672 : i32
      %parallel_loop3A_352 = arith.addi %parallel_loop3A_351, %parallel_loop3A_344 : i32
      %parallel_loop3A_353 = arith.index_cast %parallel_loop3A_352 : i32 to index
      %parallel_loop3A_354 = tpu.vector_load %arg7[%parallel_loop3A_353] {strides = array<i32>} : memref<32768xf32, #tpu.memory_space<vmem>>, vector<16xf32>,
      tpu.vector_store %arg7[%parallel_loop3A_353], %parallel_loop3A_350 {strides = array<i32>} : memref<32768xf32, #tpu.memory_space<vmem>>, vector<16xf32>,
      %parallel_loop3A_355 = arith.addi %parallel_loop3A_349, %broadcast_in_dim3A_66 : vector<16xi32>
      %parallel_loop3A_356 = tpu.vector_load_idx %arg6[%parallel_loop3A_355] : memref<64000xf32, #tpu.memory_space<vmem>>[vector<16xi32>], vector<16xf32>,
      %parallel_loop3A_357 = arith.constant 28800 : i32
      %parallel_loop3A_358 = arith.addi %parallel_loop3A_357, %parallel_loop3A_344 : i32
      %parallel_loop3A_359 = arith.index_cast %parallel_loop3A_358 : i32 to index
      %parallel_loop3A_360 = tpu.vector_load %arg7[%parallel_loop3A_359] {strides = array<i32>} : memref<32768xf32, #tpu.memory_space<vmem>>, vector<16xf32>,
      tpu.vector_store %arg7[%parallel_loop3A_359], %parallel_loop3A_356 {strides = array<i32>} : memref<32768xf32, #tpu.memory_space<vmem>>, vector<16xf32>,
      %parallel_loop3A_361 = arith.addi %parallel_loop3A_355, %broadcast_in_dim3A_66 : vector<16xi32>
      %parallel_loop3A_362 = tpu.vector_load_idx %arg6[%parallel_loop3A_361] : memref<64000xf32, #tpu.memory_space<vmem>>[vector<16xi32>], vector<16xf32>,
      %parallel_loop3A_363 = arith.constant 28928 : i32
      %parallel_loop3A_364 = arith.addi %parallel_loop3A_363, %parallel_loop3A_344 : i32
      %parallel_loop3A_365 = arith.index_cast %parallel_loop3A_364 : i32 to index
      %parallel_loop3A_366 = tpu.vector_load %arg7[%parallel_loop3A_365] {strides = array<i32>} : memref<32768xf32, #tpu.memory_space<vmem>>, vector<16xf32>,
      tpu.vector_store %arg7[%parallel_loop3A_365], %parallel_loop3A_362 {strides = array<i32>} : memref<32768xf32, #tpu.memory_space<vmem>>, vector<16xf32>,
      %parallel_loop3A_367 = arith.addi %parallel_loop3A_361, %broadcast_in_dim3A_66 : vector<16xi32>
      %parallel_loop3A_368 = tpu.vector_load_idx %arg6[%parallel_loop3A_367] : memref<64000xf32, #tpu.memory_space<vmem>>[vector<16xi32>], vector<16xf32>,
      %parallel_loop3A_369 = arith.constant 29056 : i32
      %parallel_loop3A_370 = arith.addi %parallel_loop3A_369, %parallel_loop3A_344 : i32
      %parallel_loop3A_371 = arith.index_cast %parallel_loop3A_370 : i32 to index
      %parallel_loop3A_372 = tpu.vector_load %arg7[%parallel_loop3A_371] {strides = array<i32>} : memref<32768xf32, #tpu.memory_space<vmem>>, vector<16xf32>,
      tpu.vector_store %arg7[%parallel_loop3A_371], %parallel_loop3A_368 {strides = array<i32>} : memref<32768xf32, #tpu.memory_space<vmem>>, vector<16xf32>,
      %parallel_loop3A_373 = arith.addi %parallel_loop3A_367, %broadcast_in_dim3A_66 : vector<16xi32>
      %parallel_loop3A_374 = tpu.vector_load_idx %arg6[%parallel_loop3A_373] : memref<64000xf32, #tpu.memory_space<vmem>>[vector<16xi32>], vector<16xf32>,
      %parallel_loop3A_375 = arith.constant 29184 : i32
      %parallel_loop3A_376 = arith.addi %parallel_loop3A_375, %parallel_loop3A_344 : i32
      %parallel_loop3A_377 = arith.index_cast %parallel_loop3A_376 : i32 to index
      %parallel_loop3A_378 = tpu.vector_load %arg7[%parallel_loop3A_377] {strides = array<i32>} : memref<32768xf32, #tpu.memory_space<vmem>>, vector<16xf32>,
      tpu.vector_store %arg7[%parallel_loop3A_377], %parallel_loop3A_374 {strides = array<i32>} : memref<32768xf32, #tpu.memory_space<vmem>>, vector<16xf32>,
      %parallel_loop3A_379 = arith.addi %parallel_loop3A_373, %broadcast_in_dim3A_66 : vector<16xi32>
      %parallel_loop3A_380 = tpu.vector_load_idx %arg6[%parallel_loop3A_379] : memref<64000xf32, #tpu.memory_space<vmem>>[vector<16xi32>], vector<16xf32>,
      %parallel_loop3A_381 = arith.constant 29312 : i32
      %parallel_loop3A_382 = arith.addi %parallel_loop3A_381, %parallel_loop3A_344 : i32
      %parallel_loop3A_383 = arith.index_cast %parallel_loop3A_382 : i32 to index
      %parallel_loop3A_384 = tpu.vector_load %arg7[%parallel_loop3A_383] {strides = array<i32>} : memref<32768xf32, #tpu.memory_space<vmem>>, vector<16xf32>,
      tpu.vector_store %arg7[%parallel_loop3A_383], %parallel_loop3A_380 {strides = array<i32>} : memref<32768xf32, #tpu.memory_space<vmem>>, vector<16xf32>,
      %parallel_loop3A_385 = arith.addi %parallel_loop3A_379, %broadcast_in_dim3A_66 : vector<16xi32>
      %parallel_loop3A_386 = tpu.vector_load_idx %arg6[%parallel_loop3A_385] : memref<64000xf32, #tpu.memory_space<vmem>>[vector<16xi32>], vector<16xf32>,
      %parallel_loop3A_387 = arith.constant 29440 : i32
      %parallel_loop3A_388 = arith.addi %parallel_loop3A_387, %parallel_loop3A_344 : i32
      %parallel_loop3A_389 = arith.index_cast %parallel_loop3A_388 : i32 to index
      %parallel_loop3A_390 = tpu.vector_load %arg7[%parallel_loop3A_389] {strides = array<i32>} : memref<32768xf32, #tpu.memory_space<vmem>>, vector<16xf32>,
      tpu.vector_store %arg7[%parallel_loop3A_389], %parallel_loop3A_386 {strides = array<i32>} : memref<32768xf32, #tpu.memory_space<vmem>>, vector<16xf32>,
      %parallel_loop3A_391 = arith.addi %parallel_loop3A_385, %broadcast_in_dim3A_66 : vector<16xi32>
      %parallel_loop3A_392 = tpu.vector_load_idx %arg6[%parallel_loop3A_391] : memref<64000xf32, #tpu.memory_space<vmem>>[vector<16xi32>], vector<16xf32>,
      %parallel_loop3A_393 = arith.constant 29568 : i32
      %parallel_loop3A_394 = arith.addi %parallel_loop3A_393, %parallel_loop3A_344 : i32
      %parallel_loop3A_395 = arith.index_cast %parallel_loop3A_394 : i32 to index
      %parallel_loop3A_396 = tpu.vector_load %arg7[%parallel_loop3A_395] {strides = array<i32>} : memref<32768xf32, #tpu.memory_space<vmem>>, vector<16xf32>,
      tpu.vector_store %arg7[%parallel_loop3A_395], %parallel_loop3A_392 {strides = array<i32>} : memref<32768xf32, #tpu.memory_space<vmem>>, vector<16xf32>,
      %parallel_loop3A_397 = arith.addi %parallel_loop3A_391, %broadcast_in_dim3A_66 : vector<16xi32>
    } {sc.loop_unroll_factor = 2 : i64, sc.parallel_access}
    %mul3A_241 = arith.constant 1024 : i32
    %mul3A_242 = arith.muli %mul3A_68, %mul3A_241 : i32
    %add3A_243 = arith.constant 917504 : i32
    %add3A_244 = arith.addi %add3A_243, %mul3A_242 : i32
    %dma_start3A_245 = arith.constant 28672 : i32
    %dma_start3A_246 = tpu.memref_slice %arg7[%dma_start3A_245] : memref<32768xf32, #tpu.memory_space<vmem>> -> memref<4096xf32, #tpu.memory_space<vmem>>
    %dma_start3A_247 = tpu.memref_slice %arg4[%add3A_244] : memref<1048576xf32, #tpu.memory_space<hbm>> -> memref<4096xf32, #tpu.memory_space<hbm>>
    %dma_start3A_248 = tpu.memref_slice %arg4[%add3A_244] : memref<1048576xf32, #tpu.memory_space<hbm>> -> memref<4096xf32, #tpu.memory_space<hbm>>
    %dma_start3A_249 = arith.constant 28672 : i32
    %dma_start3A_250 = tpu.memref_slice %arg7[%dma_start3A_249] : memref<32768xf32, #tpu.memory_space<vmem>> -> memref<4096xf32, #tpu.memory_space<vmem>>
    tpu.enqueue_dma source(%dma_start3A_250 : memref<4096xf32, #tpu.memory_space<vmem>>) target(%dma_start3A_248 : memref<4096xf32, #tpu.memory_space<hbm>>) target_semaphore(%arg23 : memref<!tpu.dma_semaphore, #tpu.memory_space<semaphore_mem>>)
    %dma_wait3A_251 = arith.constant 0 : i32
    %dma_wait3A_252 = tpu.memref_slice %arg7[%dma_wait3A_251] : memref<32768xf32, #tpu.memory_space<vmem>> -> memref<4096xf32, #tpu.memory_space<vmem>>
    %dma_wait3A_253 = tpu.memref_slice %arg4[%add3A_83] : memref<1048576xf32, #tpu.memory_space<hbm>> -> memref<4096xf32, #tpu.memory_space<hbm>>
    %dma_wait3A_254 = tpu.memref_slice %arg4[%add3A_83] : memref<1048576xf32, #tpu.memory_space<hbm>> -> memref<4096xf32, #tpu.memory_space<hbm>>
    %dma_wait3A_255 = arith.constant 0 : i32
    %dma_wait3A_256 = tpu.memref_slice %arg7[%dma_wait3A_255] : memref<32768xf32, #tpu.memory_space<vmem>> -> memref<4096xf32, #tpu.memory_space<vmem>>
    tpu.wait_dma2 semaphore(%arg16 : memref<!tpu.dma_semaphore, #tpu.memory_space<semaphore_mem>>) src(%dma_wait3A_256 : memref<4096xf32, #tpu.memory_space<vmem>>) dst(%dma_wait3A_254 : memref<4096xf32, #tpu.memory_space<hbm>>)
    %dma_wait3A_257 = arith.constant 4096 : i32
    %dma_wait3A_258 = tpu.memref_slice %arg7[%dma_wait3A_257] : memref<32768xf32, #tpu.memory_space<vmem>> -> memref<4096xf32, #tpu.memory_space<vmem>>
    %dma_wait3A_259 = tpu.memref_slice %arg4[%add3A_106] : memref<1048576xf32, #tpu.memory_space<hbm>> -> memref<4096xf32, #tpu.memory_space<hbm>>
    %dma_wait3A_260 = tpu.memref_slice %arg4[%add3A_106] : memref<1048576xf32, #tpu.memory_space<hbm>> -> memref<4096xf32, #tpu.memory_space<hbm>>
    %dma_wait3A_261 = arith.constant 4096 : i32
    %dma_wait3A_262 = tpu.memref_slice %arg7[%dma_wait3A_261] : memref<32768xf32, #tpu.memory_space<vmem>> -> memref<4096xf32, #tpu.memory_space<vmem>>
    tpu.wait_dma2 semaphore(%arg17 : memref<!tpu.dma_semaphore, #tpu.memory_space<semaphore_mem>>) src(%dma_wait3A_262 : memref<4096xf32, #tpu.memory_space<vmem>>) dst(%dma_wait3A_260 : memref<4096xf32, #tpu.memory_space<hbm>>)
    %dma_wait3A_263 = arith.constant 8192 : i32
    %dma_wait3A_264 = tpu.memref_slice %arg7[%dma_wait3A_263] : memref<32768xf32, #tpu.memory_space<vmem>> -> memref<4096xf32, #tpu.memory_space<vmem>>
    %dma_wait3A_265 = tpu.memref_slice %arg4[%add3A_129] : memref<1048576xf32, #tpu.memory_space<hbm>> -> memref<4096xf32, #tpu.memory_space<hbm>>
    %dma_wait3A_266 = tpu.memref_slice %arg4[%add3A_129] : memref<1048576xf32, #tpu.memory_space<hbm>> -> memref<4096xf32, #tpu.memory_space<hbm>>
    %dma_wait3A_267 = arith.constant 8192 : i32
    %dma_wait3A_268 = tpu.memref_slice %arg7[%dma_wait3A_267] : memref<32768xf32, #tpu.memory_space<vmem>> -> memref<4096xf32, #tpu.memory_space<vmem>>
    tpu.wait_dma2 semaphore(%arg18 : memref<!tpu.dma_semaphore, #tpu.memory_space<semaphore_mem>>) src(%dma_wait3A_268 : memref<4096xf32, #tpu.memory_space<vmem>>) dst(%dma_wait3A_266 : memref<4096xf32, #tpu.memory_space<hbm>>)
    %dma_wait3A_269 = arith.constant 12288 : i32
    %dma_wait3A_270 = tpu.memref_slice %arg7[%dma_wait3A_269] : memref<32768xf32, #tpu.memory_space<vmem>> -> memref<4096xf32, #tpu.memory_space<vmem>>
    %dma_wait3A_271 = tpu.memref_slice %arg4[%add3A_152] : memref<1048576xf32, #tpu.memory_space<hbm>> -> memref<4096xf32, #tpu.memory_space<hbm>>
    %dma_wait3A_272 = tpu.memref_slice %arg4[%add3A_152] : memref<1048576xf32, #tpu.memory_space<hbm>> -> memref<4096xf32, #tpu.memory_space<hbm>>
    %dma_wait3A_273 = arith.constant 12288 : i32
    %dma_wait3A_274 = tpu.memref_slice %arg7[%dma_wait3A_273] : memref<32768xf32, #tpu.memory_space<vmem>> -> memref<4096xf32, #tpu.memory_space<vmem>>
    tpu.wait_dma2 semaphore(%arg19 : memref<!tpu.dma_semaphore, #tpu.memory_space<semaphore_mem>>) src(%dma_wait3A_274 : memref<4096xf32, #tpu.memory_space<vmem>>) dst(%dma_wait3A_272 : memref<4096xf32, #tpu.memory_space<hbm>>)
    %dma_wait3A_275 = arith.constant 16384 : i32
    %dma_wait3A_276 = tpu.memref_slice %arg7[%dma_wait3A_275] : memref<32768xf32, #tpu.memory_space<vmem>> -> memref<4096xf32, #tpu.memory_space<vmem>>
    %dma_wait3A_277 = tpu.memref_slice %arg4[%add3A_175] : memref<1048576xf32, #tpu.memory_space<hbm>> -> memref<4096xf32, #tpu.memory_space<hbm>>
    %dma_wait3A_278 = tpu.memref_slice %arg4[%add3A_175] : memref<1048576xf32, #tpu.memory_space<hbm>> -> memref<4096xf32, #tpu.memory_space<hbm>>
    %dma_wait3A_279 = arith.constant 16384 : i32
    %dma_wait3A_280 = tpu.memref_slice %arg7[%dma_wait3A_279] : memref<32768xf32, #tpu.memory_space<vmem>> -> memref<4096xf32, #tpu.memory_space<vmem>>
    tpu.wait_dma2 semaphore(%arg20 : memref<!tpu.dma_semaphore, #tpu.memory_space<semaphore_mem>>) src(%dma_wait3A_280 : memref<4096xf32, #tpu.memory_space<vmem>>) dst(%dma_wait3A_278 : memref<4096xf32, #tpu.memory_space<hbm>>)
    %dma_wait3A_281 = arith.constant 20480 : i32
    %dma_wait3A_282 = tpu.memref_slice %arg7[%dma_wait3A_281] : memref<32768xf32, #tpu.memory_space<vmem>> -> memref<4096xf32, #tpu.memory_space<vmem>>
    %dma_wait3A_283 = tpu.memref_slice %arg4[%add3A_198] : memref<1048576xf32, #tpu.memory_space<hbm>> -> memref<4096xf32, #tpu.memory_space<hbm>>
    %dma_wait3A_284 = tpu.memref_slice %arg4[%add3A_198] : memref<1048576xf32, #tpu.memory_space<hbm>> -> memref<4096xf32, #tpu.memory_space<hbm>>
    %dma_wait3A_285 = arith.constant 20480 : i32
    %dma_wait3A_286 = tpu.memref_slice %arg7[%dma_wait3A_285] : memref<32768xf32, #tpu.memory_space<vmem>> -> memref<4096xf32, #tpu.memory_space<vmem>>
    tpu.wait_dma2 semaphore(%arg21 : memref<!tpu.dma_semaphore, #tpu.memory_space<semaphore_mem>>) src(%dma_wait3A_286 : memref<4096xf32, #tpu.memory_space<vmem>>) dst(%dma_wait3A_284 : memref<4096xf32, #tpu.memory_space<hbm>>)
    %dma_wait3A_287 = arith.constant 24576 : i32
    %dma_wait3A_288 = tpu.memref_slice %arg7[%dma_wait3A_287] : memref<32768xf32, #tpu.memory_space<vmem>> -> memref<4096xf32, #tpu.memory_space<vmem>>
    %dma_wait3A_289 = tpu.memref_slice %arg4[%add3A_221] : memref<1048576xf32, #tpu.memory_space<hbm>> -> memref<4096xf32, #tpu.memory_space<hbm>>
    %dma_wait3A_290 = tpu.memref_slice %arg4[%add3A_221] : memref<1048576xf32, #tpu.memory_space<hbm>> -> memref<4096xf32, #tpu.memory_space<hbm>>
    %dma_wait3A_291 = arith.constant 24576 : i32
    %dma_wait3A_292 = tpu.memref_slice %arg7[%dma_wait3A_291] : memref<32768xf32, #tpu.memory_space<vmem>> -> memref<4096xf32, #tpu.memory_space<vmem>>
    tpu.wait_dma2 semaphore(%arg22 : memref<!tpu.dma_semaphore, #tpu.memory_space<semaphore_mem>>) src(%dma_wait3A_292 : memref<4096xf32, #tpu.memory_space<vmem>>) dst(%dma_wait3A_290 : memref<4096xf32, #tpu.memory_space<hbm>>)
    %dma_wait3A_293 = arith.constant 28672 : i32
    %dma_wait3A_294 = tpu.memref_slice %arg7[%dma_wait3A_293] : memref<32768xf32, #tpu.memory_space<vmem>> -> memref<4096xf32, #tpu.memory_space<vmem>>
    %dma_wait3A_295 = tpu.memref_slice %arg4[%add3A_244] : memref<1048576xf32, #tpu.memory_space<hbm>> -> memref<4096xf32, #tpu.memory_space<hbm>>
    %dma_wait3A_296 = tpu.memref_slice %arg4[%add3A_244] : memref<1048576xf32, #tpu.memory_space<hbm>> -> memref<4096xf32, #tpu.memory_space<hbm>>
    %dma_wait3A_297 = arith.constant 28672 : i32
    %dma_wait3A_298 = tpu.memref_slice %arg7[%dma_wait3A_297] : memref<32768xf32, #tpu.memory_space<vmem>> -> memref<4096xf32, #tpu.memory_space<vmem>>
    tpu.wait_dma2 semaphore(%arg23 : memref<!tpu.dma_semaphore, #tpu.memory_space<semaphore_mem>>) src(%dma_wait3A_298 : memref<4096xf32, #tpu.memory_space<vmem>>) dst(%dma_wait3A_296 : memref<4096xf32, #tpu.memory_space<hbm>>)
    return
  }
}

</mosaic_0001>

<sc_bundles>
// kernel: kernel.3.cloned.1.call-start
scs
__scs_entry_jumppad:
0x0: {  	(pc) =	sbr.rel $0x88, $3  }
0x1: {  	(tag) =	ssettag $0x0;
	lr =	simm.s32 $0x1  }
0x2: {  	[smem:$0x3F9F] =	sst lr;
	_ =	strace $0xD0000000  }
0x3: {  	_ = 	snop  }
0x4: {  	_ = 	snop  }
0x5: {  	_ = 	snop  }
0x6: {  	_ = 	snop  }
0x7: {  	_ = 	snop  }
__scs_overlays_trampoline_lowered:
0x8: {  	[smem:$0x3FAE] =	sst s0  }
0x9: {  	[smem:$0x3FAF] =	sst s1  }
0xa: {  	[smem:$0x3FB0] =	sst s2  }
0xb: {  	[smem:$0x3FB1] =	sst s3  }
0xc: {  	[smem:$0x3FB2] =	sst s4  }
0xd: {  	[smem:$0x3FB3] =	sst s5  }
0xe: {  	[smem:$0x3FB4] =	sst s6  }
0xf: {  	[smem:$0x3FB5] =	sst s7  }
0x10: {  	[smem:$0x3FB6] =	sst s8  }
0x11: {  	[smem:$0x3FB7] =	sst s9;
	s0 =	simm.s32 @!p0 $0x0  }
0x12: {  	s1 =	sld [smem:$0x3F9D];
	s0 =	simm.s32 @p0 $0x1  }
0x13: {  	[smem:$0x3FB8] =	sst s0;
	s0 =	simm.s32 @!p1 $0x0  }
0x14: {  	s2 =	sld [smem:$0x3F9C];
	s0 =	simm.s32 @p1 $0x1  }
0x15: {  	[smem:$0x3FB9] =	sst s0;
	s0 =	simm.s32 @!p2 $0x0  }
0x16: {  	s3 =	sld [smem:$0x3FDB];
	s0 =	simm.s32 @p2 $0x1  }
0x17: {  	s4 =	simm.s32 $0x1BF5;
	[smem:$0x3FBB] =	sst s0  }
0x18: {  	s0 =	sld [smem:$0x3F9E];
	_ =	swait.ge [sflag:s4], $0x0  }
0x19: {  	s7 =	sld [smem:$0x3F9F]  }
0x1a: {  	s8 =	sadd.s32 $0xFFFFE003, lr  }
0x1b: {  	s9 =	sadd.s32 $0xFFFFFEF7, lr;
	s5 =	simm.s32 $0xFFFFFFFF;
	p2 =	slt.u32 s8, $0xFFFFF086  }
0x1c: {  	p1 =	slt.u32 s9, $0xF7A;
	s5 =	simm.s32 @!p2 $0x0  }
0x1d: {  	s5 =	simm.s32 @p1 $0x1;
	p0 =	seq.s32 s7, s2  }
0x1e: {  	s7 =	smul.u32 @!p0 $0xF7A, s2;
	p2 =	seq.s32 @!p0 s5, $0x0  }
0x1f: {  	s9 =	smul.u32 $0xF7A, s1;
	s8 =	simm.s32 @!p0 $0x1BF5;
	p2 =	por !p2, p0  }
0x20: {  	[sflag:s8] =	ssyncset.s32 @!p0 $0xFFFFF086;
	s6 =	sadd.s32 @!p0 s3, s7;
	s7 =	simm.s32 @!p0 $0x108  }
0x21: {  	s3 =	sadd.s32 s3, s9;
	s6 =	sadd.s32 @!p0 $0x88, s6;
	s7 =	simm.s32 @p2 $0x1082  }
0x22: {  	[simem:s7], [sflag:s8] =	dma.local @!p0 [hbm:s6], $0xF7A  }
0x23: {  	s9 =	sor.u32 $0xD0000000, s2;
	s6 =	simm.s32 $0x108;
	_ =	swait.ge @!p0 [sflag:s8], $0x0  }
0x24: {  	s3 =	sadd.s32 $0x88, s3;
	s6 =	simm.s32 @!p1 $0x1082;
	[sflag:s4] =	ssyncset.s32 $0xFFFFF086  }
0x25: {  	[simem:s6], [sflag:s4] =	dma.local [hbm:s3], $0xF7A  }
0x26: {  	[smem:$0x3F9F] =	sst s1;
	(tag) =	ssettag s2;
	_ =	strace s9  }
0x27: {  	s1 =	sld [smem:$0x3FAF]  }
0x28: {  	s2 =	sld [smem:$0x3FB0]  }
0x29: {  	s4 =	sld [smem:$0x3FB2]  }
0x2a: {  	p0 =	seq.s32 s5, $0x0;
	s5 =	sld [smem:$0x3FB3]  }
0x2b: {  	s6 =	sld [smem:$0x3FB4]  }
0x2c: {  	s7 =	sld [smem:$0x3FB5]  }
0x2d: {  	s3 =	simm.s32 $0x108;
	s8 =	sld [smem:$0x3FB6]  }
0x2e: {  	s3 =	simm.s32 @!p0 $0x1082;
	s9 =	sld [smem:$0x3FB7]  }
0x2f: {  	lr =	sadd.s32 s0, s3;
	s0 =	sld [smem:$0x3FAE]  }
0x30: {  	s3 =	sld [smem:$0x3FB1]  }
0x31: {  	[smem:$0x3FBA] =	sst s10  }
0x32: {  	s10 =	sld [smem:$0x3FB8];
	_ =	sdelay $0x3  }
0x33: {  	p0 =	seq.s32 s10, $0x1;
	s10 =	sld [smem:$0x3FBA];
	_ =	sdelay $0x3  }
0x34: {  	[smem:$0x3FBA] =	sst s10  }
0x35: {  	s10 =	sld [smem:$0x3FB9];
	_ =	sdelay $0x3  }
0x36: {  	p1 =	seq.s32 s10, $0x1;
	s10 =	sld [smem:$0x3FBA];
	_ =	sdelay $0x3  }
0x37: {  	[smem:$0x3FBA] =	sst s10  }
0x38: {  	s10 =	sld [smem:$0x3FBB]  }
0x39: {  	_ = 	snop;
	(pc) =	sbr.ind lr, $3  }
0x3a: {  	_ = 	snop  }
0x3b: {  	_ = 	snop  }
0x3c: {  	p2 =	seq.s32 s10, $0x1;
	s10 =	sld [smem:$0x3FBA]  }
0x3d: {  	_ =	shalt  }
0x3e: {  	_ =	shalt  }
0x3f: {  	_ =	shalt  }
0x40: {  	_ =	shalt  }
0x41: {  	_ =	shalt  }
0x42: {  	_ =	shalt  }
0x43: {  	_ =	shalt  }
0x44: {  	_ =	shalt  }
0x45: {  	_ =	shalt  }
0x46: {  	_ =	shalt  }
0x47: {  	_ =	shalt  }
0x48: {  	_ =	shalt  }
0x49: {  	_ =	shalt  }
0x4a: {  	_ =	shalt  }
0x4b: {  	_ =	shalt  }
0x4c: {  	_ =	shalt  }
0x4d: {  	_ =	shalt  }
0x4e: {  	_ =	shalt  }
0x4f: {  	_ =	shalt  }
0x50: {  	_ =	shalt  }
0x51: {  	_ =	shalt  }
0x52: {  	_ =	shalt  }
0x53: {  	_ =	shalt  }
0x54: {  	_ =	shalt  }
0x55: {  	_ =	shalt  }
0x56: {  	_ =	shalt  }
0x57: {  	_ =	shalt  }
0x58: {  	_ =	shalt  }
0x59: {  	_ =	shalt  }
0x5a: {  	_ =	shalt  }
0x5b: {  	_ =	shalt  }
0x5c: {  	_ =	shalt  }
0x5d: {  	_ =	shalt  }
0x5e: {  	_ =	shalt  }
0x5f: {  	_ =	shalt  }
0x60: {  	_ =	shalt  }
0x61: {  	_ =	shalt  }
0x62: {  	_ =	shalt  }
0x63: {  	_ =	shalt  }
0x64: {  	_ =	shalt  }
0x65: {  	_ =	shalt  }
0x66: {  	_ =	shalt  }
0x67: {  	_ =	shalt  }
0x68: {  	_ =	shalt  }
0x69: {  	_ =	shalt  }
0x6a: {  	_ =	shalt  }
0x6b: {  	_ =	shalt  }
0x6c: {  	_ =	shalt  }
0x6d: {  	_ =	shalt  }
0x6e: {  	_ =	shalt  }
0x6f: {  	_ =	shalt  }
0x70: {  	_ =	shalt  }
0x71: {  	_ =	shalt  }
0x72: {  	_ =	shalt  }
0x73: {  	_ =	shalt  }
0x74: {  	_ =	shalt  }
0x75: {  	_ =	shalt  }
0x76: {  	_ =	shalt  }
0x77: {  	_ =	shalt  }
0x78: {  	_ =	shalt  }
0x79: {  	_ =	shalt  }
0x7a: {  	_ =	shalt  }
0x7b: {  	_ =	shalt  }
0x7c: {  	_ =	shalt  }
0x7d: {  	_ =	shalt  }
0x7e: {  	_ =	shalt  }
0x7f: {  	_ =	shalt  }
0x80: {  	_ =	shalt  }
0x81: {  	_ =	shalt  }
0x82: {  	_ =	shalt  }
0x83: {  	_ =	shalt  }
0x84: {  	_ =	shalt  }
0x85: {  	_ =	shalt  }
0x86: {  	_ =	shalt  }
0x87: {  	_ =	shalt  }
.Lfunc_end0:
.L_simem_size_0:
called_computation_lowered:
.L_overlay_start_0:
0x88: {  	s2 =	sld [smem:$0x3FD9]  }
0x89: {  	s3 =	sld [smem:$0x3FFE];
	_ =	sdelay $0x1  }
0x8a: {  	s1 =	srdreg.scid  }
0x8b: {  	s0 =	sand.u32 $0x1, s1  }
0x8c: {  	s17 =	sshll.u32 s0, $0xA;
	s2 =	sadd.s32 s3, s2  }
0x8d: {  	s2 =	sadd.s32 s2, s17  }
0x8e: {  	[smem:$0x3FC6] =	sst s2  }
0x8f: {  	_ = 	snop  }
0x90: {  	s2 =	sld [smem:$0x3FC9]  }
0x91: {  	s18 =	sld [smem:$0x3FD0];
	(tm) =	ssettm $0x1  }
0x92: {  	s4 =	sld [smem:$0x3FFB];
	_ =	sdelay $0x3  }
0x93: {  	_ =	strace s4  }
0x94: {  	s4 =	sld [smem:$0x3FFC];
	_ =	sdelay $0x3  }
0x95: {  	_ =	strace s4  }
0x96: {  	s4 =	sld [smem:$0x3FFD];
	_ =	sdelay $0x3  }
0x97: {  	_ =	strace s4  }
0x98: {  	_ =	strace $0x8FFFFFFF  }
0x99: {  	s19 =	sld [smem:$0x3FDB];
	_ =	sdelay $0x1  }
0x9a: {  	s5 =	simm.s32 $_scs_section_size  }
0x9b: {  	s6 =	simm.s32 $_size__tile_overlayer_lowered;
	s7 =	simm.s32 $_tile_overlayer_lowered  }
0x9c: {  	s22 =	simm.s32 $0x1BFF;
	s21 =	sshll.u32 s7, $0x1;
	s4 =	sadd.s32 s5, s19  }
0x9d: {  	s8 =	simm.s32 $0x0;
	s20 =	sshll.u32 s6, $0x1;
	s6 =	sadd.s32 s21, s4  }
0x9e: {  	[timem:s8], [sflag:s22] =	dma.local [hbm:s6], s20  }
0x9f: {  	_ =	swait.ge [sflag:s22], s20  }
0xa0: {  	s5 =	ssub.s32 $0x0, s20;
	[sflag:s22] =	ssyncset.done $0x0  }
0xa1: {  	[sflag:s22] =	ssyncadd.s32 s5;
	_ =	sdelay $0x1  }
0xa2: {  	s23 =	simm.s32 $0x1B8B  }
0xa3: {  	_ =	swait.ge [sflag:s23], $0x1  }
0xa4: {  	[sflag:s23] =	ssyncset.done $0x0  }
0xa5: {  	s25 =	simm.s32 $0x1B8E;
	s24 =	sld [smem:$0x3FFE];
	[sflag:s23] =	ssyncadd.s32 $0xFFFFFFFF  }
0xa6: {  	s26 =	simm.s32 $execute0_lowered;
	[smem:$0x3FD2] =	sst s25  }
0xa7: {  	s6 =	sshll.u32 s26, $0x1;
	_ =	strace $0x80000046;
	[dreg:$0x1] =	wrdreg $0xFFFFFFFF  }
0xa8: {  	s28 =	simm.s32 $_size_execute0_lowered;
	s4 =	sadd.s32 s4, s6;
	[dreg:$0x0] =	wrdreg $0x0  }
0xa9: {  	s6 =	sshll.u32 s28, $0x1;
	[dreg:$0x2] =	wrdreg s4  }
0xaa: {  	[dreg:$0x3] =	wrdreg s6  }
0xab: {  	[dreg:$0x4] =	wrdreg $0xC0  }
0xac: {  	_ =	task [dreg:s8], $0x5FFFF  }
0xad: {  	[dreg:$0x1] =	wrdreg $0xFFFFFFFF  }
0xae: {  	[dreg:$0x0] =	wrdreg $0x60  }
0xaf: {  	[dreg:$0x2] =	wrdreg s24  }
0xb0: {  	[dreg:$0x3] =	wrdreg s2  }
0xb1: {  	[dreg:$0x4] =	wrdreg s18  }
0xb2: {  	[dreg:$0x5] =	wrdreg $0x9  }
0xb3: {  	_ =	task.clear_ibuf [dreg:s8], $0x6FFFF;
	_ =	strace $0x90000046  }
0xb4: {  	s29 =	simm.s32 $0x9;
	_ =	strace $0x80000048  }
0xb5: {  	_ =	swait.ge [sflag:s29], $0x1  }
0xb6: {  	[sflag:s29] =	ssyncadd.s32 $0xFFFFFFFF  }
0xb7: {  	_ =	strace $0x90000048  }
0xb8: {  	_ =	sfence  }
0xb9: {  	s30 =	sld [smem:$0x0];
	_ =	sdelay $0x2  }
0xba: {  	s31 =	sshll.u32 s1, $0xD;
	s1 =	sshrl.u32 s1, $0x2  }
0xbb: {  	s3 =	sand.u32 $0x4000, s31;
	s1 =	sadd.s32 s1, s30  }
0xbc: {  	s0 =	sor.u32 s3, s0;
	s1 =	sshll.u32 s1, $0x11  }
0xbd: {  	s0 =	sor.u32 s1, s0  }
0xbe: {  	s0 =	sadd.s32 $0x8F2B, s0  }
0xbf: {  	[sflag:s0] =	ssyncadd.remote.s32 $0x1  }
0xc0: {  	_ =	sfence.sel $0xFFFF  }
0xc1: {  	[dreg:$0x0] =	wrdreg $0xFFFFFFFF;
	(pc) =	sbr.abs _section_cstart, $3  }
0xc2: {  	[dreg:$0x1] =	wrdreg $0xFFFFFFFF  }
0xc3: {  	_ =	task.clear_ibuf [dreg:s8], $0x2FFFF;
	_ =	strace $0x9FFFFFFF  }
0xc4: {  	(tm) =	ssettm $0x7FFFFFFF  }
0xc5: {  	_ =	shalt  }
tec
execute0_lowered:
.L_overlay_start_1:
0x0: {  	(tag) =	ssettag $0x1  }
0x1: {  	s0 =	rddreg [dreg:$0x0]  }
0x2: {  	s2 =	rddreg [dreg:$0x1]  }
0x3: {  	s3 =	rddreg [dreg:$0x2]  }
0x4: {  	s4 =	srdreg.scid;
	s1 =	simm.s32 $0x0;
	s7 =	stileid.u32  }
0x5: {  	s28 =	simm.s32 $0x5;
	[smem:$0x7FF] =	sst s1;
	s8 =	sadd.s32 $0x400, s0  }
0x6: {  	s13 =	sadd.s32 $0x7E8, s0;
	_ =	strace $0x80000047;
	[dreg:$0x4] =	wrdreg s8  }
0x7: {  	s29 =	simm.s32 $0x8;
	s14 =	sadd.s32 $0xBD0, s0;
	[dreg:$0x5] =	wrdreg s13  }
0x8: {  	s4 =	sand.u32 $0x1, s4;
	s15 =	sadd.s32 $0xFB8, s0;
	[dreg:$0x6] =	wrdreg s14  }
0x9: {  	s12 =	sshll.u32 s7, $0x1;
	s16 =	sadd.s32 $0x13A0, s0;
	[dreg:$0x7] =	wrdreg s15  }
0xa: {  	s17 =	sadd.s32 $0x1788, s0;
	s18 =	sadd.s32 $0x1B70, s0;
	[dreg:$0x8] =	wrdreg s16  }
0xb: {  	s5 =	ssub.s32 $0x2, s4;
	s4 =	sor.u32 s4, s12;
	[dreg:$0x9] =	wrdreg s17  }
0xc: {  	s0 =	sadd.s32 $0x1F58, s0;
	[dreg:$0xa] =	wrdreg s18;
	s19 =	sshll.u32 s4, $0x6  }
0xd: {  	[dreg:$0xb] =	wrdreg s0;
	s4 =	sshll.u32 s4, $0x9;
	s20 =	sadd.s32 s2, s19  }
0xe: {  	s9 =	simm.s32 $0x0;
	s21 =	sadd.s32 s3, s4;
	[dreg:$0xc] =	wrdreg s20  }
0xf: {  	s7 =	simm.s32 $0xF;
	s22 =	sadd.s32 $0x4000, s21;
	[dreg:$0xd] =	wrdreg s21  }
0x10: {  	s8 =	simm.s32 $0x10;
	s23 =	sadd.s32 $0x8000, s21;
	[dreg:$0xe] =	wrdreg s22  }
0x11: {  	s6 =	sshrl.u32 s5, $0x1;
	s24 =	sadd.s32 $0xC000, s21;
	[dreg:$0xf] =	wrdreg s23  }
0x12: {  	s5 =	ssub.s32 s5, s6;
	s25 =	sadd.s32 $0x10000, s21;
	[dreg:$0x10] =	wrdreg s24  }
0x13: {  	s2 =	simm.s32 $0x2;
	s26 =	sadd.s32 $0x14000, s21;
	[dreg:$0x11] =	wrdreg s25  }
0x14: {  	s3 =	simm.s32 $0xB;
	s30 =	sadd.s32 $0x18000, s21;
	[dreg:$0x12] =	wrdreg s26  }
0x15: {  	s4 =	simm.s32 $0xC;
	s0 =	sadd.s32 $0x1C000, s21;
	[dreg:$0x13] =	wrdreg s30  }
0x16: {  	s6 =	simm.s32 $0xE;
	s31 =	smax.u32 s5, $0x1;
	[dreg:$0x14] =	wrdreg s0  }
0x17: {  	s21 =	simm.s32 $0x200;
	s5 =	simm.s32 $0xD;
	[dreg:$0x15] =	wrdreg s31  }
0x18: {  	s23 =	simm.s32 $0x3;
	s25 =	simm.s32 $0x4;
	s0 =	simm.s32 $0x6  }
0x19: {  	s24 =	simm.s32 $0x7;
	s26 =	simm.s32 $0x9;
	s22 =	simm.s32 $0xA  }
.LBB2_1:
0x1a: {  	s10 =	rddreg [dreg:$0x4]  }
0x1b: {  	[tilespmem:s21], [sflag:$0x1] =	stream.linear.gather [hbm4b:s10+s1], $0x1F40, $0x38;
	[tilespmem:$0x17C00] =	vst v63  }
0x1c: {  	s12 =	rddreg [dreg:$0x5];
	s11 =	simm.s32 $0x2140  }
0x1d: {  	[tilespmem:s11], [sflag:$0x2] =	stream.linear.gather [hbm4b:s12+s1], $0x1F40, $0x38;
	[tilespmem:$0x17C00] =	vst v63  }
0x1e: {  	s13 =	rddreg [dreg:$0x6];
	s14 =	simm.s32 $0x4080  }
0x1f: {  	[tilespmem:s14], [sflag:$0x3] =	stream.linear.gather [hbm4b:s13+s1], $0x1F40, $0x38;
	[tilespmem:$0x17C00] =	vst v63  }
0x20: {  	s15 =	rddreg [dreg:$0x7];
	s16 =	simm.s32 $0x5FC0  }
0x21: {  	[tilespmem:s16], [sflag:$0x4] =	stream.linear.gather [hbm4b:s15+s1], $0x1F40, $0x38;
	[tilespmem:$0x17C00] =	vst v63  }
0x22: {  	s17 =	rddreg [dreg:$0x8];
	s18 =	simm.s32 $0x7F00  }
0x23: {  	[tilespmem:s18], [sflag:$0x5] =	stream.linear.gather [hbm4b:s17+s1], $0x1F40, $0x38;
	[tilespmem:$0x17C00] =	vst v63  }
0x24: {  	s19 =	rddreg [dreg:$0x9];
	s20 =	simm.s32 $0x9E40  }
0x25: {  	[tilespmem:s20], [sflag:$0x6] =	stream.linear.gather [hbm4b:s19+s1], $0x1F40, $0x38;
	[tilespmem:$0x17C00] =	vst v63  }
0x26: {  	s30 =	rddreg [dreg:$0xa];
	s31 =	simm.s32 $0xBD80  }
0x27: {  	[tilespmem:s31], [sflag:$0x7] =	stream.linear.gather [hbm4b:s30+s1], $0x1F40, $0x38;
	[tilespmem:$0x17C00] =	vst v63  }
0x28: {  	s11 =	rddreg [dreg:$0xb];
	s12 =	simm.s32 $0xDCC0  }
0x29: {  	[tilespmem:s12], [sflag:$0x8] =	stream.linear.gather [hbm4b:s11+s1], $0x1F40, $0x38;
	[tilespmem:$0x17C00] =	vst v63  }
0x2a: {  	s13 =	rddreg [dreg:$0xc];
	s14 =	simm.s32 $0x11  }
0x2b: {  	[tilespmem:s1], [sflag:$0x11] =	stream.linear.gather [hbm4b:s13+s1], $0x200, $0x38;
	[tilespmem:$0x17C00] =	vst v63  }
0x2c: {  	_ =	swait.ge [sflag:s14], $0x200  }
0x2d: {  	[sflag:s14] =	ssyncset.done $0x0  }
0x2e: {  	s15 =	simm.s32 $0x1;
	[sflag:s14] =	ssyncadd.s32 $0xFFFFFE00  }
0x2f: {  	_ =	swait.ge [sflag:s15], $0x1F40  }
0x30: {  	[sflag:s15] =	ssyncset.done $0x0  }
0x31: {  	[sflag:s15] =	ssyncadd.s32 $0xFFFFE0C0  }
0x32: {  	v1 =	vld [tilespmem:s8+$0x0];
	_ =	sdelay $0x1  }
0x33: {  	v2 =	vld [tilespmem:s8+$0xFFFFFFF0];
	_ =	sdelay $0x5  }
0x34: {  	v0 =	vld.idx.msk [tilespmem:v1+s21+$0x0], $0xffff  }
0x35: {  	v4 =	vadd.s32 $0x3E8, v1  }
0x36: {  	s16 =	sand.u32 $0xC00, s1;
	v3 =	vld.idx.msk [tilespmem:v2+s21+$0x0], $0xffff  }
0x37: {  	s10 =	sadd.s32 $0xFC00, s16;
	s17 =	simm.s32 $0x0;
	s12 =	sand.u32 $0x70, s8;
	v5 =	vadd.s32 $0x3E8, v2  }
0x38: {  	s18 =	simm.s32 $0x30;
	s11 =	sand.u32 $0x60, s17;
	s17 =	sor.u32 s12, s10  }
0x39: {  	v7 =	vld [tilespmem:s18+$0x0];
	[tilespmem:s17+$0x0] =	vst v0  }
0x3a: {  	s10 =	sor.u32 s11, s10;
	v0 =	vld.idx.msk [tilespmem:v4+s21+$0x0], $0xffff  }
0x3b: {  	[tilespmem:s10+$0x0] =	vst v3;
	v4 =	vadd.s32 $0x7D0, v1  }
0x3c: {  	v3 =	vld.idx.msk [tilespmem:v5+s21+$0x0], $0xffff  }
0x3d: {  	v6 =	vadd.s32 $0x7D0, v2;
	v5 =	vld [tilespmem:s18+$0xFFFFFFF0];
	_ =	sdelay $0x1  }
0x3e: {  	[tilespmem:s17+$0x80] =	vst v0  }
0x3f: {  	v0 =	vld.idx.msk [tilespmem:v4+s21+$0x0], $0xffff  }
0x40: {  	v8 =	vld.idx.msk [tilespmem:v7+s21+$0x0], $0xffff;
	[tilespmem:s10+$0x80] =	vst v3;
	v3 =	vadd.s32 $0xBB8, v1  }
0x41: {  	s19 =	simm.s32 $0x100;
	v4 =	vld.idx.msk [tilespmem:v6+s21+$0x0], $0xffff  }
0x42: {  	s12 =	sand.u32 $0xC00, s19;
	v10 =	vadd.s32 $0x3E8, v7  }
0x43: {  	s11 =	sand.u32 $0x70, s18;
	s12 =	sadd.s32 $0xFC00, s12;
	v6 =	vadd.s32 $0xBB8, v2  }
0x44: {  	s11 =	sor.u32 s11, s12;
	v9 =	vld.idx.msk [tilespmem:v5+s21+$0x0], $0xffff;
	[tilespmem:s17+$0x100] =	vst v0  }
0x45: {  	s20 =	simm.s32 $0x50;
	[tilespmem:s11+$0x0] =	vst v8;
	v11 =	vadd.s32 $0x3E8, v5;
	v3 =	vld.idx.msk [tilespmem:v3+s21+$0x0], $0xffff  }
0x46: {  	s13 =	simm.s32 $0x20;
	v12 =	vld [tilespmem:s20+$0xFFFFFFF0];
	[tilespmem:s10+$0x100] =	vst v4;
	v4 =	vadd.s32 $0xFA0, v1  }
0x47: {  	s13 =	sand.u32 $0x60, s13;
	v8 =	vld.idx.msk [tilespmem:v10+s21+$0x0], $0xffff  }
0x48: {  	s13 =	sor.u32 s13, s12;
	v6 =	vld.idx.msk [tilespmem:v6+s21+$0x0], $0xffff  }
0x49: {  	s14 =	simm.s32 $0x200;
	v10 =	vadd.s32 $0xFA0, v2;
	v0 =	vld [tilespmem:s20+$0x0];
	[tilespmem:s13+$0x0] =	vst v9  }
0x4a: {  	s14 =	sand.u32 $0xC00, s14;
	s15 =	simm.s32 $0x40;
	v9 =	vld.idx.msk [tilespmem:v11+s21+$0x0], $0xffff;
	[tilespmem:s17+$0x180] =	vst v3;
	v3 =	vadd.s32 $0x7D0, v7  }
0x4b: {  	s12 =	sand.u32 $0x70, s20;
	s16 =	sadd.s32 $0xFC00, s14;
	s15 =	sand.u32 $0x60, s15;
	v11 =	vadd.s32 $0x7D0, v5;
	v4 =	vld.idx.msk [tilespmem:v4+s21+$0x0], $0xffff  }
0x4c: {  	s14 =	sor.u32 s12, s16;
	s15 =	sor.u32 s15, s16;
	s16 =	simm.s32 $0x70;
	v13 =	vadd.s32 $0x1388, v1  }
0x4d: {  	v19 =	vld [tilespmem:s16+$0xFFFFFFF0];
	[tilespmem:s10+$0x180] =	vst v6  }
0x4e: {  	[tilespmem:s11+$0x80] =	vst v8;
	v6 =	vld.idx.msk [tilespmem:v10+s21+$0x0], $0xffff  }
0x4f: {  	v8 =	vadd.s32 $0x1388, v2;
	[tilespmem:s13+$0x80] =	vst v9;
	v3 =	vld.idx.msk [tilespmem:v3+s21+$0x0], $0xffff  }
0x50: {  	v10 =	vadd.s32 $0xBB8, v7;
	v9 =	vld.idx.msk [tilespmem:v11+s21+$0x0], $0xffff;
	[tilespmem:s17+$0x200] =	vst v4  }
0x51: {  	v4 =	vadd.s32 $0xBB8, v5;
	v11 =	vld.idx.msk [tilespmem:v13+s21+$0x0], $0xffff  }
0x52: {  	v14 =	vadd.s32 $0x1770, v1;
	v13 =	vld.idx.msk [tilespmem:v0+s21+$0x0], $0xffff  }
0x53: {  	v15 =	vadd.s32 $0x3E8, v0;
	[tilespmem:s10+$0x200] =	vst v6;
	v6 =	vld.idx.msk [tilespmem:v12+s21+$0x0], $0xffff  }
0x54: {  	[tilespmem:s11+$0x100] =	vst v3;
	v3 =	vld.idx.msk [tilespmem:v8+s21+$0x0], $0xffff  }
0x55: {  	v16 =	vadd.s32 $0x3E8, v12;
	[tilespmem:s13+$0x100] =	vst v9;
	v8 =	vld.idx.msk [tilespmem:v10+s21+$0x0], $0xffff  }
0x56: {  	v4 =	vld.idx.msk [tilespmem:v4+s21+$0x0], $0xffff;
	[tilespmem:s17+$0x280] =	vst v11  }
0x57: {  	v9 =	vadd.s32 $0xFA0, v7;
	[tilespmem:s14+$0x0] =	vst v13;
	v10 =	vld.idx.msk [tilespmem:v14+s21+$0x0], $0xffff  }
0x58: {  	[tilespmem:s15+$0x0] =	vst v6;
	v11 =	vadd.s32 $0xFA0, v5;
	v6 =	vld.idx.msk [tilespmem:v15+s21+$0x0], $0xffff  }
0x59: {  	v14 =	vadd.s32 $0x1B58, v1;
	v1 =	vld [tilespmem:s16+$0x0]  }
0x5a: {  	v13 =	vld.idx.msk [tilespmem:v16+s21+$0x0], $0xffff;
	v15 =	vadd.s32 $0x7D0, v0  }
0x5b: {  	v21 =	vld.idx.msk [tilespmem:v19+s21+$0x0], $0xffff;
	[tilespmem:s11+$0x180] =	vst v8;
	v8 =	vadd.s32 $0x7D0, v12  }
0x5c: {  	[tilespmem:s13+$0x180] =	vst v4;
	v9 =	vld.idx.msk [tilespmem:v9+s21+$0x0], $0xffff  }
0x5d: {  	v16 =	vadd.s32 $0x1770, v2;
	v4 =	vld.idx.msk [tilespmem:v11+s21+$0x0], $0xffff;
	[tilespmem:s17+$0x300] =	vst v10  }
0x5e: {  	v11 =	vadd.s32 $0x1388, v7;
	[tilespmem:s14+$0x80] =	vst v6;
	v6 =	vld.idx.msk [tilespmem:v14+s21+$0x0], $0xffff  }
0x5f: {  	[tilespmem:s15+$0x80] =	vst v13;
	v13 =	vadd.s32 $0x1388, v5;
	v10 =	vld.idx.msk [tilespmem:v15+s21+$0x0], $0xffff  }
0x60: {  	[tilespmem:s10+$0x280] =	vst v3;
	v3 =	vld.idx.msk [tilespmem:v8+s21+$0x0], $0xffff;
	v8 =	vadd.s32 $0xBB8, v0  }
0x61: {  	v25 =	vadd.s32 $0x3E8, v19;
	s18 =	simm.s32 $0x300;
	v20 =	vld.idx.msk [tilespmem:v1+s21+$0x0], $0xffff;
	[tilespmem:s11+$0x200] =	vst v9  }
0x62: {  	s31 =	simm.s32 $0x60;
	v22 =	vadd.s32 $0x1770, v7;
	s30 =	sand.u32 $0xC00, s18;
	v14 =	vadd.s32 $0xBB8, v12;
	v9 =	vld.idx.msk [tilespmem:v16+s21+$0x0], $0xffff;
	[tilespmem:s13+$0x200] =	vst v4  }
0x63: {  	s19 =	sand.u32 $0x70, s16;
	s12 =	sadd.s32 $0xFC00, s30;
	s20 =	sand.u32 $0x60, s31;
	v23 =	vadd.s32 $0x3E8, v1;
	v16 =	vadd.s32 $0x1B58, v2;
	v4 =	vadd.s32 $0x1770, v5;
	v15 =	vld.idx.msk [tilespmem:v11+s21+$0x0], $0xffff;
	[tilespmem:s17+$0x380] =	vst v6  }
0x64: {  	v2 =	vadd.s32 $0x1B58, v5;
	v5 =	vadd.s32 $0x1B58, v19;
	v24 =	vld.idx.msk [tilespmem:v13+s21+$0x0], $0xffff;
	v11 =	vadd.s32 $0xFA0, v12;
	[tilespmem:s14+$0x100] =	vst v10;
	s17 =	sor.u32 s19, s12;
	s19 =	sor.u32 s20, s12  }
0x65: {  	v13 =	vadd.s32 $0xBB8, v19;
	v6 =	vadd.s32 $0x1770, v12;
	v10 =	vadd.s32 $0x1388, v19;
	[tilespmem:s19+$0x0] =	vst v21;
	v17 =	vld.idx.msk [tilespmem:v8+s21+$0x0], $0xffff  }
0x66: {  	[tilespmem:s15+$0x100] =	vst v3;
	v8 =	vadd.s32 $0x1388, v12;
	v3 =	vadd.s32 $0x1B58, v12;
	v12 =	vadd.s32 $0x7D0, v19;
	v21 =	vld.idx.msk [tilespmem:v25+s21+$0x0], $0xffff  }
0x67: {  	v18 =	vld.idx.msk [tilespmem:v14+s21+$0x0], $0xffff;
	[tilespmem:s10+$0x300] =	vst v9;
	v14 =	vadd.s32 $0xFA0, v19;
	v9 =	vadd.s32 $0x1770, v19;
	v19 =	vadd.s32 $0xFA0, v0  }
0x68: {  	[tilespmem:s11+$0x280] =	vst v15;
	v16 =	vld.idx.msk [tilespmem:v16+s21+$0x0], $0xffff  }
0x69: {  	[tilespmem:s17+$0x0] =	vst v20;
	v15 =	vld.idx.msk [tilespmem:v22+s21+$0x0], $0xffff  }
0x6a: {  	v7 =	vadd.s32 $0x1B58, v7;
	s20 =	simm.s32 $0x6;
	s12 =	simm.s32 $0x90;
	v20 =	vld.idx.msk [tilespmem:v23+s21+$0x0], $0xffff;
	[tilespmem:s13+$0x280] =	vst v24  }
.LBB2_2:
0x6b: {  	v22 =	vld [tilespmem:s12+$0x0];
	v23 =	vadd.s32 $0x7D0, v1;
	[tilespmem:s14+$0x180] =	vst v17  }
0x6c: {  	s20 =	sadd.s32 $0x2, s20;
	[tilespmem:s15+$0x180] =	vst v18;
	v17 =	vld.idx.msk [tilespmem:v19+s21+$0x0], $0xffff  }
0x6d: {  	p0 =	slt.u32 s20, $0x1E;
	v18 =	vld [tilespmem:s12+$0xFFFFFFF0];
	[tilespmem:s10+$0x380] =	vst v16;
	s10 =	smov.u32 s13;
	s13 =	smov.u32 s15  }
0x6e: {  	v19 =	vadd.s32 $0x1388, v0;
	s15 =	smov.u32 s19;
	v16 =	vld.idx.msk [tilespmem:v11+s21+$0x0], $0xffff;
	[tilespmem:s11+$0x300] =	vst v15;
	v11 =	vmov v14  }
0x6f: {  	[tilespmem:s17+$0x80] =	vst v20;
	v7 =	vld.idx.msk [tilespmem:v7+s21+$0x0], $0xffff  }
0x70: {  	[tilespmem:s15+$0x80] =	vst v21;
	v15 =	vld.idx.msk [tilespmem:v23+s21+$0x0], $0xffff  }
0x71: {  	v20 =	vld.idx.msk [tilespmem:v12+s21+$0x0], $0xffff  }
0x72: {  	v23 =	vadd.s32 $0xBB8, v1;
	v21 =	vadd.s32 $0x3E8, v18;
	v12 =	vadd.s32 $0x7D0, v18;
	[tilespmem:s14+$0x200] =	vst v17;
	v24 =	vld.idx.msk [tilespmem:v4+s21+$0x0], $0xffff;
	v4 =	vmovc v6;
	v6 =	vmovc v9  }
0x73: {  	v25 =	vadd.s32 $0xBB8, v18;
	v14 =	vadd.s32 $0xFA0, v18;
	v17 =	vadd.s32 $0x1388, v18;
	v26 =	vld.idx.msk [tilespmem:v19+s21+$0x0], $0xffff  }
0x74: {  	v9 =	vadd.s32 $0x1770, v18;
	v27 =	vadd.s32 $0x1B58, v18;
	v28 =	vld.idx.msk [tilespmem:v22+s21+$0x0], $0xffff;
	[tilespmem:s13+$0x200] =	vst v16  }
0x75: {  	v30 =	vadd.s32 $0x1770, v0;
	v29 =	vld.idx.msk [tilespmem:v18+s21+$0x0], $0xffff;
	[tilespmem:s11+$0x380] =	vst v7;
	s11 =	smov.u32 s14;
	s14 =	smov.u32 s17  }
0x76: {  	s18 =	sadd.s32 $0x100, s18;
	s16 =	sadd.s32 $0x20, s16;
	v7 =	vadd.s32 $0x3E8, v22;
	[tilespmem:s14+$0x100] =	vst v15;
	v31 =	vld.idx.msk [tilespmem:v8+s21+$0x0], $0xffff;
	v8 =	vmov v10;
	v10 =	vmov v17  }
0x77: {  	s19 =	sadd.s32 $0xFFFFFFF0, s16;
	s17 =	sand.u32 $0xC00, s18;
	[tilespmem:s15+$0x100] =	vst v20;
	v17 =	vld.idx.msk [tilespmem:v23+s21+$0x0], $0xffff  }
.Ltmp0:
0x78: {  	s30 =	sadd.s32 $0xFC00, s17;
	s17 =	sand.u32 $0x70, s16;
	v18 =	vld.idx.msk [tilespmem:v13+s21+$0x0], $0xffff;
	[tilespmem:s10+$0x300] =	vst v24;
	(pc) =	sbr.rel @p0 .LBB2_2-.Ltmp0, $4  }
0x79: {  	s19 =	sand.u32 $0x60, s19;
	v19 =	vadd.s32 $0xFA0, v1;
	s17 =	sor.u32 s17, s30;
	v13 =	vmovc v25;
	[tilespmem:s11+$0x280] =	vst v26;
	v16 =	vld.idx.msk [tilespmem:v2+s21+$0x0], $0xffff;
	v2 =	vmovc v3;
	v3 =	vmov v5;
	v5 =	vmov v27  }
0x7a: {  	s19 =	sor.u32 s19, s30;
	[tilespmem:s17+$0x0] =	vst v28;
	v15 =	vld.idx.msk [tilespmem:v30+s21+$0x0], $0xffff  }
0x7b: {  	[tilespmem:s19+$0x0] =	vst v29;
	v20 =	vld.idx.msk [tilespmem:v7+s21+$0x0], $0xffff  }
0x7c: {  	s12 =	sadd.s32 $0x20, s12;
	v7 =	vadd.s32 $0x1B58, v0;
	v0 =	vmov v1;
	v1 =	vmov v22;
	v21 =	vld.idx.msk [tilespmem:v21+s21+$0x0], $0xffff;
	[tilespmem:s13+$0x280] =	vst v31  }
0x7d: {  	v22 =	vadd.s32 $0x7D0, v1;
	_ =	sdelay $0x3  }
0x7e: {  	[tilespmem:s17+$0x80] =	vst v20  }
0x7f: {  	[tilespmem:s19+$0x80] =	vst v21;
	v20 =	vld.idx.msk [tilespmem:v22+s21+$0x0], $0xffff  }
0x80: {  	v21 =	vadd.s32 $0xBB8, v1;
	v12 =	vld.idx.msk [tilespmem:v12+s21+$0x0], $0xffff;
	_ =	sdelay $0x3  }
0x81: {  	[tilespmem:s17+$0x100] =	vst v20  }
0x82: {  	[tilespmem:s19+$0x100] =	vst v12;
	v12 =	vld.idx.msk [tilespmem:v21+s21+$0x0], $0xffff  }
0x83: {  	v20 =	vadd.s32 $0xFA0, v1;
	v13 =	vld.idx.msk [tilespmem:v13+s21+$0x0], $0xffff;
	_ =	sdelay $0x1  }
0x84: {  	[tilespmem:s14+$0x180] =	vst v17  }
0x85: {  	[tilespmem:s15+$0x180] =	vst v18;
	v17 =	vld.idx.msk [tilespmem:v19+s21+$0x0], $0xffff  }
0x86: {  	v18 =	vadd.s32 $0x1388, v0;
	v11 =	vld.idx.msk [tilespmem:v11+s21+$0x0], $0xffff;
	[tilespmem:s17+$0x180] =	vst v12  }
0x87: {  	[tilespmem:s19+$0x180] =	vst v13;
	v12 =	vld.idx.msk [tilespmem:v20+s21+$0x0], $0xffff  }
0x88: {  	v13 =	vld.idx.msk [tilespmem:v14+s21+$0x0], $0xffff;
	v14 =	vadd.s32 $0x1388, v1;
	_ =	sdelay $0x1  }
0x89: {  	[tilespmem:s14+$0x200] =	vst v17  }
0x8a: {  	[tilespmem:s15+$0x200] =	vst v11;
	v17 =	vld.idx.msk [tilespmem:v18+s21+$0x0], $0xffff  }
0x8b: {  	v11 =	vadd.s32 $0x1770, v0;
	v8 =	vld.idx.msk [tilespmem:v8+s21+$0x0], $0xffff;
	[tilespmem:s17+$0x200] =	vst v12  }
0x8c: {  	[tilespmem:s19+$0x200] =	vst v13;
	v12 =	vld.idx.msk [tilespmem:v14+s21+$0x0], $0xffff  }
0x8d: {  	v13 =	vadd.s32 $0x1770, v1;
	v10 =	vld.idx.msk [tilespmem:v10+s21+$0x0], $0xffff  }
0x8e: {  	[tilespmem:s10+$0x380] =	vst v16  }
0x8f: {  	v4 =	vld.idx.msk [tilespmem:v4+s21+$0x0], $0xffff;
	[tilespmem:s14+$0x280] =	vst v17  }
0x90: {  	[tilespmem:s15+$0x280] =	vst v8;
	v11 =	vld.idx.msk [tilespmem:v11+s21+$0x0], $0xffff  }
0x91: {  	v0 =	vadd.s32 $0x1B58, v0;
	v6 =	vld.idx.msk [tilespmem:v6+s21+$0x0], $0xffff;
	[tilespmem:s17+$0x280] =	vst v12  }
0x92: {  	[tilespmem:s19+$0x280] =	vst v10;
	v8 =	vld.idx.msk [tilespmem:v13+s21+$0x0], $0xffff  }
0x93: {  	[tilespmem:s11+$0x300] =	vst v15;
	v1 =	vadd.s32 $0x1B58, v1;
	v9 =	vld.idx.msk [tilespmem:v9+s21+$0x0], $0xffff  }
0x94: {  	v7 =	vld.idx.msk [tilespmem:v7+s21+$0x0], $0xffff;
	[tilespmem:s13+$0x300] =	vst v4  }
0x95: {  	v2 =	vld.idx.msk [tilespmem:v2+s21+$0x0], $0xffff;
	[tilespmem:s14+$0x300] =	vst v11  }
0x96: {  	[tilespmem:s15+$0x300] =	vst v6;
	v0 =	vld.idx.msk [tilespmem:v0+s21+$0x0], $0xffff  }
0x97: {  	v3 =	vld.idx.msk [tilespmem:v3+s21+$0x0], $0xffff;
	[tilespmem:s17+$0x300] =	vst v8  }
0x98: {  	[tilespmem:s19+$0x300] =	vst v9;
	v1 =	vld.idx.msk [tilespmem:v1+s21+$0x0], $0xffff  }
0x99: {  	[tilespmem:s11+$0x380] =	vst v7;
	v4 =	vld.idx.msk [tilespmem:v5+s21+$0x0], $0xffff  }
0x9a: {  	[tilespmem:s13+$0x380] =	vst v2  }
0x9b: {  	[tilespmem:s14+$0x380] =	vst v0  }
0x9c: {  	[tilespmem:s15+$0x380] =	vst v3  }
0x9d: {  	[tilespmem:s17+$0x380] =	vst v1  }
0x9e: {  	[tilespmem:s19+$0x380] =	vst v4  }
0x9f: {  	s20 =	simm.s32 $0x0;
	s12 =	simm.s32 $0xFC00;
	s11 =	rddreg [dreg:$0xd]  }
0xa0: {  	[hbm4b:s11+s20] =	stream.linear.scatter [tilespmem:s12], [sflag:$0x9], $0x1000, $0x38;
	[tilespmem:$0x17C00] =	vst v63  }
0xa1: {  	_ =	swait.ge [sflag:s2], $0x1F40  }
0xa2: {  	[sflag:s2] =	ssyncset.done $0x0  }
0xa3: {  	s30 =	simm.s32 $0x10;
	[sflag:s2] =	ssyncadd.s32 $0xFFFFE0C0  }
0xa4: {  	v3 =	vld [tilespmem:s30+$0x0];
	_ =	sdelay $0x4  }
0xa5: {  	v0 =	vadd.s32 $0x1F40, v3;
	_ =	sdelay $0x4  }
0xa6: {  	v0 =	vld.idx.msk [tilespmem:v0+s21+$0x0], $0xffff  }
0xa7: {  	v1 =	vadd.s32 $0x2328, v3  }
0xa8: {  	s10 =	sand.u32 $0xC00, s20  }
0xa9: {  	s31 =	sand.u32 $0x70, s30;
	s10 =	sadd.s32 $0xFC00, s10;
	v4 =	vld [tilespmem:s30+$0xFFFFFFF0]  }
0xaa: {  	s16 =	sor.u32 s31, s10;
	s13 =	simm.s32 $0x30  }
0xab: {  	[tilespmem:s16+$0x1000] =	vst v0;
	v0 =	vld [tilespmem:s13+$0x0]  }
0xac: {  	v1 =	vld.idx.msk [tilespmem:v1+s21+$0x0], $0xffff  }
0xad: {  	v2 =	vadd.s32 $0x2710, v3  }
0xae: {  	v5 =	vadd.s32 $0x1F40, v4;
	_ =	sdelay $0x1  }
0xaf: {  	v7 =	vld [tilespmem:s13+$0xFFFFFFF0]  }
0xb0: {  	v6 =	vadd.s32 $0x1F40, v0;
	[tilespmem:s16+$0x1080] =	vst v1  }
0xb1: {  	v1 =	vld.idx.msk [tilespmem:v2+s21+$0x0], $0xffff  }
0xb2: {  	v2 =	vld.idx.msk [tilespmem:v5+s21+$0x0], $0xffff;
	v5 =	vadd.s32 $0x2AF8, v3  }
0xb3: {  	v8 =	vadd.s32 $0x2328, v4  }
0xb4: {  	s14 =	simm.s32 $0x0;
	v9 =	vadd.s32 $0x1F40, v7  }
0xb5: {  	s12 =	sand.u32 $0x60, s14;
	v6 =	vld.idx.msk [tilespmem:v6+s21+$0x0], $0xffff  }
0xb6: {  	s15 =	simm.s32 $0x100;
	s10 =	sor.u32 s12, s10;
	v10 =	vadd.s32 $0x2328, v0;
	[tilespmem:s16+$0x1100] =	vst v1  }
0xb7: {  	s12 =	sand.u32 $0xC00, s15;
	[tilespmem:s10+$0x1000] =	vst v2;
	v2 =	vld.idx.msk [tilespmem:v5+s21+$0x0], $0xffff  }
0xb8: {  	s11 =	sand.u32 $0x70, s13;
	s12 =	sadd.s32 $0xFC00, s12;
	v5 =	vld.idx.msk [tilespmem:v8+s21+$0x0], $0xffff;
	v8 =	vadd.s32 $0x2EE0, v3  }
0xb9: {  	s17 =	simm.s32 $0x50;
	s11 =	sor.u32 s11, s12;
	v9 =	vld.idx.msk [tilespmem:v9+s21+$0x0], $0xffff  }
0xba: {  	v11 =	vadd.s32 $0x2710, v4;
	v1 =	vld [tilespmem:s17+$0x0];
	[tilespmem:s11+$0x1000] =	vst v6  }
0xbb: {  	v6 =	vld.idx.msk [tilespmem:v10+s21+$0x0], $0xffff;
	v10 =	vadd.s32 $0x2328, v7  }
0xbc: {  	s18 =	simm.s32 $0x20;
	[tilespmem:s16+$0x1180] =	vst v2;
	v2 =	vadd.s32 $0x2710, v0  }
0xbd: {  	s13 =	sand.u32 $0x60, s18;
	v8 =	vld.idx.msk [tilespmem:v8+s21+$0x0], $0xffff  }
0xbe: {  	v12 =	vld [tilespmem:s17+$0xFFFFFFF0];
	s13 =	sor.u32 s13, s12;
	[tilespmem:s10+$0x1080] =	vst v5;
	v5 =	vadd.s32 $0x32C8, v3  }
0xbf: {  	[tilespmem:s13+$0x1000] =	vst v9;
	v13 =	vadd.s32 $0x1F40, v1;
	v11 =	vld.idx.msk [tilespmem:v11+s21+$0x0], $0xffff  }
0xc0: {  	v14 =	vadd.s32 $0x2AF8, v4;
	v9 =	vld.idx.msk [tilespmem:v10+s21+$0x0], $0xffff;
	[tilespmem:s11+$0x1080] =	vst v6  }
0xc1: {  	s14 =	sand.u32 $0x70, s17;
	s17 =	simm.s32 $0x70;
	v10 =	vadd.s32 $0x2710, v7;
	v2 =	vld.idx.msk [tilespmem:v2+s21+$0x0], $0xffff  }
0xc2: {  	v24 =	vld [tilespmem:s17+$0xFFFFFFF0];
	[tilespmem:s16+$0x1200] =	vst v8;
	v8 =	vadd.s32 $0x2AF8, v0  }
0xc3: {  	v6 =	vadd.s32 $0x1F40, v12;
	v5 =	vld.idx.msk [tilespmem:v5+s21+$0x0], $0xffff  }
0xc4: {  	[tilespmem:s10+$0x1100] =	vst v11;
	v11 =	vld.idx.msk [tilespmem:v13+s21+$0x0], $0xffff;
	v13 =	vadd.s32 $0x36B0, v3  }
0xc5: {  	s19 =	simm.s32 $0x200;
	v14 =	vld.idx.msk [tilespmem:v14+s21+$0x0], $0xffff;
	[tilespmem:s13+$0x1080] =	vst v9  }
0xc6: {  	s12 =	sand.u32 $0xC00, s19;
	v15 =	vadd.s32 $0x2328, v1;
	v9 =	vld.idx.msk [tilespmem:v10+s21+$0x0], $0xffff;
	[tilespmem:s11+$0x1100] =	vst v2  }
0xc7: {  	s12 =	sadd.s32 $0xFC00, s12;
	v10 =	vadd.s32 $0x2EE0, v4;
	v8 =	vld.idx.msk [tilespmem:v8+s21+$0x0], $0xffff  }
0xc8: {  	s14 =	sor.u32 s14, s12;
	v6 =	vld.idx.msk [tilespmem:v6+s21+$0x0], $0xffff;
	[tilespmem:s16+$0x1280] =	vst v5;
	v5 =	vadd.s32 $0x2EE0, v0  }
0xc9: {  	[tilespmem:s14+$0x1000] =	vst v11;
	v11 =	vld.idx.msk [tilespmem:v13+s21+$0x0], $0xffff;
	v13 =	vadd.s32 $0x2328, v12  }
0xca: {  	s20 =	simm.s32 $0x40;
	v16 =	vadd.s32 $0x2AF8, v7;
	v2 =	vld [tilespmem:s17+$0x0]  }
0xcb: {  	s15 =	sand.u32 $0x60, s20;
	v3 =	vadd.s32 $0x3A98, v3;
	v15 =	vld.idx.msk [tilespmem:v15+s21+$0x0], $0xffff;
	[tilespmem:s10+$0x1180] =	vst v14  }
0xcc: {  	s15 =	sor.u32 s15, s12;
	v14 =	vadd.s32 $0x2710, v1;
	v10 =	vld.idx.msk [tilespmem:v10+s21+$0x0], $0xffff;
	[tilespmem:s11+$0x1180] =	vst v8  }
0xcd: {  	[tilespmem:s15+$0x1000] =	vst v6;
	v5 =	vld.idx.msk [tilespmem:v5+s21+$0x0], $0xffff  }
0xce: {  	[tilespmem:s13+$0x1100] =	vst v9;
	v8 =	vadd.s32 $0x32C8, v4;
	v6 =	vld.idx.msk [tilespmem:v13+s21+$0x0], $0xffff  }
0xcf: {  	v9 =	vadd.s32 $0x32C8, v0;
	v13 =	vld.idx.msk [tilespmem:v16+s21+$0x0], $0xffff;
	[tilespmem:s16+$0x1300] =	vst v11  }
0xd0: {  	[tilespmem:s14+$0x1080] =	vst v15;
	v11 =	vadd.s32 $0x1F40, v2;
	v15 =	vld.idx.msk [tilespmem:v3+s21+$0x0], $0xffff  }
0xd1: {  	v3 =	vadd.s32 $0x1F40, v24;
	[tilespmem:s10+$0x1200] =	vst v10;
	v10 =	vld.idx.msk [tilespmem:v14+s21+$0x0], $0xffff  }
0xd2: {  	v16 =	vadd.s32 $0x2710, v12  }
0xd3: {  	v17 =	vadd.s32 $0x2AF8, v1;
	v8 =	vld.idx.msk [tilespmem:v8+s21+$0x0], $0xffff;
	[tilespmem:s11+$0x1200] =	vst v5  }
0xd4: {  	v23 =	vadd.s32 $0x36B0, v4;
	v26 =	vadd.s32 $0x36B0, v0;
	v5 =	vadd.s32 $0x2EE0, v7;
	v22 =	vld.idx.msk [tilespmem:v9+s21+$0x0], $0xffff;
	[tilespmem:s15+$0x1080] =	vst v6  }
0xd5: {  	v18 =	vadd.s32 $0x2328, v24;
	v27 =	vadd.s32 $0x2328, v2;
	v14 =	vadd.s32 $0x2AF8, v12;
	v11 =	vld.idx.msk [tilespmem:v11+s21+$0x0], $0xffff;
	[tilespmem:s13+$0x1180] =	vst v13  }
0xd6: {  	s19 =	simm.s32 $0x300;
	v9 =	vadd.s32 $0x32C8, v7;
	v6 =	vadd.s32 $0x36B0, v7;
	v13 =	vadd.s32 $0x2EE0, v12;
	v25 =	vld.idx.msk [tilespmem:v3+s21+$0x0], $0xffff;
	[tilespmem:s14+$0x1100] =	vst v10  }
0xd7: {  	s30 =	sand.u32 $0xC00, s19;
	v3 =	vadd.s32 $0x3A98, v4;
	v20 =	vld.idx.msk [tilespmem:v16+s21+$0x0], $0xffff;
	v4 =	vadd.s32 $0x3A98, v7;
	[tilespmem:s16+$0x1380] =	vst v15;
	v10 =	vadd.s32 $0x32C8, v12  }
0xd8: {  	s12 =	sadd.s32 $0xFC00, s30;
	s18 =	sand.u32 $0x70, s17;
	v7 =	vadd.s32 $0x36B0, v12;
	v16 =	vadd.s32 $0x2710, v24;
	v15 =	vadd.s32 $0x2EE0, v24;
	v19 =	vld.idx.msk [tilespmem:v17+s21+$0x0], $0xffff;
	[tilespmem:s10+$0x1280] =	vst v8  }
0xd9: {  	s31 =	simm.s32 $0x60;
	s18 =	sor.u32 s18, s12;
	v17 =	vadd.s32 $0x2AF8, v24;
	v8 =	vadd.s32 $0x3A98, v24;
	v21 =	vld.idx.msk [tilespmem:v5+s21+$0x0], $0xffff;
	v5 =	vadd.s32 $0x3A98, v12;
	[tilespmem:s11+$0x1280] =	vst v22  }
0xda: {  	s16 =	sand.u32 $0x60, s31;
	v23 =	vld.idx.msk [tilespmem:v23+s21+$0x0], $0xffff;
	v12 =	vadd.s32 $0x32C8, v24;
	[tilespmem:s18+$0x1000] =	vst v11;
	v11 =	vadd.s32 $0x36B0, v24;
	v24 =	vadd.s32 $0x2EE0, v1  }
0xdb: {  	s16 =	sor.u32 s16, s12;
	v22 =	vld.idx.msk [tilespmem:v26+s21+$0x0], $0xffff  }
0xdc: {  	s20 =	simm.s32 $0x6;
	s12 =	simm.s32 $0x90;
	[tilespmem:s16+$0x1000] =	vst v25;
	v25 =	vld.idx.msk [tilespmem:v27+s21+$0x0], $0xffff  }
.LBB2_4:
0xdd: {  	s20 =	sadd.s32 $0x2, s20;
	[tilespmem:s15+$0x1100] =	vst v20;
	v20 =	vadd.s32 $0x3A98, v0;
	v0 =	vmov v1;
	v1 =	vmov v2;
	v2 =	vld [tilespmem:s12+$0x0]  }
0xde: {  	v26 =	vld [tilespmem:s12+$0xFFFFFFF0];
	p0 =	slt.u32 s20, $0x1E;
	v27 =	vadd.s32 $0x2710, v1;
	[tilespmem:s14+$0x1180] =	vst v19  }
0xdf: {  	v19 =	vld.idx.msk [tilespmem:v24+s21+$0x0], $0xffff;
	[tilespmem:s13+$0x1200] =	vst v21  }
0xe0: {  	v21 =	vld.idx.msk [tilespmem:v18+s21+$0x0], $0xffff;
	[tilespmem:s10+$0x1300] =	vst v23  }
0xe1: {  	v24 =	vadd.s32 $0x32C8, v0;
	v23 =	vld.idx.msk [tilespmem:v14+s21+$0x0], $0xffff;
	[tilespmem:s11+$0x1300] =	vst v22;
	v14 =	vmov v17  }
0xe2: {  	v22 =	vadd.s32 $0x1F40, v2;
	[tilespmem:s18+$0x1080] =	vst v25;
	v20 =	vld.idx.msk [tilespmem:v20+s21+$0x0], $0xffff  }
0xe3: {  	v25 =	vadd.s32 $0x1F40, v26;
	v18 =	vadd.s32 $0x2328, v26;
	v28 =	vadd.s32 $0x2710, v26;
	v27 =	vld.idx.msk [tilespmem:v27+s21+$0x0], $0xffff  }
0xe4: {  	v17 =	vadd.s32 $0x2AF8, v26;
	v29 =	vadd.s32 $0x2EE0, v26;
	v30 =	vld.idx.msk [tilespmem:v9+s21+$0x0], $0xffff;
	v9 =	vmovc v10;
	v10 =	vmovc v12;
	v12 =	vadd.s32 $0x32C8, v26  }
0xe5: {  	v32 =	vadd.s32 $0x2AF8, v1;
	v31 =	vadd.s32 $0x36B0, v26;
	v26 =	vadd.s32 $0x3A98, v26;
	[tilespmem:s14+$0x1200] =	vst v19;
	v33 =	vld.idx.msk [tilespmem:v3+s21+$0x0], $0xffff;
	v3 =	vmovc v4;
	v4 =	vmovc v5  }
0xe6: {  	v5 =	vmov v8;
	v8 =	vmov v26;
	[tilespmem:s16+$0x1080] =	vst v21;
	v34 =	vld.idx.msk [tilespmem:v24+s21+$0x0], $0xffff  }
0xe7: {  	v22 =	vld.idx.msk [tilespmem:v22+s21+$0x0], $0xffff;
	[tilespmem:s15+$0x1180] =	vst v23  }
0xe8: {  	v26 =	vadd.s32 $0x36B0, v0;
	v25 =	vld.idx.msk [tilespmem:v25+s21+$0x0], $0xffff;
	[tilespmem:s11+$0x1380] =	vst v20;
	s11 =	smov.u32 s14;
	s14 =	smov.u32 s18  }
0xe9: {  	s19 =	sadd.s32 $0x100, s19;
	v35 =	vadd.s32 $0x2328, v2;
	v20 =	vld.idx.msk [tilespmem:v16+s21+$0x0], $0xffff;
	[tilespmem:s14+$0x1100] =	vst v27;
	v16 =	vmov v28  }
.Ltmp1:
0xea: {  	s17 =	sadd.s32 $0x20, s17;
	s18 =	sand.u32 $0xC00, s19;
	v19 =	vld.idx.msk [tilespmem:v32+s21+$0x0], $0xffff;
	[tilespmem:s13+$0x1280] =	vst v30;
	(pc) =	sbr.rel @p0 .LBB2_4-.Ltmp1, $4  }
0xeb: {  	s30 =	sadd.s32 $0xFFFFFFF0, s17;
	s31 =	sadd.s32 $0xFC00, s18;
	s18 =	sand.u32 $0x70, s17;
	v21 =	vld.idx.msk [tilespmem:v13+s21+$0x0], $0xffff;
	[tilespmem:s10+$0x1380] =	vst v33;
	v13 =	vmov v15;
	v15 =	vmov v29  }
0xec: {  	s30 =	sand.u32 $0x60, s30;
	v24 =	vadd.s32 $0x2EE0, v1;
	s18 =	sor.u32 s18, s31;
	s10 =	smov.u32 s13;
	[tilespmem:s11+$0x1280] =	vst v34;
	v23 =	vld.idx.msk [tilespmem:v6+s21+$0x0], $0xffff;
	v6 =	vmovc v7;
	v7 =	vmov v11;
	v11 =	vmov v31  }
0xed: {  	s13 =	smov.u32 s15;
	s15 =	smov.u32 s16;
	s16 =	sor.u32 s30, s31;
	[tilespmem:s18+$0x1000] =	vst v22;
	v22 =	vld.idx.msk [tilespmem:v26+s21+$0x0], $0xffff  }
0xee: {  	s12 =	sadd.s32 $0x20, s12;
	[tilespmem:s16+$0x1000] =	vst v25;
	v25 =	vld.idx.msk [tilespmem:v35+s21+$0x0], $0xffff  }
0xef: {  	_ =	sdelay $0x3  }
0xf0: {  	v26 =	vadd.s32 $0x2710, v2;
	v18 =	vld.idx.msk [tilespmem:v18+s21+$0x0], $0xffff;
	_ =	sdelay $0x3  }
0xf1: {  	[tilespmem:s18+$0x1080] =	vst v25  }
0xf2: {  	v25 =	vld.idx.msk [tilespmem:v26+s21+$0x0], $0xffff;
	[tilespmem:s16+$0x1080] =	vst v18  }
0xf3: {  	v26 =	vadd.s32 $0x2AF8, v2;
	v16 =	vld.idx.msk [tilespmem:v16+s21+$0x0], $0xffff;
	_ =	sdelay $0x1  }
0xf4: {  	[tilespmem:s15+$0x1100] =	vst v20  }
0xf5: {  	v14 =	vld.idx.msk [tilespmem:v14+s21+$0x0], $0xffff  }
0xf6: {  	[tilespmem:s18+$0x1100] =	vst v25  }
0xf7: {  	v18 =	vld.idx.msk [tilespmem:v26+s21+$0x0], $0xffff;
	[tilespmem:s16+$0x1100] =	vst v16  }
0xf8: {  	v20 =	vadd.s32 $0x2EE0, v2;
	v16 =	vld.idx.msk [tilespmem:v17+s21+$0x0], $0xffff;
	_ =	sdelay $0x1  }
0xf9: {  	[tilespmem:s15+$0x1180] =	vst v14  }
0xfa: {  	[tilespmem:s14+$0x1180] =	vst v19;
	v13 =	vld.idx.msk [tilespmem:v13+s21+$0x0], $0xffff  }
0xfb: {  	v17 =	vld.idx.msk [tilespmem:v24+s21+$0x0], $0xffff;
	[tilespmem:s18+$0x1180] =	vst v18  }
0xfc: {  	v19 =	vadd.s32 $0x32C8, v1;
	v14 =	vld.idx.msk [tilespmem:v20+s21+$0x0], $0xffff;
	[tilespmem:s16+$0x1180] =	vst v16  }
0xfd: {  	[tilespmem:s13+$0x1200] =	vst v21;
	v18 =	vadd.s32 $0x32C8, v2;
	v15 =	vld.idx.msk [tilespmem:v15+s21+$0x0], $0xffff  }
0xfe: {  	[tilespmem:s10+$0x1300] =	vst v23  }
0xff: {  	v0 =	vadd.s32 $0x3A98, v0;
	v9 =	vld.idx.msk [tilespmem:v9+s21+$0x0], $0xffff;
	[tilespmem:s15+$0x1200] =	vst v13  }
0x100: {  	v10 =	vld.idx.msk [tilespmem:v10+s21+$0x0], $0xffff;
	[tilespmem:s14+$0x1200] =	vst v17  }
0x101: {  	v16 =	vld.idx.msk [tilespmem:v19+s21+$0x0], $0xffff;
	[tilespmem:s18+$0x1200] =	vst v14  }
0x102: {  	v17 =	vadd.s32 $0x36B0, v1;
	v13 =	vld.idx.msk [tilespmem:v18+s21+$0x0], $0xffff;
	[tilespmem:s16+$0x1200] =	vst v15  }
0x103: {  	[tilespmem:s11+$0x1300] =	vst v22;
	v14 =	vadd.s32 $0x36B0, v2;
	v12 =	vld.idx.msk [tilespmem:v12+s21+$0x0], $0xffff  }
0x104: {  	v0 =	vld.idx.msk [tilespmem:v0+s21+$0x0], $0xffff;
	[tilespmem:s13+$0x1280] =	vst v9  }
0x105: {  	v6 =	vld.idx.msk [tilespmem:v6+s21+$0x0], $0xffff;
	[tilespmem:s15+$0x1280] =	vst v10  }
0x106: {  	v7 =	vld.idx.msk [tilespmem:v7+s21+$0x0], $0xffff;
	[tilespmem:s14+$0x1280] =	vst v16  }
0x107: {  	v9 =	vld.idx.msk [tilespmem:v17+s21+$0x0], $0xffff;
	[tilespmem:s18+$0x1280] =	vst v13  }
0x108: {  	v1 =	vadd.s32 $0x3A98, v1;
	v10 =	vld.idx.msk [tilespmem:v14+s21+$0x0], $0xffff;
	[tilespmem:s16+$0x1280] =	vst v12  }
0x109: {  	[tilespmem:s11+$0x1380] =	vst v0;
	v2 =	vadd.s32 $0x3A98, v2;
	v0 =	vld.idx.msk [tilespmem:v11+s21+$0x0], $0xffff  }
0x10a: {  	v3 =	vld.idx.msk [tilespmem:v3+s21+$0x0], $0xffff;
	[tilespmem:s13+$0x1300] =	vst v6  }
0x10b: {  	v4 =	vld.idx.msk [tilespmem:v4+s21+$0x0], $0xffff;
	[tilespmem:s15+$0x1300] =	vst v7  }
0x10c: {  	v5 =	vld.idx.msk [tilespmem:v5+s21+$0x0], $0xffff;
	[tilespmem:s14+$0x1300] =	vst v9  }
0x10d: {  	v1 =	vld.idx.msk [tilespmem:v1+s21+$0x0], $0xffff;
	[tilespmem:s18+$0x1300] =	vst v10  }
0x10e: {  	v2 =	vld.idx.msk [tilespmem:v2+s21+$0x0], $0xffff;
	[tilespmem:s16+$0x1300] =	vst v0  }
0x10f: {  	[tilespmem:s10+$0x1380] =	vst v3;
	v0 =	vld.idx.msk [tilespmem:v8+s21+$0x0], $0xffff  }
0x110: {  	[tilespmem:s13+$0x1380] =	vst v4  }
0x111: {  	[tilespmem:s15+$0x1380] =	vst v5  }
0x112: {  	[tilespmem:s14+$0x1380] =	vst v1  }
0x113: {  	[tilespmem:s18+$0x1380] =	vst v2  }
0x114: {  	[tilespmem:s16+$0x1380] =	vst v0  }
0x115: {  	s12 =	simm.s32 $0x10C00;
	s18 =	simm.s32 $0x0;
	s11 =	rddreg [dreg:$0xe]  }
0x116: {  	[hbm4b:s11+s18] =	stream.linear.scatter [tilespmem:s12], [sflag:$0xA], $0x1000, $0x38;
	[tilespmem:$0x17C00] =	vst v63  }
0x117: {  	_ =	swait.ge [sflag:s23], $0x1F40  }
0x118: {  	[sflag:s23] =	ssyncset.done $0x0  }
0x119: {  	s19 =	simm.s32 $0x10;
	[sflag:s23] =	ssyncadd.s32 $0xFFFFE0C0  }
0x11a: {  	v3 =	vld [tilespmem:s19+$0x0];
	_ =	sdelay $0x4  }
0x11b: {  	v0 =	vadd.s32 $0x3E80, v3;
	_ =	sdelay $0x4  }
0x11c: {  	v0 =	vld.idx.msk [tilespmem:v0+s21+$0x0], $0xffff  }
0x11d: {  	v1 =	vadd.s32 $0x4268, v3  }
0x11e: {  	s10 =	sand.u32 $0xC00, s18  }
0x11f: {  	s20 =	sand.u32 $0x70, s19;
	s10 =	sadd.s32 $0xFC00, s10;
	v4 =	vld [tilespmem:s19+$0xFFFFFFF0]  }
0x120: {  	s31 =	simm.s32 $0x30;
	s30 =	sor.u32 s20, s10  }
0x121: {  	[tilespmem:s30+$0x2000] =	vst v0;
	v0 =	vld [tilespmem:s31+$0x0]  }
0x122: {  	v1 =	vld.idx.msk [tilespmem:v1+s21+$0x0], $0xffff  }
0x123: {  	v2 =	vadd.s32 $0x4650, v3  }
0x124: {  	v5 =	vadd.s32 $0x3E80, v4;
	_ =	sdelay $0x1  }
0x125: {  	v7 =	vld [tilespmem:s31+$0xFFFFFFF0]  }
0x126: {  	v6 =	vadd.s32 $0x3E80, v0;
	[tilespmem:s30+$0x2080] =	vst v1  }
0x127: {  	v1 =	vld.idx.msk [tilespmem:v2+s21+$0x0], $0xffff  }
0x128: {  	v2 =	vld.idx.msk [tilespmem:v5+s21+$0x0], $0xffff;
	v5 =	vadd.s32 $0x4A38, v3  }
0x129: {  	v8 =	vadd.s32 $0x4268, v4  }
0x12a: {  	s13 =	simm.s32 $0x0;
	v9 =	vadd.s32 $0x3E80, v7  }
0x12b: {  	s12 =	sand.u32 $0x60, s13;
	v6 =	vld.idx.msk [tilespmem:v6+s21+$0x0], $0xffff  }
0x12c: {  	s14 =	simm.s32 $0x100;
	s10 =	sor.u32 s12, s10;
	v10 =	vadd.s32 $0x4268, v0;
	[tilespmem:s30+$0x2100] =	vst v1  }
0x12d: {  	s12 =	sand.u32 $0xC00, s14;
	[tilespmem:s10+$0x2000] =	vst v2;
	v2 =	vld.idx.msk [tilespmem:v5+s21+$0x0], $0xffff  }
0x12e: {  	s11 =	sand.u32 $0x70, s31;
	s12 =	sadd.s32 $0xFC00, s12;
	v5 =	vld.idx.msk [tilespmem:v8+s21+$0x0], $0xffff;
	v8 =	vadd.s32 $0x4E20, v3  }
0x12f: {  	s15 =	simm.s32 $0x50;
	s11 =	sor.u32 s11, s12;
	v9 =	vld.idx.msk [tilespmem:v9+s21+$0x0], $0xffff  }
0x130: {  	v11 =	vadd.s32 $0x4650, v4;
	v1 =	vld [tilespmem:s15+$0x0];
	[tilespmem:s11+$0x2000] =	vst v6  }
0x131: {  	v6 =	vld.idx.msk [tilespmem:v10+s21+$0x0], $0xffff;
	v10 =	vadd.s32 $0x4268, v7  }
0x132: {  	s17 =	simm.s32 $0x20;
	[tilespmem:s30+$0x2180] =	vst v2;
	v2 =	vadd.s32 $0x4650, v0  }
0x133: {  	s13 =	sand.u32 $0x60, s17;
	v8 =	vld.idx.msk [tilespmem:v8+s21+$0x0], $0xffff  }
0x134: {  	s13 =	sor.u32 s13, s12;
	v12 =	vld [tilespmem:s15+$0xFFFFFFF0];
	[tilespmem:s10+$0x2080] =	vst v5;
	v5 =	vadd.s32 $0x5208, v3  }
0x135: {  	[tilespmem:s13+$0x2000] =	vst v9;
	v13 =	vadd.s32 $0x3E80, v1;
	v11 =	vld.idx.msk [tilespmem:v11+s21+$0x0], $0xffff  }
0x136: {  	v14 =	vadd.s32 $0x4A38, v4;
	v9 =	vld.idx.msk [tilespmem:v10+s21+$0x0], $0xffff;
	[tilespmem:s11+$0x2080] =	vst v6  }
0x137: {  	s17 =	simm.s32 $0x70;
	v10 =	vadd.s32 $0x4650, v7;
	v2 =	vld.idx.msk [tilespmem:v2+s21+$0x0], $0xffff  }
0x138: {  	v24 =	vld [tilespmem:s17+$0xFFFFFFF0];
	[tilespmem:s30+$0x2200] =	vst v8;
	v8 =	vadd.s32 $0x4A38, v0  }
0x139: {  	v6 =	vadd.s32 $0x3E80, v12;
	v5 =	vld.idx.msk [tilespmem:v5+s21+$0x0], $0xffff  }
0x13a: {  	[tilespmem:s10+$0x2100] =	vst v11;
	v11 =	vld.idx.msk [tilespmem:v13+s21+$0x0], $0xffff;
	v13 =	vadd.s32 $0x55F0, v3  }
0x13b: {  	s18 =	simm.s32 $0x200;
	v14 =	vld.idx.msk [tilespmem:v14+s21+$0x0], $0xffff;
	[tilespmem:s13+$0x2080] =	vst v9  }
0x13c: {  	s12 =	sand.u32 $0xC00, s18;
	v15 =	vadd.s32 $0x4268, v1;
	v9 =	vld.idx.msk [tilespmem:v10+s21+$0x0], $0xffff;
	[tilespmem:s11+$0x2100] =	vst v2  }
0x13d: {  	s14 =	sand.u32 $0x70, s15;
	s12 =	sadd.s32 $0xFC00, s12;
	v10 =	vadd.s32 $0x4E20, v4;
	v8 =	vld.idx.msk [tilespmem:v8+s21+$0x0], $0xffff  }
0x13e: {  	s14 =	sor.u32 s14, s12;
	v6 =	vld.idx.msk [tilespmem:v6+s21+$0x0], $0xffff;
	[tilespmem:s30+$0x2280] =	vst v5;
	v5 =	vadd.s32 $0x4E20, v0  }
0x13f: {  	[tilespmem:s14+$0x2000] =	vst v11;
	v11 =	vld.idx.msk [tilespmem:v13+s21+$0x0], $0xffff;
	v13 =	vadd.s32 $0x4268, v12  }
0x140: {  	s19 =	simm.s32 $0x40;
	v16 =	vadd.s32 $0x4A38, v7;
	v2 =	vld [tilespmem:s17+$0x0]  }
0x141: {  	s15 =	sand.u32 $0x60, s19;
	v3 =	vadd.s32 $0x59D8, v3;
	v15 =	vld.idx.msk [tilespmem:v15+s21+$0x0], $0xffff;
	[tilespmem:s10+$0x2180] =	vst v14  }
0x142: {  	s15 =	sor.u32 s15, s12;
	v14 =	vadd.s32 $0x4650, v1;
	v10 =	vld.idx.msk [tilespmem:v10+s21+$0x0], $0xffff;
	[tilespmem:s11+$0x2180] =	vst v8  }
0x143: {  	[tilespmem:s15+$0x2000] =	vst v6;
	v5 =	vld.idx.msk [tilespmem:v5+s21+$0x0], $0xffff  }
0x144: {  	[tilespmem:s13+$0x2100] =	vst v9;
	v8 =	vadd.s32 $0x5208, v4;
	v6 =	vld.idx.msk [tilespmem:v13+s21+$0x0], $0xffff  }
0x145: {  	v9 =	vadd.s32 $0x5208, v0;
	v13 =	vld.idx.msk [tilespmem:v16+s21+$0x0], $0xffff;
	[tilespmem:s30+$0x2300] =	vst v11  }
0x146: {  	[tilespmem:s14+$0x2080] =	vst v15;
	v11 =	vadd.s32 $0x3E80, v2;
	v15 =	vld.idx.msk [tilespmem:v3+s21+$0x0], $0xffff  }
0x147: {  	v3 =	vadd.s32 $0x3E80, v24;
	[tilespmem:s10+$0x2200] =	vst v10;
	v10 =	vld.idx.msk [tilespmem:v14+s21+$0x0], $0xffff  }
0x148: {  	v16 =	vadd.s32 $0x4650, v12  }
0x149: {  	v17 =	vadd.s32 $0x4A38, v1;
	v8 =	vld.idx.msk [tilespmem:v8+s21+$0x0], $0xffff;
	[tilespmem:s11+$0x2200] =	vst v5  }
0x14a: {  	v23 =	vadd.s32 $0x55F0, v4;
	v18 =	vadd.s32 $0x4268, v24;
	v5 =	vadd.s32 $0x4E20, v7;
	v22 =	vld.idx.msk [tilespmem:v9+s21+$0x0], $0xffff;
	[tilespmem:s15+$0x2080] =	vst v6  }
0x14b: {  	v26 =	vadd.s32 $0x55F0, v0;
	v27 =	vadd.s32 $0x4268, v2;
	v14 =	vadd.s32 $0x4A38, v12;
	v11 =	vld.idx.msk [tilespmem:v11+s21+$0x0], $0xffff;
	[tilespmem:s13+$0x2180] =	vst v13  }
0x14c: {  	s19 =	simm.s32 $0x300;
	v9 =	vadd.s32 $0x5208, v7;
	v6 =	vadd.s32 $0x55F0, v7;
	v13 =	vadd.s32 $0x4E20, v12;
	v25 =	vld.idx.msk [tilespmem:v3+s21+$0x0], $0xffff;
	[tilespmem:s14+$0x2100] =	vst v10  }
0x14d: {  	s20 =	sand.u32 $0xC00, s19;
	v3 =	vadd.s32 $0x59D8, v4;
	v20 =	vld.idx.msk [tilespmem:v16+s21+$0x0], $0xffff;
	v4 =	vadd.s32 $0x59D8, v7;
	[tilespmem:s30+$0x2380] =	vst v15;
	v10 =	vadd.s32 $0x5208, v12  }
0x14e: {  	s31 =	sand.u32 $0x70, s17;
	s12 =	sadd.s32 $0xFC00, s20;
	v7 =	vadd.s32 $0x55F0, v12;
	v16 =	vadd.s32 $0x4650, v24;
	v15 =	vadd.s32 $0x4E20, v24;
	v19 =	vld.idx.msk [tilespmem:v17+s21+$0x0], $0xffff;
	[tilespmem:s10+$0x2280] =	vst v8  }
0x14f: {  	s18 =	sor.u32 s31, s12;
	s30 =	simm.s32 $0x60;
	v17 =	vadd.s32 $0x4A38, v24;
	v8 =	vadd.s32 $0x59D8, v24;
	v21 =	vld.idx.msk [tilespmem:v5+s21+$0x0], $0xffff;
	v5 =	vadd.s32 $0x59D8, v12;
	[tilespmem:s11+$0x2280] =	vst v22  }
0x150: {  	s16 =	sand.u32 $0x60, s30;
	v23 =	vld.idx.msk [tilespmem:v23+s21+$0x0], $0xffff;
	v12 =	vadd.s32 $0x5208, v24;
	[tilespmem:s18+$0x2000] =	vst v11;
	v11 =	vadd.s32 $0x55F0, v24;
	v24 =	vadd.s32 $0x4E20, v1  }
0x151: {  	s16 =	sor.u32 s16, s12;
	v22 =	vld.idx.msk [tilespmem:v26+s21+$0x0], $0xffff  }
0x152: {  	s20 =	simm.s32 $0x6;
	s12 =	simm.s32 $0x90;
	[tilespmem:s16+$0x2000] =	vst v25;
	v25 =	vld.idx.msk [tilespmem:v27+s21+$0x0], $0xffff  }
.LBB2_6:
0x153: {  	s20 =	sadd.s32 $0x2, s20;
	[tilespmem:s15+$0x2100] =	vst v20;
	v20 =	vadd.s32 $0x59D8, v0;
	v0 =	vmov v1;
	v1 =	vmov v2;
	v2 =	vld [tilespmem:s12+$0x0]  }
0x154: {  	v26 =	vld [tilespmem:s12+$0xFFFFFFF0];
	p0 =	slt.u32 s20, $0x1E;
	v27 =	vadd.s32 $0x4650, v1;
	[tilespmem:s14+$0x2180] =	vst v19  }
0x155: {  	v19 =	vld.idx.msk [tilespmem:v24+s21+$0x0], $0xffff;
	[tilespmem:s13+$0x2200] =	vst v21  }
0x156: {  	v21 =	vld.idx.msk [tilespmem:v18+s21+$0x0], $0xffff;
	[tilespmem:s10+$0x2300] =	vst v23  }
0x157: {  	v24 =	vadd.s32 $0x5208, v0;
	v23 =	vld.idx.msk [tilespmem:v14+s21+$0x0], $0xffff;
	[tilespmem:s11+$0x2300] =	vst v22;
	v14 =	vmov v17  }
0x158: {  	v22 =	vadd.s32 $0x3E80, v2;
	[tilespmem:s18+$0x2080] =	vst v25;
	v20 =	vld.idx.msk [tilespmem:v20+s21+$0x0], $0xffff  }
0x159: {  	v25 =	vadd.s32 $0x3E80, v26;
	v18 =	vadd.s32 $0x4268, v26;
	v28 =	vadd.s32 $0x4650, v26;
	v27 =	vld.idx.msk [tilespmem:v27+s21+$0x0], $0xffff  }
0x15a: {  	v17 =	vadd.s32 $0x4A38, v26;
	v29 =	vadd.s32 $0x4E20, v26;
	v30 =	vld.idx.msk [tilespmem:v9+s21+$0x0], $0xffff;
	v9 =	vmovc v10;
	v10 =	vmovc v12;
	v12 =	vadd.s32 $0x5208, v26  }
0x15b: {  	v32 =	vadd.s32 $0x4A38, v1;
	v31 =	vadd.s32 $0x55F0, v26;
	v26 =	vadd.s32 $0x59D8, v26;
	[tilespmem:s14+$0x2200] =	vst v19;
	v33 =	vld.idx.msk [tilespmem:v3+s21+$0x0], $0xffff;
	v3 =	vmovc v4;
	v4 =	vmovc v5  }
0x15c: {  	v5 =	vmov v8;
	v8 =	vmov v26;
	[tilespmem:s16+$0x2080] =	vst v21;
	v34 =	vld.idx.msk [tilespmem:v24+s21+$0x0], $0xffff  }
0x15d: {  	v22 =	vld.idx.msk [tilespmem:v22+s21+$0x0], $0xffff;
	[tilespmem:s15+$0x2180] =	vst v23  }
0x15e: {  	v26 =	vadd.s32 $0x55F0, v0;
	v25 =	vld.idx.msk [tilespmem:v25+s21+$0x0], $0xffff;
	[tilespmem:s11+$0x2380] =	vst v20;
	s11 =	smov.u32 s14;
	s14 =	smov.u32 s18  }
0x15f: {  	s19 =	sadd.s32 $0x100, s19;
	v35 =	vadd.s32 $0x4268, v2;
	v20 =	vld.idx.msk [tilespmem:v16+s21+$0x0], $0xffff;
	[tilespmem:s14+$0x2100] =	vst v27;
	v16 =	vmov v28  }
.Ltmp2:
0x160: {  	s17 =	sadd.s32 $0x20, s17;
	s18 =	sand.u32 $0xC00, s19;
	v19 =	vld.idx.msk [tilespmem:v32+s21+$0x0], $0xffff;
	[tilespmem:s13+$0x2280] =	vst v30;
	(pc) =	sbr.rel @p0 .LBB2_6-.Ltmp2, $4  }
0x161: {  	s30 =	sadd.s32 $0xFFFFFFF0, s17;
	s31 =	sadd.s32 $0xFC00, s18;
	s18 =	sand.u32 $0x70, s17;
	v21 =	vld.idx.msk [tilespmem:v13+s21+$0x0], $0xffff;
	[tilespmem:s10+$0x2380] =	vst v33;
	v13 =	vmov v15;
	v15 =	vmov v29  }
0x162: {  	s30 =	sand.u32 $0x60, s30;
	v24 =	vadd.s32 $0x4E20, v1;
	s18 =	sor.u32 s18, s31;
	s10 =	smov.u32 s13;
	[tilespmem:s11+$0x2280] =	vst v34;
	v23 =	vld.idx.msk [tilespmem:v6+s21+$0x0], $0xffff;
	v6 =	vmovc v7;
	v7 =	vmov v11;
	v11 =	vmov v31  }
0x163: {  	s13 =	smov.u32 s15;
	s15 =	smov.u32 s16;
	s16 =	sor.u32 s30, s31;
	[tilespmem:s18+$0x2000] =	vst v22;
	v22 =	vld.idx.msk [tilespmem:v26+s21+$0x0], $0xffff  }
0x164: {  	s12 =	sadd.s32 $0x20, s12;
	[tilespmem:s16+$0x2000] =	vst v25;
	v25 =	vld.idx.msk [tilespmem:v35+s21+$0x0], $0xffff  }
0x165: {  	_ =	sdelay $0x3  }
0x166: {  	v26 =	vadd.s32 $0x4650, v2;
	v18 =	vld.idx.msk [tilespmem:v18+s21+$0x0], $0xffff;
	_ =	sdelay $0x3  }
0x167: {  	[tilespmem:s18+$0x2080] =	vst v25  }
0x168: {  	v25 =	vld.idx.msk [tilespmem:v26+s21+$0x0], $0xffff;
	[tilespmem:s16+$0x2080] =	vst v18  }
0x169: {  	v26 =	vadd.s32 $0x4A38, v2;
	v16 =	vld.idx.msk [tilespmem:v16+s21+$0x0], $0xffff;
	_ =	sdelay $0x1  }
0x16a: {  	[tilespmem:s15+$0x2100] =	vst v20  }
0x16b: {  	v14 =	vld.idx.msk [tilespmem:v14+s21+$0x0], $0xffff  }
0x16c: {  	[tilespmem:s18+$0x2100] =	vst v25  }
0x16d: {  	v18 =	vld.idx.msk [tilespmem:v26+s21+$0x0], $0xffff;
	[tilespmem:s16+$0x2100] =	vst v16  }
0x16e: {  	v20 =	vadd.s32 $0x4E20, v2;
	v16 =	vld.idx.msk [tilespmem:v17+s21+$0x0], $0xffff;
	_ =	sdelay $0x1  }
0x16f: {  	[tilespmem:s15+$0x2180] =	vst v14  }
0x170: {  	[tilespmem:s14+$0x2180] =	vst v19;
	v13 =	vld.idx.msk [tilespmem:v13+s21+$0x0], $0xffff  }
0x171: {  	v17 =	vld.idx.msk [tilespmem:v24+s21+$0x0], $0xffff;
	[tilespmem:s18+$0x2180] =	vst v18  }
0x172: {  	v19 =	vadd.s32 $0x5208, v1;
	v14 =	vld.idx.msk [tilespmem:v20+s21+$0x0], $0xffff;
	[tilespmem:s16+$0x2180] =	vst v16  }
0x173: {  	[tilespmem:s13+$0x2200] =	vst v21;
	v18 =	vadd.s32 $0x5208, v2;
	v15 =	vld.idx.msk [tilespmem:v15+s21+$0x0], $0xffff  }
0x174: {  	[tilespmem:s10+$0x2300] =	vst v23  }
0x175: {  	v0 =	vadd.s32 $0x59D8, v0;
	v9 =	vld.idx.msk [tilespmem:v9+s21+$0x0], $0xffff;
	[tilespmem:s15+$0x2200] =	vst v13  }
0x176: {  	v10 =	vld.idx.msk [tilespmem:v10+s21+$0x0], $0xffff;
	[tilespmem:s14+$0x2200] =	vst v17  }
0x177: {  	v16 =	vld.idx.msk [tilespmem:v19+s21+$0x0], $0xffff;
	[tilespmem:s18+$0x2200] =	vst v14  }
0x178: {  	v17 =	vadd.s32 $0x55F0, v1;
	v13 =	vld.idx.msk [tilespmem:v18+s21+$0x0], $0xffff;
	[tilespmem:s16+$0x2200] =	vst v15  }
0x179: {  	[tilespmem:s11+$0x2300] =	vst v22;
	v14 =	vadd.s32 $0x55F0, v2;
	v12 =	vld.idx.msk [tilespmem:v12+s21+$0x0], $0xffff  }
0x17a: {  	v0 =	vld.idx.msk [tilespmem:v0+s21+$0x0], $0xffff;
	[tilespmem:s13+$0x2280] =	vst v9  }
0x17b: {  	v6 =	vld.idx.msk [tilespmem:v6+s21+$0x0], $0xffff;
	[tilespmem:s15+$0x2280] =	vst v10  }
0x17c: {  	v7 =	vld.idx.msk [tilespmem:v7+s21+$0x0], $0xffff;
	[tilespmem:s14+$0x2280] =	vst v16  }
0x17d: {  	v9 =	vld.idx.msk [tilespmem:v17+s21+$0x0], $0xffff;
	[tilespmem:s18+$0x2280] =	vst v13  }
0x17e: {  	v1 =	vadd.s32 $0x59D8, v1;
	v10 =	vld.idx.msk [tilespmem:v14+s21+$0x0], $0xffff;
	[tilespmem:s16+$0x2280] =	vst v12  }
0x17f: {  	[tilespmem:s11+$0x2380] =	vst v0;
	v2 =	vadd.s32 $0x59D8, v2;
	v0 =	vld.idx.msk [tilespmem:v11+s21+$0x0], $0xffff  }
0x180: {  	v3 =	vld.idx.msk [tilespmem:v3+s21+$0x0], $0xffff;
	[tilespmem:s13+$0x2300] =	vst v6  }
0x181: {  	v4 =	vld.idx.msk [tilespmem:v4+s21+$0x0], $0xffff;
	[tilespmem:s15+$0x2300] =	vst v7  }
0x182: {  	v5 =	vld.idx.msk [tilespmem:v5+s21+$0x0], $0xffff;
	[tilespmem:s14+$0x2300] =	vst v9  }
0x183: {  	v1 =	vld.idx.msk [tilespmem:v1+s21+$0x0], $0xffff;
	[tilespmem:s18+$0x2300] =	vst v10  }
0x184: {  	v2 =	vld.idx.msk [tilespmem:v2+s21+$0x0], $0xffff;
	[tilespmem:s16+$0x2300] =	vst v0  }
0x185: {  	[tilespmem:s10+$0x2380] =	vst v3;
	v0 =	vld.idx.msk [tilespmem:v8+s21+$0x0], $0xffff  }
0x186: {  	[tilespmem:s13+$0x2380] =	vst v4  }
0x187: {  	[tilespmem:s15+$0x2380] =	vst v5  }
0x188: {  	[tilespmem:s14+$0x2380] =	vst v1  }
0x189: {  	[tilespmem:s18+$0x2380] =	vst v2  }
0x18a: {  	[tilespmem:s16+$0x2380] =	vst v0  }
0x18b: {  	s12 =	simm.s32 $0x11C00;
	s18 =	simm.s32 $0x0;
	s11 =	rddreg [dreg:$0xf]  }
0x18c: {  	[hbm4b:s11+s18] =	stream.linear.scatter [tilespmem:s12], [sflag:$0xB], $0x1000, $0x38;
	[tilespmem:$0x17C00] =	vst v63  }
0x18d: {  	_ =	swait.ge [sflag:s25], $0x1F40  }
0x18e: {  	[sflag:s25] =	ssyncset.done $0x0  }
0x18f: {  	s19 =	simm.s32 $0x10;
	[sflag:s25] =	ssyncadd.s32 $0xFFFFE0C0  }
0x190: {  	v3 =	vld [tilespmem:s19+$0x0];
	_ =	sdelay $0x4  }
0x191: {  	v0 =	vadd.s32 $0x5DC0, v3;
	_ =	sdelay $0x4  }
0x192: {  	v0 =	vld.idx.msk [tilespmem:v0+s21+$0x0], $0xffff  }
0x193: {  	v1 =	vadd.s32 $0x61A8, v3  }
0x194: {  	s10 =	sand.u32 $0xC00, s18  }
0x195: {  	s20 =	sand.u32 $0x70, s19;
	s10 =	sadd.s32 $0xFC00, s10;
	v4 =	vld [tilespmem:s19+$0xFFFFFFF0]  }
0x196: {  	s31 =	simm.s32 $0x30;
	s30 =	sor.u32 s20, s10  }
0x197: {  	[tilespmem:s30+$0x3000] =	vst v0;
	v0 =	vld [tilespmem:s31+$0x0]  }
0x198: {  	v1 =	vld.idx.msk [tilespmem:v1+s21+$0x0], $0xffff  }
0x199: {  	v2 =	vadd.s32 $0x6590, v3  }
0x19a: {  	v5 =	vadd.s32 $0x5DC0, v4;
	_ =	sdelay $0x1  }
0x19b: {  	v7 =	vld [tilespmem:s31+$0xFFFFFFF0]  }
0x19c: {  	v6 =	vadd.s32 $0x5DC0, v0;
	[tilespmem:s30+$0x3080] =	vst v1  }
0x19d: {  	v1 =	vld.idx.msk [tilespmem:v2+s21+$0x0], $0xffff  }
0x19e: {  	v2 =	vld.idx.msk [tilespmem:v5+s21+$0x0], $0xffff;
	v5 =	vadd.s32 $0x6978, v3  }
0x19f: {  	v8 =	vadd.s32 $0x61A8, v4  }
0x1a0: {  	s13 =	simm.s32 $0x0;
	v9 =	vadd.s32 $0x5DC0, v7  }
0x1a1: {  	s12 =	sand.u32 $0x60, s13;
	v6 =	vld.idx.msk [tilespmem:v6+s21+$0x0], $0xffff  }
0x1a2: {  	s14 =	simm.s32 $0x100;
	s10 =	sor.u32 s12, s10;
	v10 =	vadd.s32 $0x61A8, v0;
	[tilespmem:s30+$0x3100] =	vst v1  }
0x1a3: {  	s12 =	sand.u32 $0xC00, s14;
	[tilespmem:s10+$0x3000] =	vst v2;
	v2 =	vld.idx.msk [tilespmem:v5+s21+$0x0], $0xffff  }
0x1a4: {  	s11 =	sand.u32 $0x70, s31;
	s12 =	sadd.s32 $0xFC00, s12;
	v5 =	vld.idx.msk [tilespmem:v8+s21+$0x0], $0xffff;
	v8 =	vadd.s32 $0x6D60, v3  }
0x1a5: {  	s15 =	simm.s32 $0x50;
	s11 =	sor.u32 s11, s12;
	v9 =	vld.idx.msk [tilespmem:v9+s21+$0x0], $0xffff  }
0x1a6: {  	v11 =	vadd.s32 $0x6590, v4;
	v1 =	vld [tilespmem:s15+$0x0];
	[tilespmem:s11+$0x3000] =	vst v6  }
0x1a7: {  	v6 =	vld.idx.msk [tilespmem:v10+s21+$0x0], $0xffff;
	v10 =	vadd.s32 $0x61A8, v7  }
0x1a8: {  	s17 =	simm.s32 $0x20;
	[tilespmem:s30+$0x3180] =	vst v2;
	v2 =	vadd.s32 $0x6590, v0  }
0x1a9: {  	s13 =	sand.u32 $0x60, s17;
	v8 =	vld.idx.msk [tilespmem:v8+s21+$0x0], $0xffff  }
0x1aa: {  	s13 =	sor.u32 s13, s12;
	v12 =	vld [tilespmem:s15+$0xFFFFFFF0];
	[tilespmem:s10+$0x3080] =	vst v5;
	v5 =	vadd.s32 $0x7148, v3  }
0x1ab: {  	[tilespmem:s13+$0x3000] =	vst v9;
	v13 =	vadd.s32 $0x5DC0, v1;
	v11 =	vld.idx.msk [tilespmem:v11+s21+$0x0], $0xffff  }
0x1ac: {  	v14 =	vadd.s32 $0x6978, v4;
	v9 =	vld.idx.msk [tilespmem:v10+s21+$0x0], $0xffff;
	[tilespmem:s11+$0x3080] =	vst v6  }
0x1ad: {  	s17 =	simm.s32 $0x70;
	v10 =	vadd.s32 $0x6590, v7;
	v2 =	vld.idx.msk [tilespmem:v2+s21+$0x0], $0xffff  }
0x1ae: {  	v24 =	vld [tilespmem:s17+$0xFFFFFFF0];
	[tilespmem:s30+$0x3200] =	vst v8;
	v8 =	vadd.s32 $0x6978, v0  }
0x1af: {  	v6 =	vadd.s32 $0x5DC0, v12;
	v5 =	vld.idx.msk [tilespmem:v5+s21+$0x0], $0xffff  }
0x1b0: {  	[tilespmem:s10+$0x3100] =	vst v11;
	v11 =	vld.idx.msk [tilespmem:v13+s21+$0x0], $0xffff;
	v13 =	vadd.s32 $0x7530, v3  }
0x1b1: {  	s18 =	simm.s32 $0x200;
	v14 =	vld.idx.msk [tilespmem:v14+s21+$0x0], $0xffff;
	[tilespmem:s13+$0x3080] =	vst v9  }
0x1b2: {  	s12 =	sand.u32 $0xC00, s18;
	v15 =	vadd.s32 $0x61A8, v1;
	v9 =	vld.idx.msk [tilespmem:v10+s21+$0x0], $0xffff;
	[tilespmem:s11+$0x3100] =	vst v2  }
0x1b3: {  	s14 =	sand.u32 $0x70, s15;
	s12 =	sadd.s32 $0xFC00, s12;
	v10 =	vadd.s32 $0x6D60, v4;
	v8 =	vld.idx.msk [tilespmem:v8+s21+$0x0], $0xffff  }
0x1b4: {  	s14 =	sor.u32 s14, s12;
	v6 =	vld.idx.msk [tilespmem:v6+s21+$0x0], $0xffff;
	[tilespmem:s30+$0x3280] =	vst v5;
	v5 =	vadd.s32 $0x6D60, v0  }
0x1b5: {  	[tilespmem:s14+$0x3000] =	vst v11;
	v11 =	vld.idx.msk [tilespmem:v13+s21+$0x0], $0xffff;
	v13 =	vadd.s32 $0x61A8, v12  }
0x1b6: {  	s19 =	simm.s32 $0x40;
	v16 =	vadd.s32 $0x6978, v7;
	v2 =	vld [tilespmem:s17+$0x0]  }
0x1b7: {  	s15 =	sand.u32 $0x60, s19;
	v3 =	vadd.s32 $0x7918, v3;
	v15 =	vld.idx.msk [tilespmem:v15+s21+$0x0], $0xffff;
	[tilespmem:s10+$0x3180] =	vst v14  }
0x1b8: {  	s15 =	sor.u32 s15, s12;
	v14 =	vadd.s32 $0x6590, v1;
	v10 =	vld.idx.msk [tilespmem:v10+s21+$0x0], $0xffff;
	[tilespmem:s11+$0x3180] =	vst v8  }
0x1b9: {  	[tilespmem:s15+$0x3000] =	vst v6;
	v5 =	vld.idx.msk [tilespmem:v5+s21+$0x0], $0xffff  }
0x1ba: {  	[tilespmem:s13+$0x3100] =	vst v9;
	v8 =	vadd.s32 $0x7148, v4;
	v6 =	vld.idx.msk [tilespmem:v13+s21+$0x0], $0xffff  }
0x1bb: {  	v9 =	vadd.s32 $0x7148, v0;
	v13 =	vld.idx.msk [tilespmem:v16+s21+$0x0], $0xffff;
	[tilespmem:s30+$0x3300] =	vst v11  }
0x1bc: {  	[tilespmem:s14+$0x3080] =	vst v15;
	v11 =	vadd.s32 $0x5DC0, v2;
	v15 =	vld.idx.msk [tilespmem:v3+s21+$0x0], $0xffff  }
0x1bd: {  	v3 =	vadd.s32 $0x5DC0, v24;
	[tilespmem:s10+$0x3200] =	vst v10;
	v10 =	vld.idx.msk [tilespmem:v14+s21+$0x0], $0xffff  }
0x1be: {  	v16 =	vadd.s32 $0x6590, v12  }
0x1bf: {  	v17 =	vadd.s32 $0x6978, v1;
	v8 =	vld.idx.msk [tilespmem:v8+s21+$0x0], $0xffff;
	[tilespmem:s11+$0x3200] =	vst v5  }
0x1c0: {  	v23 =	vadd.s32 $0x7530, v4;
	v18 =	vadd.s32 $0x61A8, v24;
	v5 =	vadd.s32 $0x6D60, v7;
	v22 =	vld.idx.msk [tilespmem:v9+s21+$0x0], $0xffff;
	[tilespmem:s15+$0x3080] =	vst v6  }
0x1c1: {  	v26 =	vadd.s32 $0x7530, v0;
	v27 =	vadd.s32 $0x61A8, v2;
	v14 =	vadd.s32 $0x6978, v12;
	v11 =	vld.idx.msk [tilespmem:v11+s21+$0x0], $0xffff;
	[tilespmem:s13+$0x3180] =	vst v13  }
0x1c2: {  	s19 =	simm.s32 $0x300;
	v9 =	vadd.s32 $0x7148, v7;
	v6 =	vadd.s32 $0x7530, v7;
	v13 =	vadd.s32 $0x6D60, v12;
	v25 =	vld.idx.msk [tilespmem:v3+s21+$0x0], $0xffff;
	[tilespmem:s14+$0x3100] =	vst v10  }
0x1c3: {  	s20 =	sand.u32 $0xC00, s19;
	v3 =	vadd.s32 $0x7918, v4;
	v20 =	vld.idx.msk [tilespmem:v16+s21+$0x0], $0xffff;
	v4 =	vadd.s32 $0x7918, v7;
	[tilespmem:s30+$0x3380] =	vst v15;
	v10 =	vadd.s32 $0x7148, v12  }
0x1c4: {  	s31 =	sand.u32 $0x70, s17;
	s12 =	sadd.s32 $0xFC00, s20;
	v7 =	vadd.s32 $0x7530, v12;
	v16 =	vadd.s32 $0x6590, v24;
	v15 =	vadd.s32 $0x6D60, v24;
	v19 =	vld.idx.msk [tilespmem:v17+s21+$0x0], $0xffff;
	[tilespmem:s10+$0x3280] =	vst v8  }
0x1c5: {  	s18 =	sor.u32 s31, s12;
	s30 =	simm.s32 $0x60;
	v17 =	vadd.s32 $0x6978, v24;
	v8 =	vadd.s32 $0x7918, v24;
	v21 =	vld.idx.msk [tilespmem:v5+s21+$0x0], $0xffff;
	v5 =	vadd.s32 $0x7918, v12;
	[tilespmem:s11+$0x3280] =	vst v22  }
0x1c6: {  	s16 =	sand.u32 $0x60, s30;
	v23 =	vld.idx.msk [tilespmem:v23+s21+$0x0], $0xffff;
	v12 =	vadd.s32 $0x7148, v24;
	[tilespmem:s18+$0x3000] =	vst v11;
	v11 =	vadd.s32 $0x7530, v24;
	v24 =	vadd.s32 $0x6D60, v1  }
0x1c7: {  	s16 =	sor.u32 s16, s12;
	v22 =	vld.idx.msk [tilespmem:v26+s21+$0x0], $0xffff  }
0x1c8: {  	s20 =	simm.s32 $0x6;
	s12 =	simm.s32 $0x90;
	[tilespmem:s16+$0x3000] =	vst v25;
	v25 =	vld.idx.msk [tilespmem:v27+s21+$0x0], $0xffff  }
.LBB2_8:
0x1c9: {  	s20 =	sadd.s32 $0x2, s20;
	[tilespmem:s15+$0x3100] =	vst v20;
	v20 =	vadd.s32 $0x7918, v0;
	v0 =	vmov v1;
	v1 =	vmov v2;
	v2 =	vld [tilespmem:s12+$0x0]  }
0x1ca: {  	v26 =	vld [tilespmem:s12+$0xFFFFFFF0];
	p0 =	slt.u32 s20, $0x1E;
	v27 =	vadd.s32 $0x6590, v1;
	[tilespmem:s14+$0x3180] =	vst v19  }
0x1cb: {  	v19 =	vld.idx.msk [tilespmem:v24+s21+$0x0], $0xffff;
	[tilespmem:s13+$0x3200] =	vst v21  }
0x1cc: {  	v21 =	vld.idx.msk [tilespmem:v18+s21+$0x0], $0xffff;
	[tilespmem:s10+$0x3300] =	vst v23  }
0x1cd: {  	v24 =	vadd.s32 $0x7148, v0;
	v23 =	vld.idx.msk [tilespmem:v14+s21+$0x0], $0xffff;
	[tilespmem:s11+$0x3300] =	vst v22;
	v14 =	vmov v17  }
0x1ce: {  	v22 =	vadd.s32 $0x5DC0, v2;
	[tilespmem:s18+$0x3080] =	vst v25;
	v20 =	vld.idx.msk [tilespmem:v20+s21+$0x0], $0xffff  }
0x1cf: {  	v25 =	vadd.s32 $0x5DC0, v26;
	v18 =	vadd.s32 $0x61A8, v26;
	v28 =	vadd.s32 $0x6590, v26;
	v27 =	vld.idx.msk [tilespmem:v27+s21+$0x0], $0xffff  }
0x1d0: {  	v17 =	vadd.s32 $0x6978, v26;
	v29 =	vadd.s32 $0x6D60, v26;
	v30 =	vld.idx.msk [tilespmem:v9+s21+$0x0], $0xffff;
	v9 =	vmovc v10;
	v10 =	vmovc v12;
	v12 =	vadd.s32 $0x7148, v26  }
0x1d1: {  	v32 =	vadd.s32 $0x6978, v1;
	v31 =	vadd.s32 $0x7530, v26;
	v26 =	vadd.s32 $0x7918, v26;
	[tilespmem:s14+$0x3200] =	vst v19;
	v33 =	vld.idx.msk [tilespmem:v3+s21+$0x0], $0xffff;
	v3 =	vmovc v4;
	v4 =	vmovc v5  }
0x1d2: {  	v5 =	vmov v8;
	v8 =	vmov v26;
	[tilespmem:s16+$0x3080] =	vst v21;
	v34 =	vld.idx.msk [tilespmem:v24+s21+$0x0], $0xffff  }
0x1d3: {  	v22 =	vld.idx.msk [tilespmem:v22+s21+$0x0], $0xffff;
	[tilespmem:s15+$0x3180] =	vst v23  }
0x1d4: {  	v26 =	vadd.s32 $0x7530, v0;
	v25 =	vld.idx.msk [tilespmem:v25+s21+$0x0], $0xffff;
	[tilespmem:s11+$0x3380] =	vst v20;
	s11 =	smov.u32 s14;
	s14 =	smov.u32 s18  }
0x1d5: {  	s19 =	sadd.s32 $0x100, s19;
	v35 =	vadd.s32 $0x61A8, v2;
	v20 =	vld.idx.msk [tilespmem:v16+s21+$0x0], $0xffff;
	[tilespmem:s14+$0x3100] =	vst v27;
	v16 =	vmov v28  }
.Ltmp3:
0x1d6: {  	s17 =	sadd.s32 $0x20, s17;
	s18 =	sand.u32 $0xC00, s19;
	v19 =	vld.idx.msk [tilespmem:v32+s21+$0x0], $0xffff;
	[tilespmem:s13+$0x3280] =	vst v30;
	(pc) =	sbr.rel @p0 .LBB2_8-.Ltmp3, $4  }
0x1d7: {  	s30 =	sadd.s32 $0xFFFFFFF0, s17;
	s31 =	sadd.s32 $0xFC00, s18;
	s18 =	sand.u32 $0x70, s17;
	v21 =	vld.idx.msk [tilespmem:v13+s21+$0x0], $0xffff;
	[tilespmem:s10+$0x3380] =	vst v33;
	v13 =	vmov v15;
	v15 =	vmov v29  }
0x1d8: {  	s30 =	sand.u32 $0x60, s30;
	v24 =	vadd.s32 $0x6D60, v1;
	s18 =	sor.u32 s18, s31;
	s10 =	smov.u32 s13;
	[tilespmem:s11+$0x3280] =	vst v34;
	v23 =	vld.idx.msk [tilespmem:v6+s21+$0x0], $0xffff;
	v6 =	vmovc v7;
	v7 =	vmov v11;
	v11 =	vmov v31  }
0x1d9: {  	s13 =	smov.u32 s15;
	s15 =	smov.u32 s16;
	s16 =	sor.u32 s30, s31;
	[tilespmem:s18+$0x3000] =	vst v22;
	v22 =	vld.idx.msk [tilespmem:v26+s21+$0x0], $0xffff  }
0x1da: {  	s12 =	sadd.s32 $0x20, s12;
	[tilespmem:s16+$0x3000] =	vst v25;
	v25 =	vld.idx.msk [tilespmem:v35+s21+$0x0], $0xffff  }
0x1db: {  	_ =	sdelay $0x3  }
0x1dc: {  	v26 =	vadd.s32 $0x6590, v2;
	v18 =	vld.idx.msk [tilespmem:v18+s21+$0x0], $0xffff;
	_ =	sdelay $0x3  }
0x1dd: {  	[tilespmem:s18+$0x3080] =	vst v25  }
0x1de: {  	v25 =	vld.idx.msk [tilespmem:v26+s21+$0x0], $0xffff;
	[tilespmem:s16+$0x3080] =	vst v18  }
0x1df: {  	v26 =	vadd.s32 $0x6978, v2;
	v16 =	vld.idx.msk [tilespmem:v16+s21+$0x0], $0xffff;
	_ =	sdelay $0x1  }
0x1e0: {  	[tilespmem:s15+$0x3100] =	vst v20  }
0x1e1: {  	v14 =	vld.idx.msk [tilespmem:v14+s21+$0x0], $0xffff  }
0x1e2: {  	[tilespmem:s18+$0x3100] =	vst v25  }
0x1e3: {  	v18 =	vld.idx.msk [tilespmem:v26+s21+$0x0], $0xffff;
	[tilespmem:s16+$0x3100] =	vst v16  }
0x1e4: {  	v20 =	vadd.s32 $0x6D60, v2;
	v16 =	vld.idx.msk [tilespmem:v17+s21+$0x0], $0xffff;
	_ =	sdelay $0x1  }
0x1e5: {  	[tilespmem:s15+$0x3180] =	vst v14  }
0x1e6: {  	[tilespmem:s14+$0x3180] =	vst v19;
	v13 =	vld.idx.msk [tilespmem:v13+s21+$0x0], $0xffff  }
0x1e7: {  	v17 =	vld.idx.msk [tilespmem:v24+s21+$0x0], $0xffff;
	[tilespmem:s18+$0x3180] =	vst v18  }
0x1e8: {  	v19 =	vadd.s32 $0x7148, v1;
	v14 =	vld.idx.msk [tilespmem:v20+s21+$0x0], $0xffff;
	[tilespmem:s16+$0x3180] =	vst v16  }
0x1e9: {  	[tilespmem:s13+$0x3200] =	vst v21;
	v18 =	vadd.s32 $0x7148, v2;
	v15 =	vld.idx.msk [tilespmem:v15+s21+$0x0], $0xffff  }
0x1ea: {  	[tilespmem:s10+$0x3300] =	vst v23  }
0x1eb: {  	v0 =	vadd.s32 $0x7918, v0;
	v9 =	vld.idx.msk [tilespmem:v9+s21+$0x0], $0xffff;
	[tilespmem:s15+$0x3200] =	vst v13  }
0x1ec: {  	v10 =	vld.idx.msk [tilespmem:v10+s21+$0x0], $0xffff;
	[tilespmem:s14+$0x3200] =	vst v17  }
0x1ed: {  	v16 =	vld.idx.msk [tilespmem:v19+s21+$0x0], $0xffff;
	[tilespmem:s18+$0x3200] =	vst v14  }
0x1ee: {  	v17 =	vadd.s32 $0x7530, v1;
	v13 =	vld.idx.msk [tilespmem:v18+s21+$0x0], $0xffff;
	[tilespmem:s16+$0x3200] =	vst v15  }
0x1ef: {  	[tilespmem:s11+$0x3300] =	vst v22;
	v14 =	vadd.s32 $0x7530, v2;
	v12 =	vld.idx.msk [tilespmem:v12+s21+$0x0], $0xffff  }
0x1f0: {  	v0 =	vld.idx.msk [tilespmem:v0+s21+$0x0], $0xffff;
	[tilespmem:s13+$0x3280] =	vst v9  }
0x1f1: {  	v6 =	vld.idx.msk [tilespmem:v6+s21+$0x0], $0xffff;
	[tilespmem:s15+$0x3280] =	vst v10  }
0x1f2: {  	v7 =	vld.idx.msk [tilespmem:v7+s21+$0x0], $0xffff;
	[tilespmem:s14+$0x3280] =	vst v16  }
0x1f3: {  	v9 =	vld.idx.msk [tilespmem:v17+s21+$0x0], $0xffff;
	[tilespmem:s18+$0x3280] =	vst v13  }
0x1f4: {  	v1 =	vadd.s32 $0x7918, v1;
	v10 =	vld.idx.msk [tilespmem:v14+s21+$0x0], $0xffff;
	[tilespmem:s16+$0x3280] =	vst v12  }
0x1f5: {  	[tilespmem:s11+$0x3380] =	vst v0;
	v2 =	vadd.s32 $0x7918, v2;
	v0 =	vld.idx.msk [tilespmem:v11+s21+$0x0], $0xffff  }
0x1f6: {  	v3 =	vld.idx.msk [tilespmem:v3+s21+$0x0], $0xffff;
	[tilespmem:s13+$0x3300] =	vst v6  }
0x1f7: {  	v4 =	vld.idx.msk [tilespmem:v4+s21+$0x0], $0xffff;
	[tilespmem:s15+$0x3300] =	vst v7  }
0x1f8: {  	v5 =	vld.idx.msk [tilespmem:v5+s21+$0x0], $0xffff;
	[tilespmem:s14+$0x3300] =	vst v9  }
0x1f9: {  	v1 =	vld.idx.msk [tilespmem:v1+s21+$0x0], $0xffff;
	[tilespmem:s18+$0x3300] =	vst v10  }
0x1fa: {  	v2 =	vld.idx.msk [tilespmem:v2+s21+$0x0], $0xffff;
	[tilespmem:s16+$0x3300] =	vst v0  }
0x1fb: {  	[tilespmem:s10+$0x3380] =	vst v3;
	v0 =	vld.idx.msk [tilespmem:v8+s21+$0x0], $0xffff  }
0x1fc: {  	[tilespmem:s13+$0x3380] =	vst v4  }
0x1fd: {  	[tilespmem:s15+$0x3380] =	vst v5  }
0x1fe: {  	[tilespmem:s14+$0x3380] =	vst v1  }
0x1ff: {  	[tilespmem:s18+$0x3380] =	vst v2  }
0x200: {  	[tilespmem:s16+$0x3380] =	vst v0  }
0x201: {  	s12 =	simm.s32 $0x12C00;
	s18 =	simm.s32 $0x0;
	s11 =	rddreg [dreg:$0x10]  }
0x202: {  	[hbm4b:s11+s18] =	stream.linear.scatter [tilespmem:s12], [sflag:$0xC], $0x1000, $0x38;
	[tilespmem:$0x17C00] =	vst v63  }
0x203: {  	_ =	swait.ge [sflag:s28], $0x1F40  }
0x204: {  	[sflag:s28] =	ssyncset.done $0x0  }
0x205: {  	s19 =	simm.s32 $0x10;
	[sflag:s28] =	ssyncadd.s32 $0xFFFFE0C0  }
0x206: {  	v3 =	vld [tilespmem:s19+$0x0];
	_ =	sdelay $0x4  }
0x207: {  	v0 =	vadd.s32 $0x7D00, v3;
	_ =	sdelay $0x4  }
0x208: {  	v0 =	vld.idx.msk [tilespmem:v0+s21+$0x0], $0xffff  }
0x209: {  	v1 =	vadd.s32 $0x80E8, v3  }
0x20a: {  	s10 =	sand.u32 $0xC00, s18  }
0x20b: {  	s20 =	sand.u32 $0x70, s19;
	s10 =	sadd.s32 $0xFC00, s10;
	v4 =	vld [tilespmem:s19+$0xFFFFFFF0]  }
0x20c: {  	s31 =	simm.s32 $0x30;
	s30 =	sor.u32 s20, s10  }
0x20d: {  	[tilespmem:s30+$0x4000] =	vst v0;
	v0 =	vld [tilespmem:s31+$0x0]  }
0x20e: {  	v1 =	vld.idx.msk [tilespmem:v1+s21+$0x0], $0xffff  }
0x20f: {  	v2 =	vadd.s32 $0x84D0, v3  }
0x210: {  	v5 =	vadd.s32 $0x7D00, v4;
	_ =	sdelay $0x1  }
0x211: {  	v7 =	vld [tilespmem:s31+$0xFFFFFFF0]  }
0x212: {  	v6 =	vadd.s32 $0x7D00, v0;
	[tilespmem:s30+$0x4080] =	vst v1  }
0x213: {  	v1 =	vld.idx.msk [tilespmem:v2+s21+$0x0], $0xffff  }
0x214: {  	v2 =	vld.idx.msk [tilespmem:v5+s21+$0x0], $0xffff;
	v5 =	vadd.s32 $0x88B8, v3  }
0x215: {  	v8 =	vadd.s32 $0x80E8, v4  }
0x216: {  	s13 =	simm.s32 $0x0;
	v9 =	vadd.s32 $0x7D00, v7  }
0x217: {  	s12 =	sand.u32 $0x60, s13;
	v6 =	vld.idx.msk [tilespmem:v6+s21+$0x0], $0xffff  }
0x218: {  	s14 =	simm.s32 $0x100;
	s10 =	sor.u32 s12, s10;
	v10 =	vadd.s32 $0x80E8, v0;
	[tilespmem:s30+$0x4100] =	vst v1  }
0x219: {  	s12 =	sand.u32 $0xC00, s14;
	[tilespmem:s10+$0x4000] =	vst v2;
	v2 =	vld.idx.msk [tilespmem:v5+s21+$0x0], $0xffff  }
0x21a: {  	s11 =	sand.u32 $0x70, s31;
	s12 =	sadd.s32 $0xFC00, s12;
	v5 =	vld.idx.msk [tilespmem:v8+s21+$0x0], $0xffff;
	v8 =	vadd.s32 $0x8CA0, v3  }
0x21b: {  	s15 =	simm.s32 $0x50;
	s11 =	sor.u32 s11, s12;
	v9 =	vld.idx.msk [tilespmem:v9+s21+$0x0], $0xffff  }
0x21c: {  	v11 =	vadd.s32 $0x84D0, v4;
	v1 =	vld [tilespmem:s15+$0x0];
	[tilespmem:s11+$0x4000] =	vst v6  }
0x21d: {  	v6 =	vld.idx.msk [tilespmem:v10+s21+$0x0], $0xffff;
	v10 =	vadd.s32 $0x80E8, v7  }
0x21e: {  	s17 =	simm.s32 $0x20;
	[tilespmem:s30+$0x4180] =	vst v2;
	v2 =	vadd.s32 $0x84D0, v0  }
0x21f: {  	s13 =	sand.u32 $0x60, s17;
	v8 =	vld.idx.msk [tilespmem:v8+s21+$0x0], $0xffff  }
0x220: {  	s13 =	sor.u32 s13, s12;
	v12 =	vld [tilespmem:s15+$0xFFFFFFF0];
	[tilespmem:s10+$0x4080] =	vst v5;
	v5 =	vadd.s32 $0x9088, v3  }
0x221: {  	[tilespmem:s13+$0x4000] =	vst v9;
	v13 =	vadd.s32 $0x7D00, v1;
	v11 =	vld.idx.msk [tilespmem:v11+s21+$0x0], $0xffff  }
0x222: {  	v14 =	vadd.s32 $0x88B8, v4;
	v9 =	vld.idx.msk [tilespmem:v10+s21+$0x0], $0xffff;
	[tilespmem:s11+$0x4080] =	vst v6  }
0x223: {  	s17 =	simm.s32 $0x70;
	v10 =	vadd.s32 $0x84D0, v7;
	v2 =	vld.idx.msk [tilespmem:v2+s21+$0x0], $0xffff  }
0x224: {  	v24 =	vld [tilespmem:s17+$0xFFFFFFF0];
	[tilespmem:s30+$0x4200] =	vst v8;
	v8 =	vadd.s32 $0x88B8, v0  }
0x225: {  	v6 =	vadd.s32 $0x7D00, v12;
	v5 =	vld.idx.msk [tilespmem:v5+s21+$0x0], $0xffff  }
0x226: {  	[tilespmem:s10+$0x4100] =	vst v11;
	v11 =	vld.idx.msk [tilespmem:v13+s21+$0x0], $0xffff;
	v13 =	vadd.s32 $0x9470, v3  }
0x227: {  	s18 =	simm.s32 $0x200;
	v14 =	vld.idx.msk [tilespmem:v14+s21+$0x0], $0xffff;
	[tilespmem:s13+$0x4080] =	vst v9  }
0x228: {  	s12 =	sand.u32 $0xC00, s18;
	v15 =	vadd.s32 $0x80E8, v1;
	v9 =	vld.idx.msk [tilespmem:v10+s21+$0x0], $0xffff;
	[tilespmem:s11+$0x4100] =	vst v2  }
0x229: {  	s14 =	sand.u32 $0x70, s15;
	s12 =	sadd.s32 $0xFC00, s12;
	v10 =	vadd.s32 $0x8CA0, v4;
	v8 =	vld.idx.msk [tilespmem:v8+s21+$0x0], $0xffff  }
0x22a: {  	s14 =	sor.u32 s14, s12;
	v6 =	vld.idx.msk [tilespmem:v6+s21+$0x0], $0xffff;
	[tilespmem:s30+$0x4280] =	vst v5;
	v5 =	vadd.s32 $0x8CA0, v0  }
0x22b: {  	[tilespmem:s14+$0x4000] =	vst v11;
	v11 =	vld.idx.msk [tilespmem:v13+s21+$0x0], $0xffff;
	v13 =	vadd.s32 $0x80E8, v12  }
0x22c: {  	s19 =	simm.s32 $0x40;
	v16 =	vadd.s32 $0x88B8, v7;
	v2 =	vld [tilespmem:s17+$0x0]  }
0x22d: {  	s15 =	sand.u32 $0x60, s19;
	v3 =	vadd.s32 $0x9858, v3;
	v15 =	vld.idx.msk [tilespmem:v15+s21+$0x0], $0xffff;
	[tilespmem:s10+$0x4180] =	vst v14  }
0x22e: {  	s15 =	sor.u32 s15, s12;
	v14 =	vadd.s32 $0x84D0, v1;
	v10 =	vld.idx.msk [tilespmem:v10+s21+$0x0], $0xffff;
	[tilespmem:s11+$0x4180] =	vst v8  }
0x22f: {  	[tilespmem:s15+$0x4000] =	vst v6;
	v5 =	vld.idx.msk [tilespmem:v5+s21+$0x0], $0xffff  }
0x230: {  	[tilespmem:s13+$0x4100] =	vst v9;
	v8 =	vadd.s32 $0x9088, v4;
	v6 =	vld.idx.msk [tilespmem:v13+s21+$0x0], $0xffff  }
0x231: {  	v9 =	vadd.s32 $0x9088, v0;
	v13 =	vld.idx.msk [tilespmem:v16+s21+$0x0], $0xffff;
	[tilespmem:s30+$0x4300] =	vst v11  }
0x232: {  	[tilespmem:s14+$0x4080] =	vst v15;
	v11 =	vadd.s32 $0x7D00, v2;
	v15 =	vld.idx.msk [tilespmem:v3+s21+$0x0], $0xffff  }
0x233: {  	v3 =	vadd.s32 $0x7D00, v24;
	[tilespmem:s10+$0x4200] =	vst v10;
	v10 =	vld.idx.msk [tilespmem:v14+s21+$0x0], $0xffff  }
0x234: {  	v16 =	vadd.s32 $0x84D0, v12  }
0x235: {  	v17 =	vadd.s32 $0x88B8, v1;
	v8 =	vld.idx.msk [tilespmem:v8+s21+$0x0], $0xffff;
	[tilespmem:s11+$0x4200] =	vst v5  }
0x236: {  	v23 =	vadd.s32 $0x9470, v4;
	v18 =	vadd.s32 $0x80E8, v24;
	v5 =	vadd.s32 $0x8CA0, v7;
	v22 =	vld.idx.msk [tilespmem:v9+s21+$0x0], $0xffff;
	[tilespmem:s15+$0x4080] =	vst v6  }
0x237: {  	v26 =	vadd.s32 $0x9470, v0;
	v27 =	vadd.s32 $0x80E8, v2;
	v14 =	vadd.s32 $0x88B8, v12;
	v11 =	vld.idx.msk [tilespmem:v11+s21+$0x0], $0xffff;
	[tilespmem:s13+$0x4180] =	vst v13  }
0x238: {  	s19 =	simm.s32 $0x300;
	v9 =	vadd.s32 $0x9088, v7;
	v6 =	vadd.s32 $0x9470, v7;
	v13 =	vadd.s32 $0x8CA0, v12;
	v25 =	vld.idx.msk [tilespmem:v3+s21+$0x0], $0xffff;
	[tilespmem:s14+$0x4100] =	vst v10  }
0x239: {  	s20 =	sand.u32 $0xC00, s19;
	v3 =	vadd.s32 $0x9858, v4;
	v20 =	vld.idx.msk [tilespmem:v16+s21+$0x0], $0xffff;
	v4 =	vadd.s32 $0x9858, v7;
	[tilespmem:s30+$0x4380] =	vst v15;
	v10 =	vadd.s32 $0x9088, v12  }
0x23a: {  	s31 =	sand.u32 $0x70, s17;
	s12 =	sadd.s32 $0xFC00, s20;
	v7 =	vadd.s32 $0x9470, v12;
	v16 =	vadd.s32 $0x84D0, v24;
	v15 =	vadd.s32 $0x8CA0, v24;
	v19 =	vld.idx.msk [tilespmem:v17+s21+$0x0], $0xffff;
	[tilespmem:s10+$0x4280] =	vst v8  }
0x23b: {  	s18 =	sor.u32 s31, s12;
	s30 =	simm.s32 $0x60;
	v17 =	vadd.s32 $0x88B8, v24;
	v8 =	vadd.s32 $0x9858, v24;
	v21 =	vld.idx.msk [tilespmem:v5+s21+$0x0], $0xffff;
	v5 =	vadd.s32 $0x9858, v12;
	[tilespmem:s11+$0x4280] =	vst v22  }
0x23c: {  	s16 =	sand.u32 $0x60, s30;
	v23 =	vld.idx.msk [tilespmem:v23+s21+$0x0], $0xffff;
	v12 =	vadd.s32 $0x9088, v24;
	[tilespmem:s18+$0x4000] =	vst v11;
	v11 =	vadd.s32 $0x9470, v24;
	v24 =	vadd.s32 $0x8CA0, v1  }
0x23d: {  	s16 =	sor.u32 s16, s12;
	v22 =	vld.idx.msk [tilespmem:v26+s21+$0x0], $0xffff  }
0x23e: {  	s20 =	simm.s32 $0x6;
	s12 =	simm.s32 $0x90;
	[tilespmem:s16+$0x4000] =	vst v25;
	v25 =	vld.idx.msk [tilespmem:v27+s21+$0x0], $0xffff  }
.LBB2_10:
0x23f: {  	s20 =	sadd.s32 $0x2, s20;
	[tilespmem:s15+$0x4100] =	vst v20;
	v20 =	vadd.s32 $0x9858, v0;
	v0 =	vmov v1;
	v1 =	vmov v2;
	v2 =	vld [tilespmem:s12+$0x0]  }
0x240: {  	v26 =	vld [tilespmem:s12+$0xFFFFFFF0];
	p0 =	slt.u32 s20, $0x1E;
	v27 =	vadd.s32 $0x84D0, v1;
	[tilespmem:s14+$0x4180] =	vst v19  }
0x241: {  	v19 =	vld.idx.msk [tilespmem:v24+s21+$0x0], $0xffff;
	[tilespmem:s13+$0x4200] =	vst v21  }
0x242: {  	v21 =	vld.idx.msk [tilespmem:v18+s21+$0x0], $0xffff;
	[tilespmem:s10+$0x4300] =	vst v23  }
0x243: {  	v24 =	vadd.s32 $0x9088, v0;
	v23 =	vld.idx.msk [tilespmem:v14+s21+$0x0], $0xffff;
	[tilespmem:s11+$0x4300] =	vst v22;
	v14 =	vmov v17  }
0x244: {  	v22 =	vadd.s32 $0x7D00, v2;
	[tilespmem:s18+$0x4080] =	vst v25;
	v20 =	vld.idx.msk [tilespmem:v20+s21+$0x0], $0xffff  }
0x245: {  	v25 =	vadd.s32 $0x7D00, v26;
	v18 =	vadd.s32 $0x80E8, v26;
	v28 =	vadd.s32 $0x84D0, v26;
	v27 =	vld.idx.msk [tilespmem:v27+s21+$0x0], $0xffff  }
0x246: {  	v17 =	vadd.s32 $0x88B8, v26;
	v29 =	vadd.s32 $0x8CA0, v26;
	v30 =	vld.idx.msk [tilespmem:v9+s21+$0x0], $0xffff;
	v9 =	vmovc v10;
	v10 =	vmovc v12;
	v12 =	vadd.s32 $0x9088, v26  }
0x247: {  	v32 =	vadd.s32 $0x88B8, v1;
	v31 =	vadd.s32 $0x9470, v26;
	v26 =	vadd.s32 $0x9858, v26;
	[tilespmem:s14+$0x4200] =	vst v19;
	v33 =	vld.idx.msk [tilespmem:v3+s21+$0x0], $0xffff;
	v3 =	vmovc v4;
	v4 =	vmovc v5  }
0x248: {  	v5 =	vmov v8;
	v8 =	vmov v26;
	[tilespmem:s16+$0x4080] =	vst v21;
	v34 =	vld.idx.msk [tilespmem:v24+s21+$0x0], $0xffff  }
0x249: {  	v22 =	vld.idx.msk [tilespmem:v22+s21+$0x0], $0xffff;
	[tilespmem:s15+$0x4180] =	vst v23  }
0x24a: {  	v26 =	vadd.s32 $0x9470, v0;
	v25 =	vld.idx.msk [tilespmem:v25+s21+$0x0], $0xffff;
	[tilespmem:s11+$0x4380] =	vst v20;
	s11 =	smov.u32 s14;
	s14 =	smov.u32 s18  }
0x24b: {  	s19 =	sadd.s32 $0x100, s19;
	v35 =	vadd.s32 $0x80E8, v2;
	v20 =	vld.idx.msk [tilespmem:v16+s21+$0x0], $0xffff;
	[tilespmem:s14+$0x4100] =	vst v27;
	v16 =	vmov v28  }
.Ltmp4:
0x24c: {  	s17 =	sadd.s32 $0x20, s17;
	s18 =	sand.u32 $0xC00, s19;
	v19 =	vld.idx.msk [tilespmem:v32+s21+$0x0], $0xffff;
	[tilespmem:s13+$0x4280] =	vst v30;
	(pc) =	sbr.rel @p0 .LBB2_10-.Ltmp4, $4  }
0x24d: {  	s30 =	sadd.s32 $0xFFFFFFF0, s17;
	s31 =	sadd.s32 $0xFC00, s18;
	s18 =	sand.u32 $0x70, s17;
	v21 =	vld.idx.msk [tilespmem:v13+s21+$0x0], $0xffff;
	[tilespmem:s10+$0x4380] =	vst v33;
	v13 =	vmov v15;
	v15 =	vmov v29  }
0x24e: {  	s30 =	sand.u32 $0x60, s30;
	v24 =	vadd.s32 $0x8CA0, v1;
	s18 =	sor.u32 s18, s31;
	s10 =	smov.u32 s13;
	[tilespmem:s11+$0x4280] =	vst v34;
	v23 =	vld.idx.msk [tilespmem:v6+s21+$0x0], $0xffff;
	v6 =	vmovc v7;
	v7 =	vmov v11;
	v11 =	vmov v31  }
0x24f: {  	s13 =	smov.u32 s15;
	s15 =	smov.u32 s16;
	s16 =	sor.u32 s30, s31;
	[tilespmem:s18+$0x4000] =	vst v22;
	v22 =	vld.idx.msk [tilespmem:v26+s21+$0x0], $0xffff  }
0x250: {  	s12 =	sadd.s32 $0x20, s12;
	[tilespmem:s16+$0x4000] =	vst v25;
	v25 =	vld.idx.msk [tilespmem:v35+s21+$0x0], $0xffff  }
0x251: {  	_ =	sdelay $0x3  }
0x252: {  	v26 =	vadd.s32 $0x84D0, v2;
	v18 =	vld.idx.msk [tilespmem:v18+s21+$0x0], $0xffff;
	_ =	sdelay $0x3  }
0x253: {  	[tilespmem:s18+$0x4080] =	vst v25  }
0x254: {  	v25 =	vld.idx.msk [tilespmem:v26+s21+$0x0], $0xffff;
	[tilespmem:s16+$0x4080] =	vst v18  }
0x255: {  	v26 =	vadd.s32 $0x88B8, v2;
	v16 =	vld.idx.msk [tilespmem:v16+s21+$0x0], $0xffff;
	_ =	sdelay $0x1  }
0x256: {  	[tilespmem:s15+$0x4100] =	vst v20  }
0x257: {  	v14 =	vld.idx.msk [tilespmem:v14+s21+$0x0], $0xffff  }
0x258: {  	[tilespmem:s18+$0x4100] =	vst v25  }
0x259: {  	v18 =	vld.idx.msk [tilespmem:v26+s21+$0x0], $0xffff;
	[tilespmem:s16+$0x4100] =	vst v16  }
0x25a: {  	v20 =	vadd.s32 $0x8CA0, v2;
	v16 =	vld.idx.msk [tilespmem:v17+s21+$0x0], $0xffff;
	_ =	sdelay $0x1  }
0x25b: {  	[tilespmem:s15+$0x4180] =	vst v14  }
0x25c: {  	[tilespmem:s14+$0x4180] =	vst v19;
	v13 =	vld.idx.msk [tilespmem:v13+s21+$0x0], $0xffff  }
0x25d: {  	v17 =	vld.idx.msk [tilespmem:v24+s21+$0x0], $0xffff;
	[tilespmem:s18+$0x4180] =	vst v18  }
0x25e: {  	v19 =	vadd.s32 $0x9088, v1;
	v14 =	vld.idx.msk [tilespmem:v20+s21+$0x0], $0xffff;
	[tilespmem:s16+$0x4180] =	vst v16  }
0x25f: {  	[tilespmem:s13+$0x4200] =	vst v21;
	v18 =	vadd.s32 $0x9088, v2;
	v15 =	vld.idx.msk [tilespmem:v15+s21+$0x0], $0xffff  }
0x260: {  	[tilespmem:s10+$0x4300] =	vst v23  }
0x261: {  	v0 =	vadd.s32 $0x9858, v0;
	v9 =	vld.idx.msk [tilespmem:v9+s21+$0x0], $0xffff;
	[tilespmem:s15+$0x4200] =	vst v13  }
0x262: {  	v10 =	vld.idx.msk [tilespmem:v10+s21+$0x0], $0xffff;
	[tilespmem:s14+$0x4200] =	vst v17  }
0x263: {  	v16 =	vld.idx.msk [tilespmem:v19+s21+$0x0], $0xffff;
	[tilespmem:s18+$0x4200] =	vst v14  }
0x264: {  	v17 =	vadd.s32 $0x9470, v1;
	v13 =	vld.idx.msk [tilespmem:v18+s21+$0x0], $0xffff;
	[tilespmem:s16+$0x4200] =	vst v15  }
0x265: {  	[tilespmem:s11+$0x4300] =	vst v22;
	v14 =	vadd.s32 $0x9470, v2;
	v12 =	vld.idx.msk [tilespmem:v12+s21+$0x0], $0xffff  }
0x266: {  	v0 =	vld.idx.msk [tilespmem:v0+s21+$0x0], $0xffff;
	[tilespmem:s13+$0x4280] =	vst v9  }
0x267: {  	v6 =	vld.idx.msk [tilespmem:v6+s21+$0x0], $0xffff;
	[tilespmem:s15+$0x4280] =	vst v10  }
0x268: {  	v7 =	vld.idx.msk [tilespmem:v7+s21+$0x0], $0xffff;
	[tilespmem:s14+$0x4280] =	vst v16  }
0x269: {  	v9 =	vld.idx.msk [tilespmem:v17+s21+$0x0], $0xffff;
	[tilespmem:s18+$0x4280] =	vst v13  }
0x26a: {  	v1 =	vadd.s32 $0x9858, v1;
	v10 =	vld.idx.msk [tilespmem:v14+s21+$0x0], $0xffff;
	[tilespmem:s16+$0x4280] =	vst v12  }
0x26b: {  	[tilespmem:s11+$0x4380] =	vst v0;
	v2 =	vadd.s32 $0x9858, v2;
	v0 =	vld.idx.msk [tilespmem:v11+s21+$0x0], $0xffff  }
0x26c: {  	v3 =	vld.idx.msk [tilespmem:v3+s21+$0x0], $0xffff;
	[tilespmem:s13+$0x4300] =	vst v6  }
0x26d: {  	v4 =	vld.idx.msk [tilespmem:v4+s21+$0x0], $0xffff;
	[tilespmem:s15+$0x4300] =	vst v7  }
0x26e: {  	v5 =	vld.idx.msk [tilespmem:v5+s21+$0x0], $0xffff;
	[tilespmem:s14+$0x4300] =	vst v9  }
0x26f: {  	v1 =	vld.idx.msk [tilespmem:v1+s21+$0x0], $0xffff;
	[tilespmem:s18+$0x4300] =	vst v10  }
0x270: {  	v2 =	vld.idx.msk [tilespmem:v2+s21+$0x0], $0xffff;
	[tilespmem:s16+$0x4300] =	vst v0  }
0x271: {  	[tilespmem:s10+$0x4380] =	vst v3;
	v0 =	vld.idx.msk [tilespmem:v8+s21+$0x0], $0xffff  }
0x272: {  	[tilespmem:s13+$0x4380] =	vst v4  }
0x273: {  	[tilespmem:s15+$0x4380] =	vst v5  }
0x274: {  	[tilespmem:s14+$0x4380] =	vst v1  }
0x275: {  	[tilespmem:s18+$0x4380] =	vst v2  }
0x276: {  	[tilespmem:s16+$0x4380] =	vst v0  }
0x277: {  	s12 =	simm.s32 $0x13C00;
	s18 =	simm.s32 $0x0;
	s11 =	rddreg [dreg:$0x11]  }
0x278: {  	[hbm4b:s11+s18] =	stream.linear.scatter [tilespmem:s12], [sflag:$0xD], $0x1000, $0x38;
	[tilespmem:$0x17C00] =	vst v63  }
0x279: {  	_ =	swait.ge [sflag:s0], $0x1F40  }
0x27a: {  	[sflag:s0] =	ssyncset.done $0x0  }
0x27b: {  	s19 =	simm.s32 $0x10;
	[sflag:s0] =	ssyncadd.s32 $0xFFFFE0C0  }
0x27c: {  	v3 =	vld [tilespmem:s19+$0x0];
	_ =	sdelay $0x4  }
0x27d: {  	v0 =	vadd.s32 $0x9C40, v3;
	_ =	sdelay $0x4  }
0x27e: {  	v0 =	vld.idx.msk [tilespmem:v0+s21+$0x0], $0xffff  }
0x27f: {  	v1 =	vadd.s32 $0xA028, v3  }
0x280: {  	s10 =	sand.u32 $0xC00, s18  }
0x281: {  	s20 =	sand.u32 $0x70, s19;
	s10 =	sadd.s32 $0xFC00, s10;
	v4 =	vld [tilespmem:s19+$0xFFFFFFF0]  }
0x282: {  	s31 =	simm.s32 $0x30;
	s30 =	sor.u32 s20, s10  }
0x283: {  	[tilespmem:s30+$0x5000] =	vst v0;
	v0 =	vld [tilespmem:s31+$0x0]  }
0x284: {  	v1 =	vld.idx.msk [tilespmem:v1+s21+$0x0], $0xffff  }
0x285: {  	v2 =	vadd.s32 $0xA410, v3  }
0x286: {  	v5 =	vadd.s32 $0x9C40, v4;
	_ =	sdelay $0x1  }
0x287: {  	v7 =	vld [tilespmem:s31+$0xFFFFFFF0]  }
0x288: {  	v6 =	vadd.s32 $0x9C40, v0;
	[tilespmem:s30+$0x5080] =	vst v1  }
0x289: {  	v1 =	vld.idx.msk [tilespmem:v2+s21+$0x0], $0xffff  }
0x28a: {  	v2 =	vld.idx.msk [tilespmem:v5+s21+$0x0], $0xffff;
	v5 =	vadd.s32 $0xA7F8, v3  }
0x28b: {  	v8 =	vadd.s32 $0xA028, v4  }
0x28c: {  	s13 =	simm.s32 $0x0;
	v9 =	vadd.s32 $0x9C40, v7  }
0x28d: {  	s12 =	sand.u32 $0x60, s13;
	v6 =	vld.idx.msk [tilespmem:v6+s21+$0x0], $0xffff  }
0x28e: {  	s14 =	simm.s32 $0x100;
	s10 =	sor.u32 s12, s10;
	v10 =	vadd.s32 $0xA028, v0;
	[tilespmem:s30+$0x5100] =	vst v1  }
0x28f: {  	s12 =	sand.u32 $0xC00, s14;
	[tilespmem:s10+$0x5000] =	vst v2;
	v2 =	vld.idx.msk [tilespmem:v5+s21+$0x0], $0xffff  }
0x290: {  	s11 =	sand.u32 $0x70, s31;
	s12 =	sadd.s32 $0xFC00, s12;
	v5 =	vld.idx.msk [tilespmem:v8+s21+$0x0], $0xffff;
	v8 =	vadd.s32 $0xABE0, v3  }
0x291: {  	s15 =	simm.s32 $0x50;
	s11 =	sor.u32 s11, s12;
	v9 =	vld.idx.msk [tilespmem:v9+s21+$0x0], $0xffff  }
0x292: {  	v11 =	vadd.s32 $0xA410, v4;
	v1 =	vld [tilespmem:s15+$0x0];
	[tilespmem:s11+$0x5000] =	vst v6  }
0x293: {  	v6 =	vld.idx.msk [tilespmem:v10+s21+$0x0], $0xffff;
	v10 =	vadd.s32 $0xA028, v7  }
0x294: {  	s17 =	simm.s32 $0x20;
	[tilespmem:s30+$0x5180] =	vst v2;
	v2 =	vadd.s32 $0xA410, v0  }
0x295: {  	s13 =	sand.u32 $0x60, s17;
	v8 =	vld.idx.msk [tilespmem:v8+s21+$0x0], $0xffff  }
0x296: {  	s13 =	sor.u32 s13, s12;
	v12 =	vld [tilespmem:s15+$0xFFFFFFF0];
	[tilespmem:s10+$0x5080] =	vst v5;
	v5 =	vadd.s32 $0xAFC8, v3  }
0x297: {  	[tilespmem:s13+$0x5000] =	vst v9;
	v13 =	vadd.s32 $0x9C40, v1;
	v11 =	vld.idx.msk [tilespmem:v11+s21+$0x0], $0xffff  }
0x298: {  	v14 =	vadd.s32 $0xA7F8, v4;
	v9 =	vld.idx.msk [tilespmem:v10+s21+$0x0], $0xffff;
	[tilespmem:s11+$0x5080] =	vst v6  }
0x299: {  	s17 =	simm.s32 $0x70;
	v10 =	vadd.s32 $0xA410, v7;
	v2 =	vld.idx.msk [tilespmem:v2+s21+$0x0], $0xffff  }
0x29a: {  	v24 =	vld [tilespmem:s17+$0xFFFFFFF0];
	[tilespmem:s30+$0x5200] =	vst v8;
	v8 =	vadd.s32 $0xA7F8, v0  }
0x29b: {  	v6 =	vadd.s32 $0x9C40, v12;
	v5 =	vld.idx.msk [tilespmem:v5+s21+$0x0], $0xffff  }
0x29c: {  	[tilespmem:s10+$0x5100] =	vst v11;
	v11 =	vld.idx.msk [tilespmem:v13+s21+$0x0], $0xffff;
	v13 =	vadd.s32 $0xB3B0, v3  }
0x29d: {  	s18 =	simm.s32 $0x200;
	v14 =	vld.idx.msk [tilespmem:v14+s21+$0x0], $0xffff;
	[tilespmem:s13+$0x5080] =	vst v9  }
0x29e: {  	s12 =	sand.u32 $0xC00, s18;
	v15 =	vadd.s32 $0xA028, v1;
	v9 =	vld.idx.msk [tilespmem:v10+s21+$0x0], $0xffff;
	[tilespmem:s11+$0x5100] =	vst v2  }
0x29f: {  	s14 =	sand.u32 $0x70, s15;
	s12 =	sadd.s32 $0xFC00, s12;
	v10 =	vadd.s32 $0xABE0, v4;
	v8 =	vld.idx.msk [tilespmem:v8+s21+$0x0], $0xffff  }
0x2a0: {  	s14 =	sor.u32 s14, s12;
	v6 =	vld.idx.msk [tilespmem:v6+s21+$0x0], $0xffff;
	[tilespmem:s30+$0x5280] =	vst v5;
	v5 =	vadd.s32 $0xABE0, v0  }
0x2a1: {  	[tilespmem:s14+$0x5000] =	vst v11;
	v11 =	vld.idx.msk [tilespmem:v13+s21+$0x0], $0xffff;
	v13 =	vadd.s32 $0xA028, v12  }
0x2a2: {  	s19 =	simm.s32 $0x40;
	v16 =	vadd.s32 $0xA7F8, v7;
	v2 =	vld [tilespmem:s17+$0x0]  }
0x2a3: {  	s15 =	sand.u32 $0x60, s19;
	v3 =	vadd.s32 $0xB798, v3;
	v15 =	vld.idx.msk [tilespmem:v15+s21+$0x0], $0xffff;
	[tilespmem:s10+$0x5180] =	vst v14  }
0x2a4: {  	s15 =	sor.u32 s15, s12;
	v14 =	vadd.s32 $0xA410, v1;
	v10 =	vld.idx.msk [tilespmem:v10+s21+$0x0], $0xffff;
	[tilespmem:s11+$0x5180] =	vst v8  }
0x2a5: {  	[tilespmem:s15+$0x5000] =	vst v6;
	v5 =	vld.idx.msk [tilespmem:v5+s21+$0x0], $0xffff  }
0x2a6: {  	[tilespmem:s13+$0x5100] =	vst v9;
	v8 =	vadd.s32 $0xAFC8, v4;
	v6 =	vld.idx.msk [tilespmem:v13+s21+$0x0], $0xffff  }
0x2a7: {  	v9 =	vadd.s32 $0xAFC8, v0;
	v13 =	vld.idx.msk [tilespmem:v16+s21+$0x0], $0xffff;
	[tilespmem:s30+$0x5300] =	vst v11  }
0x2a8: {  	[tilespmem:s14+$0x5080] =	vst v15;
	v11 =	vadd.s32 $0x9C40, v2;
	v15 =	vld.idx.msk [tilespmem:v3+s21+$0x0], $0xffff  }
0x2a9: {  	v3 =	vadd.s32 $0x9C40, v24;
	[tilespmem:s10+$0x5200] =	vst v10;
	v10 =	vld.idx.msk [tilespmem:v14+s21+$0x0], $0xffff  }
0x2aa: {  	v16 =	vadd.s32 $0xA410, v12  }
0x2ab: {  	v17 =	vadd.s32 $0xA7F8, v1;
	v8 =	vld.idx.msk [tilespmem:v8+s21+$0x0], $0xffff;
	[tilespmem:s11+$0x5200] =	vst v5  }
0x2ac: {  	v23 =	vadd.s32 $0xB3B0, v4;
	v18 =	vadd.s32 $0xA028, v24;
	v5 =	vadd.s32 $0xABE0, v7;
	v22 =	vld.idx.msk [tilespmem:v9+s21+$0x0], $0xffff;
	[tilespmem:s15+$0x5080] =	vst v6  }
0x2ad: {  	v26 =	vadd.s32 $0xB3B0, v0;
	v27 =	vadd.s32 $0xA028, v2;
	v14 =	vadd.s32 $0xA7F8, v12;
	v11 =	vld.idx.msk [tilespmem:v11+s21+$0x0], $0xffff;
	[tilespmem:s13+$0x5180] =	vst v13  }
0x2ae: {  	s19 =	simm.s32 $0x300;
	v9 =	vadd.s32 $0xAFC8, v7;
	v6 =	vadd.s32 $0xB3B0, v7;
	v13 =	vadd.s32 $0xABE0, v12;
	v25 =	vld.idx.msk [tilespmem:v3+s21+$0x0], $0xffff;
	[tilespmem:s14+$0x5100] =	vst v10  }
0x2af: {  	s20 =	sand.u32 $0xC00, s19;
	v3 =	vadd.s32 $0xB798, v4;
	v20 =	vld.idx.msk [tilespmem:v16+s21+$0x0], $0xffff;
	v4 =	vadd.s32 $0xB798, v7;
	[tilespmem:s30+$0x5380] =	vst v15;
	v10 =	vadd.s32 $0xAFC8, v12  }
0x2b0: {  	s31 =	sand.u32 $0x70, s17;
	s12 =	sadd.s32 $0xFC00, s20;
	v7 =	vadd.s32 $0xB3B0, v12;
	v16 =	vadd.s32 $0xA410, v24;
	v15 =	vadd.s32 $0xABE0, v24;
	v19 =	vld.idx.msk [tilespmem:v17+s21+$0x0], $0xffff;
	[tilespmem:s10+$0x5280] =	vst v8  }
0x2b1: {  	s18 =	sor.u32 s31, s12;
	s30 =	simm.s32 $0x60;
	v17 =	vadd.s32 $0xA7F8, v24;
	v8 =	vadd.s32 $0xB798, v24;
	v21 =	vld.idx.msk [tilespmem:v5+s21+$0x0], $0xffff;
	v5 =	vadd.s32 $0xB798, v12;
	[tilespmem:s11+$0x5280] =	vst v22  }
0x2b2: {  	s16 =	sand.u32 $0x60, s30;
	v23 =	vld.idx.msk [tilespmem:v23+s21+$0x0], $0xffff;
	v12 =	vadd.s32 $0xAFC8, v24;
	[tilespmem:s18+$0x5000] =	vst v11;
	v11 =	vadd.s32 $0xB3B0, v24;
	v24 =	vadd.s32 $0xABE0, v1  }
0x2b3: {  	s16 =	sor.u32 s16, s12;
	v22 =	vld.idx.msk [tilespmem:v26+s21+$0x0], $0xffff  }
0x2b4: {  	s20 =	simm.s32 $0x6;
	s12 =	simm.s32 $0x90;
	[tilespmem:s16+$0x5000] =	vst v25;
	v25 =	vld.idx.msk [tilespmem:v27+s21+$0x0], $0xffff  }
.LBB2_12:
0x2b5: {  	s20 =	sadd.s32 $0x2, s20;
	[tilespmem:s15+$0x5100] =	vst v20;
	v20 =	vadd.s32 $0xB798, v0;
	v0 =	vmov v1;
	v1 =	vmov v2;
	v2 =	vld [tilespmem:s12+$0x0]  }
0x2b6: {  	v26 =	vld [tilespmem:s12+$0xFFFFFFF0];
	p0 =	slt.u32 s20, $0x1E;
	v27 =	vadd.s32 $0xA410, v1;
	[tilespmem:s14+$0x5180] =	vst v19  }
0x2b7: {  	v19 =	vld.idx.msk [tilespmem:v24+s21+$0x0], $0xffff;
	[tilespmem:s13+$0x5200] =	vst v21  }
0x2b8: {  	v21 =	vld.idx.msk [tilespmem:v18+s21+$0x0], $0xffff;
	[tilespmem:s10+$0x5300] =	vst v23  }
0x2b9: {  	v24 =	vadd.s32 $0xAFC8, v0;
	v23 =	vld.idx.msk [tilespmem:v14+s21+$0x0], $0xffff;
	[tilespmem:s11+$0x5300] =	vst v22;
	v14 =	vmov v17  }
0x2ba: {  	v22 =	vadd.s32 $0x9C40, v2;
	[tilespmem:s18+$0x5080] =	vst v25;
	v20 =	vld.idx.msk [tilespmem:v20+s21+$0x0], $0xffff  }
0x2bb: {  	v25 =	vadd.s32 $0x9C40, v26;
	v18 =	vadd.s32 $0xA028, v26;
	v28 =	vadd.s32 $0xA410, v26;
	v27 =	vld.idx.msk [tilespmem:v27+s21+$0x0], $0xffff  }
0x2bc: {  	v17 =	vadd.s32 $0xA7F8, v26;
	v29 =	vadd.s32 $0xABE0, v26;
	v30 =	vld.idx.msk [tilespmem:v9+s21+$0x0], $0xffff;
	v9 =	vmovc v10;
	v10 =	vmovc v12;
	v12 =	vadd.s32 $0xAFC8, v26  }
0x2bd: {  	v32 =	vadd.s32 $0xA7F8, v1;
	v31 =	vadd.s32 $0xB3B0, v26;
	v26 =	vadd.s32 $0xB798, v26;
	[tilespmem:s14+$0x5200] =	vst v19;
	v33 =	vld.idx.msk [tilespmem:v3+s21+$0x0], $0xffff;
	v3 =	vmovc v4;
	v4 =	vmovc v5  }
0x2be: {  	v5 =	vmov v8;
	v8 =	vmov v26;
	[tilespmem:s16+$0x5080] =	vst v21;
	v34 =	vld.idx.msk [tilespmem:v24+s21+$0x0], $0xffff  }
0x2bf: {  	v22 =	vld.idx.msk [tilespmem:v22+s21+$0x0], $0xffff;
	[tilespmem:s15+$0x5180] =	vst v23  }
0x2c0: {  	v26 =	vadd.s32 $0xB3B0, v0;
	v25 =	vld.idx.msk [tilespmem:v25+s21+$0x0], $0xffff;
	[tilespmem:s11+$0x5380] =	vst v20;
	s11 =	smov.u32 s14;
	s14 =	smov.u32 s18  }
0x2c1: {  	s19 =	sadd.s32 $0x100, s19;
	v35 =	vadd.s32 $0xA028, v2;
	v20 =	vld.idx.msk [tilespmem:v16+s21+$0x0], $0xffff;
	[tilespmem:s14+$0x5100] =	vst v27;
	v16 =	vmov v28  }
.Ltmp5:
0x2c2: {  	s17 =	sadd.s32 $0x20, s17;
	s18 =	sand.u32 $0xC00, s19;
	v19 =	vld.idx.msk [tilespmem:v32+s21+$0x0], $0xffff;
	[tilespmem:s13+$0x5280] =	vst v30;
	(pc) =	sbr.rel @p0 .LBB2_12-.Ltmp5, $4  }
0x2c3: {  	s30 =	sadd.s32 $0xFFFFFFF0, s17;
	s31 =	sadd.s32 $0xFC00, s18;
	s18 =	sand.u32 $0x70, s17;
	v21 =	vld.idx.msk [tilespmem:v13+s21+$0x0], $0xffff;
	[tilespmem:s10+$0x5380] =	vst v33;
	v13 =	vmov v15;
	v15 =	vmov v29  }
0x2c4: {  	s30 =	sand.u32 $0x60, s30;
	v24 =	vadd.s32 $0xABE0, v1;
	s18 =	sor.u32 s18, s31;
	s10 =	smov.u32 s13;
	[tilespmem:s11+$0x5280] =	vst v34;
	v23 =	vld.idx.msk [tilespmem:v6+s21+$0x0], $0xffff;
	v6 =	vmovc v7;
	v7 =	vmov v11;
	v11 =	vmov v31  }
0x2c5: {  	s13 =	smov.u32 s15;
	s15 =	smov.u32 s16;
	s16 =	sor.u32 s30, s31;
	[tilespmem:s18+$0x5000] =	vst v22;
	v22 =	vld.idx.msk [tilespmem:v26+s21+$0x0], $0xffff  }
0x2c6: {  	s12 =	sadd.s32 $0x20, s12;
	[tilespmem:s16+$0x5000] =	vst v25;
	v25 =	vld.idx.msk [tilespmem:v35+s21+$0x0], $0xffff  }
0x2c7: {  	_ =	sdelay $0x3  }
0x2c8: {  	v26 =	vadd.s32 $0xA410, v2;
	v18 =	vld.idx.msk [tilespmem:v18+s21+$0x0], $0xffff;
	_ =	sdelay $0x3  }
0x2c9: {  	[tilespmem:s18+$0x5080] =	vst v25  }
0x2ca: {  	v25 =	vld.idx.msk [tilespmem:v26+s21+$0x0], $0xffff;
	[tilespmem:s16+$0x5080] =	vst v18  }
0x2cb: {  	v26 =	vadd.s32 $0xA7F8, v2;
	v16 =	vld.idx.msk [tilespmem:v16+s21+$0x0], $0xffff;
	_ =	sdelay $0x1  }
0x2cc: {  	[tilespmem:s15+$0x5100] =	vst v20  }
0x2cd: {  	v14 =	vld.idx.msk [tilespmem:v14+s21+$0x0], $0xffff  }
0x2ce: {  	[tilespmem:s18+$0x5100] =	vst v25  }
0x2cf: {  	v18 =	vld.idx.msk [tilespmem:v26+s21+$0x0], $0xffff;
	[tilespmem:s16+$0x5100] =	vst v16  }
0x2d0: {  	v20 =	vadd.s32 $0xABE0, v2;
	v16 =	vld.idx.msk [tilespmem:v17+s21+$0x0], $0xffff;
	_ =	sdelay $0x1  }
0x2d1: {  	[tilespmem:s15+$0x5180] =	vst v14  }
0x2d2: {  	[tilespmem:s14+$0x5180] =	vst v19;
	v13 =	vld.idx.msk [tilespmem:v13+s21+$0x0], $0xffff  }
0x2d3: {  	v17 =	vld.idx.msk [tilespmem:v24+s21+$0x0], $0xffff;
	[tilespmem:s18+$0x5180] =	vst v18  }
0x2d4: {  	v19 =	vadd.s32 $0xAFC8, v1;
	v14 =	vld.idx.msk [tilespmem:v20+s21+$0x0], $0xffff;
	[tilespmem:s16+$0x5180] =	vst v16  }
0x2d5: {  	[tilespmem:s13+$0x5200] =	vst v21;
	v18 =	vadd.s32 $0xAFC8, v2;
	v15 =	vld.idx.msk [tilespmem:v15+s21+$0x0], $0xffff  }
0x2d6: {  	[tilespmem:s10+$0x5300] =	vst v23  }
0x2d7: {  	v0 =	vadd.s32 $0xB798, v0;
	v9 =	vld.idx.msk [tilespmem:v9+s21+$0x0], $0xffff;
	[tilespmem:s15+$0x5200] =	vst v13  }
0x2d8: {  	v10 =	vld.idx.msk [tilespmem:v10+s21+$0x0], $0xffff;
	[tilespmem:s14+$0x5200] =	vst v17  }
0x2d9: {  	v16 =	vld.idx.msk [tilespmem:v19+s21+$0x0], $0xffff;
	[tilespmem:s18+$0x5200] =	vst v14  }
0x2da: {  	v17 =	vadd.s32 $0xB3B0, v1;
	v13 =	vld.idx.msk [tilespmem:v18+s21+$0x0], $0xffff;
	[tilespmem:s16+$0x5200] =	vst v15  }
0x2db: {  	[tilespmem:s11+$0x5300] =	vst v22;
	v14 =	vadd.s32 $0xB3B0, v2;
	v12 =	vld.idx.msk [tilespmem:v12+s21+$0x0], $0xffff  }
0x2dc: {  	v0 =	vld.idx.msk [tilespmem:v0+s21+$0x0], $0xffff;
	[tilespmem:s13+$0x5280] =	vst v9  }
0x2dd: {  	v6 =	vld.idx.msk [tilespmem:v6+s21+$0x0], $0xffff;
	[tilespmem:s15+$0x5280] =	vst v10  }
0x2de: {  	v7 =	vld.idx.msk [tilespmem:v7+s21+$0x0], $0xffff;
	[tilespmem:s14+$0x5280] =	vst v16  }
0x2df: {  	v9 =	vld.idx.msk [tilespmem:v17+s21+$0x0], $0xffff;
	[tilespmem:s18+$0x5280] =	vst v13  }
0x2e0: {  	v1 =	vadd.s32 $0xB798, v1;
	v10 =	vld.idx.msk [tilespmem:v14+s21+$0x0], $0xffff;
	[tilespmem:s16+$0x5280] =	vst v12  }
0x2e1: {  	[tilespmem:s11+$0x5380] =	vst v0;
	v2 =	vadd.s32 $0xB798, v2;
	v0 =	vld.idx.msk [tilespmem:v11+s21+$0x0], $0xffff  }
0x2e2: {  	v3 =	vld.idx.msk [tilespmem:v3+s21+$0x0], $0xffff;
	[tilespmem:s13+$0x5300] =	vst v6  }
0x2e3: {  	v4 =	vld.idx.msk [tilespmem:v4+s21+$0x0], $0xffff;
	[tilespmem:s15+$0x5300] =	vst v7  }
0x2e4: {  	v5 =	vld.idx.msk [tilespmem:v5+s21+$0x0], $0xffff;
	[tilespmem:s14+$0x5300] =	vst v9  }
0x2e5: {  	v1 =	vld.idx.msk [tilespmem:v1+s21+$0x0], $0xffff;
	[tilespmem:s18+$0x5300] =	vst v10  }
0x2e6: {  	v2 =	vld.idx.msk [tilespmem:v2+s21+$0x0], $0xffff;
	[tilespmem:s16+$0x5300] =	vst v0  }
0x2e7: {  	[tilespmem:s10+$0x5380] =	vst v3;
	v0 =	vld.idx.msk [tilespmem:v8+s21+$0x0], $0xffff  }
0x2e8: {  	[tilespmem:s13+$0x5380] =	vst v4  }
0x2e9: {  	[tilespmem:s15+$0x5380] =	vst v5  }
0x2ea: {  	[tilespmem:s14+$0x5380] =	vst v1  }
0x2eb: {  	[tilespmem:s18+$0x5380] =	vst v2  }
0x2ec: {  	[tilespmem:s16+$0x5380] =	vst v0  }
0x2ed: {  	s12 =	simm.s32 $0x14C00;
	s18 =	simm.s32 $0x0;
	s11 =	rddreg [dreg:$0x12]  }
0x2ee: {  	[hbm4b:s11+s18] =	stream.linear.scatter [tilespmem:s12], [sflag:$0xE], $0x1000, $0x38;
	[tilespmem:$0x17C00] =	vst v63  }
0x2ef: {  	_ =	swait.ge [sflag:s24], $0x1F40  }
0x2f0: {  	[sflag:s24] =	ssyncset.done $0x0  }
0x2f1: {  	s19 =	simm.s32 $0x10;
	[sflag:s24] =	ssyncadd.s32 $0xFFFFE0C0  }
0x2f2: {  	v3 =	vld [tilespmem:s19+$0x0];
	_ =	sdelay $0x4  }
0x2f3: {  	v0 =	vadd.s32 $0xBB80, v3;
	_ =	sdelay $0x4  }
0x2f4: {  	v0 =	vld.idx.msk [tilespmem:v0+s21+$0x0], $0xffff  }
0x2f5: {  	v1 =	vadd.s32 $0xBF68, v3  }
0x2f6: {  	s10 =	sand.u32 $0xC00, s18  }
0x2f7: {  	s20 =	sand.u32 $0x70, s19;
	s10 =	sadd.s32 $0xFC00, s10;
	v4 =	vld [tilespmem:s19+$0xFFFFFFF0]  }
0x2f8: {  	s31 =	simm.s32 $0x30;
	s30 =	sor.u32 s20, s10  }
0x2f9: {  	[tilespmem:s30+$0x6000] =	vst v0;
	v0 =	vld [tilespmem:s31+$0x0]  }
0x2fa: {  	v1 =	vld.idx.msk [tilespmem:v1+s21+$0x0], $0xffff  }
0x2fb: {  	v2 =	vadd.s32 $0xC350, v3  }
0x2fc: {  	v5 =	vadd.s32 $0xBB80, v4;
	_ =	sdelay $0x1  }
0x2fd: {  	v7 =	vld [tilespmem:s31+$0xFFFFFFF0]  }
0x2fe: {  	v6 =	vadd.s32 $0xBB80, v0;
	[tilespmem:s30+$0x6080] =	vst v1  }
0x2ff: {  	v1 =	vld.idx.msk [tilespmem:v2+s21+$0x0], $0xffff  }
0x300: {  	v2 =	vld.idx.msk [tilespmem:v5+s21+$0x0], $0xffff;
	v5 =	vadd.s32 $0xC738, v3  }
0x301: {  	v8 =	vadd.s32 $0xBF68, v4  }
0x302: {  	s13 =	simm.s32 $0x0;
	v9 =	vadd.s32 $0xBB80, v7  }
0x303: {  	s12 =	sand.u32 $0x60, s13;
	v6 =	vld.idx.msk [tilespmem:v6+s21+$0x0], $0xffff  }
0x304: {  	s14 =	simm.s32 $0x100;
	s10 =	sor.u32 s12, s10;
	v10 =	vadd.s32 $0xBF68, v0;
	[tilespmem:s30+$0x6100] =	vst v1  }
0x305: {  	s12 =	sand.u32 $0xC00, s14;
	[tilespmem:s10+$0x6000] =	vst v2;
	v2 =	vld.idx.msk [tilespmem:v5+s21+$0x0], $0xffff  }
0x306: {  	s11 =	sand.u32 $0x70, s31;
	s12 =	sadd.s32 $0xFC00, s12;
	v5 =	vld.idx.msk [tilespmem:v8+s21+$0x0], $0xffff;
	v8 =	vadd.s32 $0xCB20, v3  }
0x307: {  	s15 =	simm.s32 $0x50;
	s11 =	sor.u32 s11, s12;
	v9 =	vld.idx.msk [tilespmem:v9+s21+$0x0], $0xffff  }
0x308: {  	v11 =	vadd.s32 $0xC350, v4;
	v1 =	vld [tilespmem:s15+$0x0];
	[tilespmem:s11+$0x6000] =	vst v6  }
0x309: {  	v6 =	vld.idx.msk [tilespmem:v10+s21+$0x0], $0xffff;
	v10 =	vadd.s32 $0xBF68, v7  }
0x30a: {  	s17 =	simm.s32 $0x20;
	[tilespmem:s30+$0x6180] =	vst v2;
	v2 =	vadd.s32 $0xC350, v0  }
0x30b: {  	s13 =	sand.u32 $0x60, s17;
	v8 =	vld.idx.msk [tilespmem:v8+s21+$0x0], $0xffff  }
0x30c: {  	s13 =	sor.u32 s13, s12;
	v12 =	vld [tilespmem:s15+$0xFFFFFFF0];
	[tilespmem:s10+$0x6080] =	vst v5;
	v5 =	vadd.s32 $0xCF08, v3  }
0x30d: {  	[tilespmem:s13+$0x6000] =	vst v9;
	v13 =	vadd.s32 $0xBB80, v1;
	v11 =	vld.idx.msk [tilespmem:v11+s21+$0x0], $0xffff  }
0x30e: {  	v14 =	vadd.s32 $0xC738, v4;
	v9 =	vld.idx.msk [tilespmem:v10+s21+$0x0], $0xffff;
	[tilespmem:s11+$0x6080] =	vst v6  }
0x30f: {  	s17 =	simm.s32 $0x70;
	v10 =	vadd.s32 $0xC350, v7;
	v2 =	vld.idx.msk [tilespmem:v2+s21+$0x0], $0xffff  }
0x310: {  	v24 =	vld [tilespmem:s17+$0xFFFFFFF0];
	[tilespmem:s30+$0x6200] =	vst v8;
	v8 =	vadd.s32 $0xC738, v0  }
0x311: {  	v6 =	vadd.s32 $0xBB80, v12;
	v5 =	vld.idx.msk [tilespmem:v5+s21+$0x0], $0xffff  }
0x312: {  	[tilespmem:s10+$0x6100] =	vst v11;
	v11 =	vld.idx.msk [tilespmem:v13+s21+$0x0], $0xffff;
	v13 =	vadd.s32 $0xD2F0, v3  }
0x313: {  	s18 =	simm.s32 $0x200;
	v14 =	vld.idx.msk [tilespmem:v14+s21+$0x0], $0xffff;
	[tilespmem:s13+$0x6080] =	vst v9  }
0x314: {  	s12 =	sand.u32 $0xC00, s18;
	v15 =	vadd.s32 $0xBF68, v1;
	v9 =	vld.idx.msk [tilespmem:v10+s21+$0x0], $0xffff;
	[tilespmem:s11+$0x6100] =	vst v2  }
0x315: {  	s14 =	sand.u32 $0x70, s15;
	s12 =	sadd.s32 $0xFC00, s12;
	v10 =	vadd.s32 $0xCB20, v4;
	v8 =	vld.idx.msk [tilespmem:v8+s21+$0x0], $0xffff  }
0x316: {  	s14 =	sor.u32 s14, s12;
	v6 =	vld.idx.msk [tilespmem:v6+s21+$0x0], $0xffff;
	[tilespmem:s30+$0x6280] =	vst v5;
	v5 =	vadd.s32 $0xCB20, v0  }
0x317: {  	[tilespmem:s14+$0x6000] =	vst v11;
	v11 =	vld.idx.msk [tilespmem:v13+s21+$0x0], $0xffff;
	v13 =	vadd.s32 $0xBF68, v12  }
0x318: {  	s19 =	simm.s32 $0x40;
	v16 =	vadd.s32 $0xC738, v7;
	v2 =	vld [tilespmem:s17+$0x0]  }
0x319: {  	s15 =	sand.u32 $0x60, s19;
	v3 =	vadd.s32 $0xD6D8, v3;
	v15 =	vld.idx.msk [tilespmem:v15+s21+$0x0], $0xffff;
	[tilespmem:s10+$0x6180] =	vst v14  }
0x31a: {  	s15 =	sor.u32 s15, s12;
	v14 =	vadd.s32 $0xC350, v1;
	v10 =	vld.idx.msk [tilespmem:v10+s21+$0x0], $0xffff;
	[tilespmem:s11+$0x6180] =	vst v8  }
0x31b: {  	[tilespmem:s15+$0x6000] =	vst v6;
	v5 =	vld.idx.msk [tilespmem:v5+s21+$0x0], $0xffff  }
0x31c: {  	[tilespmem:s13+$0x6100] =	vst v9;
	v8 =	vadd.s32 $0xCF08, v4;
	v6 =	vld.idx.msk [tilespmem:v13+s21+$0x0], $0xffff  }
0x31d: {  	v9 =	vadd.s32 $0xCF08, v0;
	v13 =	vld.idx.msk [tilespmem:v16+s21+$0x0], $0xffff;
	[tilespmem:s30+$0x6300] =	vst v11  }
0x31e: {  	[tilespmem:s14+$0x6080] =	vst v15;
	v11 =	vadd.s32 $0xBB80, v2;
	v15 =	vld.idx.msk [tilespmem:v3+s21+$0x0], $0xffff  }
0x31f: {  	v3 =	vadd.s32 $0xBB80, v24;
	[tilespmem:s10+$0x6200] =	vst v10;
	v10 =	vld.idx.msk [tilespmem:v14+s21+$0x0], $0xffff  }
0x320: {  	v16 =	vadd.s32 $0xC350, v12  }
0x321: {  	v17 =	vadd.s32 $0xC738, v1;
	v8 =	vld.idx.msk [tilespmem:v8+s21+$0x0], $0xffff;
	[tilespmem:s11+$0x6200] =	vst v5  }
0x322: {  	v23 =	vadd.s32 $0xD2F0, v4;
	v18 =	vadd.s32 $0xBF68, v24;
	v5 =	vadd.s32 $0xCB20, v7;
	v22 =	vld.idx.msk [tilespmem:v9+s21+$0x0], $0xffff;
	[tilespmem:s15+$0x6080] =	vst v6  }
0x323: {  	v26 =	vadd.s32 $0xD2F0, v0;
	v27 =	vadd.s32 $0xBF68, v2;
	v14 =	vadd.s32 $0xC738, v12;
	v11 =	vld.idx.msk [tilespmem:v11+s21+$0x0], $0xffff;
	[tilespmem:s13+$0x6180] =	vst v13  }
0x324: {  	s19 =	simm.s32 $0x300;
	v9 =	vadd.s32 $0xCF08, v7;
	v6 =	vadd.s32 $0xD2F0, v7;
	v13 =	vadd.s32 $0xCB20, v12;
	v25 =	vld.idx.msk [tilespmem:v3+s21+$0x0], $0xffff;
	[tilespmem:s14+$0x6100] =	vst v10  }
0x325: {  	s20 =	sand.u32 $0xC00, s19;
	v3 =	vadd.s32 $0xD6D8, v4;
	v20 =	vld.idx.msk [tilespmem:v16+s21+$0x0], $0xffff;
	v4 =	vadd.s32 $0xD6D8, v7;
	[tilespmem:s30+$0x6380] =	vst v15;
	v10 =	vadd.s32 $0xCF08, v12  }
0x326: {  	s31 =	sand.u32 $0x70, s17;
	s12 =	sadd.s32 $0xFC00, s20;
	v7 =	vadd.s32 $0xD2F0, v12;
	v16 =	vadd.s32 $0xC350, v24;
	v15 =	vadd.s32 $0xCB20, v24;
	v19 =	vld.idx.msk [tilespmem:v17+s21+$0x0], $0xffff;
	[tilespmem:s10+$0x6280] =	vst v8  }
0x327: {  	s18 =	sor.u32 s31, s12;
	s30 =	simm.s32 $0x60;
	v17 =	vadd.s32 $0xC738, v24;
	v8 =	vadd.s32 $0xD6D8, v24;
	v21 =	vld.idx.msk [tilespmem:v5+s21+$0x0], $0xffff;
	v5 =	vadd.s32 $0xD6D8, v12;
	[tilespmem:s11+$0x6280] =	vst v22  }
0x328: {  	s16 =	sand.u32 $0x60, s30;
	v23 =	vld.idx.msk [tilespmem:v23+s21+$0x0], $0xffff;
	v12 =	vadd.s32 $0xCF08, v24;
	[tilespmem:s18+$0x6000] =	vst v11;
	v11 =	vadd.s32 $0xD2F0, v24;
	v24 =	vadd.s32 $0xCB20, v1  }
0x329: {  	s16 =	sor.u32 s16, s12;
	v22 =	vld.idx.msk [tilespmem:v26+s21+$0x0], $0xffff  }
0x32a: {  	s20 =	simm.s32 $0x6;
	s12 =	simm.s32 $0x90;
	[tilespmem:s16+$0x6000] =	vst v25;
	v25 =	vld.idx.msk [tilespmem:v27+s21+$0x0], $0xffff  }
.LBB2_14:
0x32b: {  	s20 =	sadd.s32 $0x2, s20;
	[tilespmem:s15+$0x6100] =	vst v20;
	v20 =	vadd.s32 $0xD6D8, v0;
	v0 =	vmov v1;
	v1 =	vmov v2;
	v2 =	vld [tilespmem:s12+$0x0]  }
0x32c: {  	v26 =	vld [tilespmem:s12+$0xFFFFFFF0];
	p0 =	slt.u32 s20, $0x1E;
	v27 =	vadd.s32 $0xC350, v1;
	[tilespmem:s14+$0x6180] =	vst v19  }
0x32d: {  	v19 =	vld.idx.msk [tilespmem:v24+s21+$0x0], $0xffff;
	[tilespmem:s13+$0x6200] =	vst v21  }
0x32e: {  	v21 =	vld.idx.msk [tilespmem:v18+s21+$0x0], $0xffff;
	[tilespmem:s10+$0x6300] =	vst v23  }
0x32f: {  	v24 =	vadd.s32 $0xCF08, v0;
	v23 =	vld.idx.msk [tilespmem:v14+s21+$0x0], $0xffff;
	[tilespmem:s11+$0x6300] =	vst v22;
	v14 =	vmov v17  }
0x330: {  	v22 =	vadd.s32 $0xBB80, v2;
	[tilespmem:s18+$0x6080] =	vst v25;
	v20 =	vld.idx.msk [tilespmem:v20+s21+$0x0], $0xffff  }
0x331: {  	v25 =	vadd.s32 $0xBB80, v26;
	v18 =	vadd.s32 $0xBF68, v26;
	v28 =	vadd.s32 $0xC350, v26;
	v27 =	vld.idx.msk [tilespmem:v27+s21+$0x0], $0xffff  }
0x332: {  	v17 =	vadd.s32 $0xC738, v26;
	v29 =	vadd.s32 $0xCB20, v26;
	v30 =	vld.idx.msk [tilespmem:v9+s21+$0x0], $0xffff;
	v9 =	vmovc v10;
	v10 =	vmovc v12;
	v12 =	vadd.s32 $0xCF08, v26  }
0x333: {  	v32 =	vadd.s32 $0xC738, v1;
	v31 =	vadd.s32 $0xD2F0, v26;
	v26 =	vadd.s32 $0xD6D8, v26;
	[tilespmem:s14+$0x6200] =	vst v19;
	v33 =	vld.idx.msk [tilespmem:v3+s21+$0x0], $0xffff;
	v3 =	vmovc v4;
	v4 =	vmovc v5  }
0x334: {  	v5 =	vmov v8;
	v8 =	vmov v26;
	[tilespmem:s16+$0x6080] =	vst v21;
	v34 =	vld.idx.msk [tilespmem:v24+s21+$0x0], $0xffff  }
0x335: {  	v22 =	vld.idx.msk [tilespmem:v22+s21+$0x0], $0xffff;
	[tilespmem:s15+$0x6180] =	vst v23  }
0x336: {  	v26 =	vadd.s32 $0xD2F0, v0;
	v25 =	vld.idx.msk [tilespmem:v25+s21+$0x0], $0xffff;
	[tilespmem:s11+$0x6380] =	vst v20;
	s11 =	smov.u32 s14;
	s14 =	smov.u32 s18  }
0x337: {  	s19 =	sadd.s32 $0x100, s19;
	v35 =	vadd.s32 $0xBF68, v2;
	v20 =	vld.idx.msk [tilespmem:v16+s21+$0x0], $0xffff;
	[tilespmem:s14+$0x6100] =	vst v27;
	v16 =	vmov v28  }
.Ltmp6:
0x338: {  	s17 =	sadd.s32 $0x20, s17;
	s18 =	sand.u32 $0xC00, s19;
	v19 =	vld.idx.msk [tilespmem:v32+s21+$0x0], $0xffff;
	[tilespmem:s13+$0x6280] =	vst v30;
	(pc) =	sbr.rel @p0 .LBB2_14-.Ltmp6, $4  }
0x339: {  	s30 =	sadd.s32 $0xFFFFFFF0, s17;
	s31 =	sadd.s32 $0xFC00, s18;
	s18 =	sand.u32 $0x70, s17;
	v21 =	vld.idx.msk [tilespmem:v13+s21+$0x0], $0xffff;
	[tilespmem:s10+$0x6380] =	vst v33;
	v13 =	vmov v15;
	v15 =	vmov v29  }
0x33a: {  	s30 =	sand.u32 $0x60, s30;
	v24 =	vadd.s32 $0xCB20, v1;
	s18 =	sor.u32 s18, s31;
	s10 =	smov.u32 s13;
	[tilespmem:s11+$0x6280] =	vst v34;
	v23 =	vld.idx.msk [tilespmem:v6+s21+$0x0], $0xffff;
	v6 =	vmovc v7;
	v7 =	vmov v11;
	v11 =	vmov v31  }
0x33b: {  	s13 =	smov.u32 s15;
	s15 =	smov.u32 s16;
	s16 =	sor.u32 s30, s31;
	[tilespmem:s18+$0x6000] =	vst v22;
	v22 =	vld.idx.msk [tilespmem:v26+s21+$0x0], $0xffff  }
0x33c: {  	s12 =	sadd.s32 $0x20, s12;
	[tilespmem:s16+$0x6000] =	vst v25;
	v25 =	vld.idx.msk [tilespmem:v35+s21+$0x0], $0xffff  }
0x33d: {  	_ =	sdelay $0x3  }
0x33e: {  	v26 =	vadd.s32 $0xC350, v2;
	v18 =	vld.idx.msk [tilespmem:v18+s21+$0x0], $0xffff;
	_ =	sdelay $0x3  }
0x33f: {  	[tilespmem:s18+$0x6080] =	vst v25  }
0x340: {  	v25 =	vld.idx.msk [tilespmem:v26+s21+$0x0], $0xffff;
	[tilespmem:s16+$0x6080] =	vst v18  }
0x341: {  	v26 =	vadd.s32 $0xC738, v2;
	v16 =	vld.idx.msk [tilespmem:v16+s21+$0x0], $0xffff;
	_ =	sdelay $0x1  }
0x342: {  	[tilespmem:s15+$0x6100] =	vst v20  }
0x343: {  	v14 =	vld.idx.msk [tilespmem:v14+s21+$0x0], $0xffff  }
0x344: {  	[tilespmem:s18+$0x6100] =	vst v25  }
0x345: {  	v18 =	vld.idx.msk [tilespmem:v26+s21+$0x0], $0xffff;
	[tilespmem:s16+$0x6100] =	vst v16  }
0x346: {  	v20 =	vadd.s32 $0xCB20, v2;
	v16 =	vld.idx.msk [tilespmem:v17+s21+$0x0], $0xffff;
	_ =	sdelay $0x1  }
0x347: {  	[tilespmem:s15+$0x6180] =	vst v14  }
0x348: {  	[tilespmem:s14+$0x6180] =	vst v19;
	v13 =	vld.idx.msk [tilespmem:v13+s21+$0x0], $0xffff  }
0x349: {  	v17 =	vld.idx.msk [tilespmem:v24+s21+$0x0], $0xffff;
	[tilespmem:s18+$0x6180] =	vst v18  }
0x34a: {  	v19 =	vadd.s32 $0xCF08, v1;
	v14 =	vld.idx.msk [tilespmem:v20+s21+$0x0], $0xffff;
	[tilespmem:s16+$0x6180] =	vst v16  }
0x34b: {  	[tilespmem:s13+$0x6200] =	vst v21;
	v18 =	vadd.s32 $0xCF08, v2;
	v15 =	vld.idx.msk [tilespmem:v15+s21+$0x0], $0xffff  }
0x34c: {  	[tilespmem:s10+$0x6300] =	vst v23  }
0x34d: {  	v0 =	vadd.s32 $0xD6D8, v0;
	v9 =	vld.idx.msk [tilespmem:v9+s21+$0x0], $0xffff;
	[tilespmem:s15+$0x6200] =	vst v13  }
0x34e: {  	v10 =	vld.idx.msk [tilespmem:v10+s21+$0x0], $0xffff;
	[tilespmem:s14+$0x6200] =	vst v17  }
0x34f: {  	v16 =	vld.idx.msk [tilespmem:v19+s21+$0x0], $0xffff;
	[tilespmem:s18+$0x6200] =	vst v14  }
0x350: {  	v17 =	vadd.s32 $0xD2F0, v1;
	v13 =	vld.idx.msk [tilespmem:v18+s21+$0x0], $0xffff;
	[tilespmem:s16+$0x6200] =	vst v15  }
0x351: {  	[tilespmem:s11+$0x6300] =	vst v22;
	v14 =	vadd.s32 $0xD2F0, v2;
	v12 =	vld.idx.msk [tilespmem:v12+s21+$0x0], $0xffff  }
0x352: {  	v0 =	vld.idx.msk [tilespmem:v0+s21+$0x0], $0xffff;
	[tilespmem:s13+$0x6280] =	vst v9  }
0x353: {  	v6 =	vld.idx.msk [tilespmem:v6+s21+$0x0], $0xffff;
	[tilespmem:s15+$0x6280] =	vst v10  }
0x354: {  	v7 =	vld.idx.msk [tilespmem:v7+s21+$0x0], $0xffff;
	[tilespmem:s14+$0x6280] =	vst v16  }
0x355: {  	v9 =	vld.idx.msk [tilespmem:v17+s21+$0x0], $0xffff;
	[tilespmem:s18+$0x6280] =	vst v13  }
0x356: {  	v1 =	vadd.s32 $0xD6D8, v1;
	v10 =	vld.idx.msk [tilespmem:v14+s21+$0x0], $0xffff;
	[tilespmem:s16+$0x6280] =	vst v12  }
0x357: {  	[tilespmem:s11+$0x6380] =	vst v0;
	v2 =	vadd.s32 $0xD6D8, v2;
	v0 =	vld.idx.msk [tilespmem:v11+s21+$0x0], $0xffff  }
0x358: {  	v3 =	vld.idx.msk [tilespmem:v3+s21+$0x0], $0xffff;
	[tilespmem:s13+$0x6300] =	vst v6  }
0x359: {  	v4 =	vld.idx.msk [tilespmem:v4+s21+$0x0], $0xffff;
	[tilespmem:s15+$0x6300] =	vst v7  }
0x35a: {  	v5 =	vld.idx.msk [tilespmem:v5+s21+$0x0], $0xffff;
	[tilespmem:s14+$0x6300] =	vst v9  }
0x35b: {  	v1 =	vld.idx.msk [tilespmem:v1+s21+$0x0], $0xffff;
	[tilespmem:s18+$0x6300] =	vst v10  }
0x35c: {  	v2 =	vld.idx.msk [tilespmem:v2+s21+$0x0], $0xffff;
	[tilespmem:s16+$0x6300] =	vst v0  }
0x35d: {  	[tilespmem:s10+$0x6380] =	vst v3;
	v0 =	vld.idx.msk [tilespmem:v8+s21+$0x0], $0xffff  }
0x35e: {  	[tilespmem:s13+$0x6380] =	vst v4  }
0x35f: {  	[tilespmem:s15+$0x6380] =	vst v5  }
0x360: {  	[tilespmem:s14+$0x6380] =	vst v1  }
0x361: {  	[tilespmem:s18+$0x6380] =	vst v2  }
0x362: {  	[tilespmem:s16+$0x6380] =	vst v0  }
0x363: {  	s12 =	simm.s32 $0x15C00;
	s18 =	simm.s32 $0x0;
	s11 =	rddreg [dreg:$0x13]  }
0x364: {  	[hbm4b:s11+s18] =	stream.linear.scatter [tilespmem:s12], [sflag:$0xF], $0x1000, $0x38;
	[tilespmem:$0x17C00] =	vst v63  }
0x365: {  	_ =	swait.ge [sflag:s29], $0x1F40  }
0x366: {  	[sflag:s29] =	ssyncset.done $0x0  }
0x367: {  	s19 =	simm.s32 $0x10;
	[sflag:s29] =	ssyncadd.s32 $0xFFFFE0C0  }
0x368: {  	v3 =	vld [tilespmem:s19+$0x0];
	_ =	sdelay $0x4  }
0x369: {  	v0 =	vadd.s32 $0xDAC0, v3;
	_ =	sdelay $0x4  }
0x36a: {  	v0 =	vld.idx.msk [tilespmem:v0+s21+$0x0], $0xffff  }
0x36b: {  	v1 =	vadd.s32 $0xDEA8, v3  }
0x36c: {  	s10 =	sand.u32 $0xC00, s18  }
0x36d: {  	s20 =	sand.u32 $0x70, s19;
	s10 =	sadd.s32 $0xFC00, s10;
	v4 =	vld [tilespmem:s19+$0xFFFFFFF0]  }
0x36e: {  	s31 =	simm.s32 $0x30;
	s30 =	sor.u32 s20, s10  }
0x36f: {  	[tilespmem:s30+$0x7000] =	vst v0;
	v0 =	vld [tilespmem:s31+$0x0]  }
0x370: {  	v1 =	vld.idx.msk [tilespmem:v1+s21+$0x0], $0xffff  }
0x371: {  	v2 =	vadd.s32 $0xE290, v3  }
0x372: {  	v5 =	vadd.s32 $0xDAC0, v4;
	_ =	sdelay $0x1  }
0x373: {  	v7 =	vld [tilespmem:s31+$0xFFFFFFF0]  }
0x374: {  	v6 =	vadd.s32 $0xDAC0, v0;
	[tilespmem:s30+$0x7080] =	vst v1  }
0x375: {  	v1 =	vld.idx.msk [tilespmem:v2+s21+$0x0], $0xffff  }
0x376: {  	v2 =	vld.idx.msk [tilespmem:v5+s21+$0x0], $0xffff;
	v5 =	vadd.s32 $0xE678, v3  }
0x377: {  	v8 =	vadd.s32 $0xDEA8, v4  }
0x378: {  	s13 =	simm.s32 $0x0;
	v9 =	vadd.s32 $0xDAC0, v7  }
0x379: {  	s12 =	sand.u32 $0x60, s13;
	v6 =	vld.idx.msk [tilespmem:v6+s21+$0x0], $0xffff  }
0x37a: {  	s14 =	simm.s32 $0x100;
	s10 =	sor.u32 s12, s10;
	v10 =	vadd.s32 $0xDEA8, v0;
	[tilespmem:s30+$0x7100] =	vst v1  }
0x37b: {  	s12 =	sand.u32 $0xC00, s14;
	[tilespmem:s10+$0x7000] =	vst v2;
	v2 =	vld.idx.msk [tilespmem:v5+s21+$0x0], $0xffff  }
0x37c: {  	s11 =	sand.u32 $0x70, s31;
	s12 =	sadd.s32 $0xFC00, s12;
	v5 =	vld.idx.msk [tilespmem:v8+s21+$0x0], $0xffff;
	v8 =	vadd.s32 $0xEA60, v3  }
0x37d: {  	s15 =	simm.s32 $0x50;
	s11 =	sor.u32 s11, s12;
	v9 =	vld.idx.msk [tilespmem:v9+s21+$0x0], $0xffff  }
0x37e: {  	v11 =	vadd.s32 $0xE290, v4;
	v1 =	vld [tilespmem:s15+$0x0];
	[tilespmem:s11+$0x7000] =	vst v6  }
0x37f: {  	v6 =	vld.idx.msk [tilespmem:v10+s21+$0x0], $0xffff;
	v10 =	vadd.s32 $0xDEA8, v7  }
0x380: {  	s17 =	simm.s32 $0x20;
	[tilespmem:s30+$0x7180] =	vst v2;
	v2 =	vadd.s32 $0xE290, v0  }
0x381: {  	s13 =	sand.u32 $0x60, s17;
	v8 =	vld.idx.msk [tilespmem:v8+s21+$0x0], $0xffff  }
0x382: {  	s13 =	sor.u32 s13, s12;
	v12 =	vld [tilespmem:s15+$0xFFFFFFF0];
	[tilespmem:s10+$0x7080] =	vst v5;
	v5 =	vadd.s32 $0xEE48, v3  }
0x383: {  	[tilespmem:s13+$0x7000] =	vst v9;
	v13 =	vadd.s32 $0xDAC0, v1;
	v11 =	vld.idx.msk [tilespmem:v11+s21+$0x0], $0xffff  }
0x384: {  	v14 =	vadd.s32 $0xE678, v4;
	v9 =	vld.idx.msk [tilespmem:v10+s21+$0x0], $0xffff;
	[tilespmem:s11+$0x7080] =	vst v6  }
0x385: {  	s17 =	simm.s32 $0x70;
	v10 =	vadd.s32 $0xE290, v7;
	v2 =	vld.idx.msk [tilespmem:v2+s21+$0x0], $0xffff  }
0x386: {  	v24 =	vld [tilespmem:s17+$0xFFFFFFF0];
	[tilespmem:s30+$0x7200] =	vst v8;
	v8 =	vadd.s32 $0xE678, v0  }
0x387: {  	v6 =	vadd.s32 $0xDAC0, v12;
	v5 =	vld.idx.msk [tilespmem:v5+s21+$0x0], $0xffff  }
0x388: {  	[tilespmem:s10+$0x7100] =	vst v11;
	v11 =	vld.idx.msk [tilespmem:v13+s21+$0x0], $0xffff;
	v13 =	vadd.s32 $0xF230, v3  }
0x389: {  	s18 =	simm.s32 $0x200;
	v14 =	vld.idx.msk [tilespmem:v14+s21+$0x0], $0xffff;
	[tilespmem:s13+$0x7080] =	vst v9  }
0x38a: {  	s12 =	sand.u32 $0xC00, s18;
	v15 =	vadd.s32 $0xDEA8, v1;
	v9 =	vld.idx.msk [tilespmem:v10+s21+$0x0], $0xffff;
	[tilespmem:s11+$0x7100] =	vst v2  }
0x38b: {  	s14 =	sand.u32 $0x70, s15;
	s12 =	sadd.s32 $0xFC00, s12;
	v10 =	vadd.s32 $0xEA60, v4;
	v8 =	vld.idx.msk [tilespmem:v8+s21+$0x0], $0xffff  }
0x38c: {  	s14 =	sor.u32 s14, s12;
	v6 =	vld.idx.msk [tilespmem:v6+s21+$0x0], $0xffff;
	[tilespmem:s30+$0x7280] =	vst v5;
	v5 =	vadd.s32 $0xEA60, v0  }
0x38d: {  	[tilespmem:s14+$0x7000] =	vst v11;
	v11 =	vld.idx.msk [tilespmem:v13+s21+$0x0], $0xffff;
	v13 =	vadd.s32 $0xDEA8, v12  }
0x38e: {  	s19 =	simm.s32 $0x40;
	v16 =	vadd.s32 $0xE678, v7;
	v2 =	vld [tilespmem:s17+$0x0]  }
0x38f: {  	s15 =	sand.u32 $0x60, s19;
	v3 =	vadd.s32 $0xF618, v3;
	v15 =	vld.idx.msk [tilespmem:v15+s21+$0x0], $0xffff;
	[tilespmem:s10+$0x7180] =	vst v14  }
0x390: {  	s15 =	sor.u32 s15, s12;
	v14 =	vadd.s32 $0xE290, v1;
	v10 =	vld.idx.msk [tilespmem:v10+s21+$0x0], $0xffff;
	[tilespmem:s11+$0x7180] =	vst v8  }
0x391: {  	[tilespmem:s15+$0x7000] =	vst v6;
	v5 =	vld.idx.msk [tilespmem:v5+s21+$0x0], $0xffff  }
0x392: {  	[tilespmem:s13+$0x7100] =	vst v9;
	v8 =	vadd.s32 $0xEE48, v4;
	v6 =	vld.idx.msk [tilespmem:v13+s21+$0x0], $0xffff  }
0x393: {  	v9 =	vadd.s32 $0xEE48, v0;
	v13 =	vld.idx.msk [tilespmem:v16+s21+$0x0], $0xffff;
	[tilespmem:s30+$0x7300] =	vst v11  }
0x394: {  	[tilespmem:s14+$0x7080] =	vst v15;
	v11 =	vadd.s32 $0xDAC0, v2;
	v15 =	vld.idx.msk [tilespmem:v3+s21+$0x0], $0xffff  }
0x395: {  	v3 =	vadd.s32 $0xDAC0, v24;
	[tilespmem:s10+$0x7200] =	vst v10;
	v10 =	vld.idx.msk [tilespmem:v14+s21+$0x0], $0xffff  }
0x396: {  	v16 =	vadd.s32 $0xE290, v12  }
0x397: {  	v17 =	vadd.s32 $0xE678, v1;
	v8 =	vld.idx.msk [tilespmem:v8+s21+$0x0], $0xffff;
	[tilespmem:s11+$0x7200] =	vst v5  }
0x398: {  	v23 =	vadd.s32 $0xF230, v4;
	v18 =	vadd.s32 $0xDEA8, v24;
	v5 =	vadd.s32 $0xEA60, v7;
	v22 =	vld.idx.msk [tilespmem:v9+s21+$0x0], $0xffff;
	[tilespmem:s15+$0x7080] =	vst v6  }
0x399: {  	v26 =	vadd.s32 $0xF230, v0;
	v27 =	vadd.s32 $0xDEA8, v2;
	v14 =	vadd.s32 $0xE678, v12;
	v11 =	vld.idx.msk [tilespmem:v11+s21+$0x0], $0xffff;
	[tilespmem:s13+$0x7180] =	vst v13  }
0x39a: {  	s19 =	simm.s32 $0x300;
	v9 =	vadd.s32 $0xEE48, v7;
	v6 =	vadd.s32 $0xF230, v7;
	v13 =	vadd.s32 $0xEA60, v12;
	v25 =	vld.idx.msk [tilespmem:v3+s21+$0x0], $0xffff;
	[tilespmem:s14+$0x7100] =	vst v10  }
0x39b: {  	s20 =	sand.u32 $0xC00, s19;
	v3 =	vadd.s32 $0xF618, v4;
	v20 =	vld.idx.msk [tilespmem:v16+s21+$0x0], $0xffff;
	v4 =	vadd.s32 $0xF618, v7;
	[tilespmem:s30+$0x7380] =	vst v15;
	v10 =	vadd.s32 $0xEE48, v12  }
0x39c: {  	s31 =	sand.u32 $0x70, s17;
	s12 =	sadd.s32 $0xFC00, s20;
	v7 =	vadd.s32 $0xF230, v12;
	v16 =	vadd.s32 $0xE290, v24;
	v15 =	vadd.s32 $0xEA60, v24;
	v19 =	vld.idx.msk [tilespmem:v17+s21+$0x0], $0xffff;
	[tilespmem:s10+$0x7280] =	vst v8  }
0x39d: {  	s18 =	sor.u32 s31, s12;
	s30 =	simm.s32 $0x60;
	v17 =	vadd.s32 $0xE678, v24;
	v8 =	vadd.s32 $0xF618, v24;
	v21 =	vld.idx.msk [tilespmem:v5+s21+$0x0], $0xffff;
	v5 =	vadd.s32 $0xF618, v12;
	[tilespmem:s11+$0x7280] =	vst v22  }
0x39e: {  	s16 =	sand.u32 $0x60, s30;
	v23 =	vld.idx.msk [tilespmem:v23+s21+$0x0], $0xffff;
	v12 =	vadd.s32 $0xEE48, v24;
	[tilespmem:s18+$0x7000] =	vst v11;
	v11 =	vadd.s32 $0xF230, v24;
	v24 =	vadd.s32 $0xEA60, v1  }
0x39f: {  	s16 =	sor.u32 s16, s12;
	v22 =	vld.idx.msk [tilespmem:v26+s21+$0x0], $0xffff  }
0x3a0: {  	s20 =	simm.s32 $0x6;
	s12 =	simm.s32 $0x90;
	[tilespmem:s16+$0x7000] =	vst v25;
	v25 =	vld.idx.msk [tilespmem:v27+s21+$0x0], $0xffff  }
.LBB2_16:
0x3a1: {  	s20 =	sadd.s32 $0x2, s20;
	[tilespmem:s15+$0x7100] =	vst v20;
	v20 =	vadd.s32 $0xF618, v0;
	v0 =	vmov v1;
	v1 =	vmov v2;
	v2 =	vld [tilespmem:s12+$0x0]  }
0x3a2: {  	v26 =	vld [tilespmem:s12+$0xFFFFFFF0];
	p0 =	slt.u32 s20, $0x1E;
	v27 =	vadd.s32 $0xE290, v1;
	[tilespmem:s14+$0x7180] =	vst v19  }
0x3a3: {  	v19 =	vld.idx.msk [tilespmem:v24+s21+$0x0], $0xffff;
	[tilespmem:s13+$0x7200] =	vst v21  }
0x3a4: {  	v21 =	vld.idx.msk [tilespmem:v18+s21+$0x0], $0xffff;
	[tilespmem:s10+$0x7300] =	vst v23  }
0x3a5: {  	v24 =	vadd.s32 $0xEE48, v0;
	v23 =	vld.idx.msk [tilespmem:v14+s21+$0x0], $0xffff;
	[tilespmem:s11+$0x7300] =	vst v22;
	v14 =	vmov v17  }
0x3a6: {  	v22 =	vadd.s32 $0xDAC0, v2;
	[tilespmem:s18+$0x7080] =	vst v25;
	v20 =	vld.idx.msk [tilespmem:v20+s21+$0x0], $0xffff  }
0x3a7: {  	v25 =	vadd.s32 $0xDAC0, v26;
	v18 =	vadd.s32 $0xDEA8, v26;
	v28 =	vadd.s32 $0xE290, v26;
	v27 =	vld.idx.msk [tilespmem:v27+s21+$0x0], $0xffff  }
0x3a8: {  	v17 =	vadd.s32 $0xE678, v26;
	v29 =	vadd.s32 $0xEA60, v26;
	v30 =	vld.idx.msk [tilespmem:v9+s21+$0x0], $0xffff;
	v9 =	vmovc v10;
	v10 =	vmovc v12;
	v12 =	vadd.s32 $0xEE48, v26  }
0x3a9: {  	v32 =	vadd.s32 $0xE678, v1;
	v31 =	vadd.s32 $0xF230, v26;
	v26 =	vadd.s32 $0xF618, v26;
	[tilespmem:s14+$0x7200] =	vst v19;
	v33 =	vld.idx.msk [tilespmem:v3+s21+$0x0], $0xffff;
	v3 =	vmovc v4;
	v4 =	vmovc v5  }
0x3aa: {  	v5 =	vmov v8;
	v8 =	vmov v26;
	[tilespmem:s16+$0x7080] =	vst v21;
	v34 =	vld.idx.msk [tilespmem:v24+s21+$0x0], $0xffff  }
0x3ab: {  	v22 =	vld.idx.msk [tilespmem:v22+s21+$0x0], $0xffff;
	[tilespmem:s15+$0x7180] =	vst v23  }
0x3ac: {  	v26 =	vadd.s32 $0xF230, v0;
	v25 =	vld.idx.msk [tilespmem:v25+s21+$0x0], $0xffff;
	[tilespmem:s11+$0x7380] =	vst v20;
	s11 =	smov.u32 s14;
	s14 =	smov.u32 s18  }
0x3ad: {  	s19 =	sadd.s32 $0x100, s19;
	v35 =	vadd.s32 $0xDEA8, v2;
	v20 =	vld.idx.msk [tilespmem:v16+s21+$0x0], $0xffff;
	[tilespmem:s14+$0x7100] =	vst v27;
	v16 =	vmov v28  }
.Ltmp7:
0x3ae: {  	s17 =	sadd.s32 $0x20, s17;
	s18 =	sand.u32 $0xC00, s19;
	v19 =	vld.idx.msk [tilespmem:v32+s21+$0x0], $0xffff;
	[tilespmem:s13+$0x7280] =	vst v30;
	(pc) =	sbr.rel @p0 .LBB2_16-.Ltmp7, $4  }
0x3af: {  	s30 =	sadd.s32 $0xFFFFFFF0, s17;
	s31 =	sadd.s32 $0xFC00, s18;
	s18 =	sand.u32 $0x70, s17;
	v21 =	vld.idx.msk [tilespmem:v13+s21+$0x0], $0xffff;
	[tilespmem:s10+$0x7380] =	vst v33;
	v13 =	vmov v15;
	v15 =	vmov v29  }
0x3b0: {  	s30 =	sand.u32 $0x60, s30;
	v24 =	vadd.s32 $0xEA60, v1;
	s18 =	sor.u32 s18, s31;
	s10 =	smov.u32 s13;
	[tilespmem:s11+$0x7280] =	vst v34;
	v23 =	vld.idx.msk [tilespmem:v6+s21+$0x0], $0xffff;
	v6 =	vmovc v7;
	v7 =	vmov v11;
	v11 =	vmov v31  }
0x3b1: {  	s13 =	smov.u32 s15;
	s15 =	smov.u32 s16;
	s16 =	sor.u32 s30, s31;
	[tilespmem:s18+$0x7000] =	vst v22;
	v22 =	vld.idx.msk [tilespmem:v26+s21+$0x0], $0xffff  }
0x3b2: {  	s12 =	sadd.s32 $0x20, s12;
	[tilespmem:s16+$0x7000] =	vst v25;
	v25 =	vld.idx.msk [tilespmem:v35+s21+$0x0], $0xffff  }
0x3b3: {  	_ =	sdelay $0x3  }
0x3b4: {  	v26 =	vadd.s32 $0xE290, v2;
	v18 =	vld.idx.msk [tilespmem:v18+s21+$0x0], $0xffff;
	_ =	sdelay $0x3  }
0x3b5: {  	[tilespmem:s18+$0x7080] =	vst v25  }
0x3b6: {  	v25 =	vld.idx.msk [tilespmem:v26+s21+$0x0], $0xffff;
	[tilespmem:s16+$0x7080] =	vst v18  }
0x3b7: {  	v49 =	vadd.s32 $0xE678, v2;
	v16 =	vld.idx.msk [tilespmem:v16+s21+$0x0], $0xffff;
	_ =	sdelay $0x2  }
0x3b8: {  	[tilespmem:s15+$0x7100] =	vst v20  }
0x3b9: {  	v14 =	vld.idx.msk [tilespmem:v14+s21+$0x0], $0xffff;
	[tilespmem:s18+$0x7100] =	vst v25  }
0x3ba: {  	v18 =	vld.idx.msk [tilespmem:v49+s21+$0x0], $0xffff;
	[tilespmem:s16+$0x7100] =	vst v16  }
0x3bb: {  	v50 =	vadd.s32 $0xEA60, v2;
	v16 =	vld.idx.msk [tilespmem:v17+s21+$0x0], $0xffff;
	_ =	sdelay $0x1  }
0x3bc: {  	[tilespmem:s14+$0x7180] =	vst v19  }
0x3bd: {  	v51 =	vld.idx.msk [tilespmem:v24+s21+$0x0], $0xffff;
	[tilespmem:s15+$0x7180] =	vst v14  }
0x3be: {  	v52 =	vadd.s32 $0xEE48, v1;
	v13 =	vld.idx.msk [tilespmem:v13+s21+$0x0], $0xffff;
	[tilespmem:s18+$0x7180] =	vst v18  }
0x3bf: {  	v53 =	vld.idx.msk [tilespmem:v50+s21+$0x0], $0xffff;
	[tilespmem:s16+$0x7180] =	vst v16  }
0x3c0: {  	v54 =	vadd.s32 $0xEE48, v2;
	[tilespmem:s13+$0x7200] =	vst v21;
	v15 =	vld.idx.msk [tilespmem:v15+s21+$0x0], $0xffff  }
0x3c1: {  	[tilespmem:s10+$0x7300] =	vst v23  }
0x3c2: {  	v9 =	vld.idx.msk [tilespmem:v9+s21+$0x0], $0xffff;
	[tilespmem:s14+$0x7200] =	vst v51  }
0x3c3: {  	v55 =	vld.idx.msk [tilespmem:v52+s21+$0x0], $0xffff;
	[tilespmem:s15+$0x7200] =	vst v13  }
0x3c4: {  	v56 =	vadd.s32 $0xF230, v1;
	v10 =	vld.idx.msk [tilespmem:v10+s21+$0x0], $0xffff;
	[tilespmem:s18+$0x7200] =	vst v53  }
0x3c5: {  	v57 =	vld.idx.msk [tilespmem:v54+s21+$0x0], $0xffff;
	[tilespmem:s16+$0x7200] =	vst v15  }
0x3c6: {  	v58 =	vadd.s32 $0xF230, v2;
	[tilespmem:s11+$0x7300] =	vst v22;
	v12 =	vld.idx.msk [tilespmem:v12+s21+$0x0], $0xffff  }
0x3c7: {  	v3 =	vld.idx.msk [tilespmem:v3+s21+$0x0], $0xffff;
	[tilespmem:s13+$0x7280] =	vst v9  }
0x3c8: {  	v0 =	vadd.s32 $0xF618, v0;
	v6 =	vld.idx.msk [tilespmem:v6+s21+$0x0], $0xffff;
	[tilespmem:s14+$0x7280] =	vst v55  }
0x3c9: {  	v59 =	vld.idx.msk [tilespmem:v56+s21+$0x0], $0xffff;
	[tilespmem:s15+$0x7280] =	vst v10  }
0x3ca: {  	v60 =	vadd.s32 $0xF618, v1;
	v7 =	vld.idx.msk [tilespmem:v7+s21+$0x0], $0xffff;
	[tilespmem:s18+$0x7280] =	vst v57  }
0x3cb: {  	v61 =	vld.idx.msk [tilespmem:v58+s21+$0x0], $0xffff;
	[tilespmem:s16+$0x7280] =	vst v12  }
0x3cc: {  	v62 =	vadd.s32 $0xF618, v2;
	[tilespmem:s10+$0x7380] =	vst v3;
	v63 =	vld.idx.msk [tilespmem:v11+s21+$0x0], $0xffff  }
0x3cd: {  	v0 =	vld.idx.msk [tilespmem:v0+s21+$0x0], $0xffff;
	[tilespmem:s13+$0x7300] =	vst v6  }
0x3ce: {  	v4 =	vld.idx.msk [tilespmem:v4+s21+$0x0], $0xffff;
	[tilespmem:s14+$0x7300] =	vst v59  }
0x3cf: {  	v1 =	vld.idx.msk [tilespmem:v60+s21+$0x0], $0xffff;
	[tilespmem:s15+$0x7300] =	vst v7  }
0x3d0: {  	v5 =	vld.idx.msk [tilespmem:v5+s21+$0x0], $0xffff;
	[tilespmem:s18+$0x7300] =	vst v61  }
0x3d1: {  	v2 =	vld.idx.msk [tilespmem:v62+s21+$0x0], $0xffff;
	[tilespmem:s16+$0x7300] =	vst v63  }
0x3d2: {  	[tilespmem:s11+$0x7380] =	vst v0;
	v0 =	vld.idx.msk [tilespmem:v8+s21+$0x0], $0xffff  }
0x3d3: {  	[tilespmem:s13+$0x7380] =	vst v4  }
0x3d4: {  	[tilespmem:s14+$0x7380] =	vst v1  }
0x3d5: {  	[tilespmem:s15+$0x7380] =	vst v5  }
0x3d6: {  	[tilespmem:s18+$0x7380] =	vst v2  }
0x3d7: {  	[tilespmem:s16+$0x7380] =	vst v0  }
0x3d8: {  	s30 =	simm.s32 $0x16C00;
	s10 =	rddreg [dreg:$0x14]  }
0x3d9: {  	[hbm4b:s10+s1] =	stream.linear.scatter [tilespmem:s30], [sflag:$0x10], $0x1000, $0x38;
	[tilespmem:$0x17C00] =	vst v63  }
0x3da: {  	_ =	swait.ge [sflag:s26], $0x1000  }
0x3db: {  	[sflag:s26] =	ssyncset.done $0x0  }
0x3dc: {  	[sflag:s26] =	ssyncadd.s32 $0xFFFFF000  }
0x3dd: {  	_ =	swait.ge [sflag:s22], $0x1000  }
0x3de: {  	[sflag:s22] =	ssyncset.done $0x0  }
0x3df: {  	[sflag:s22] =	ssyncadd.s32 $0xFFFFF000  }
0x3e0: {  	_ =	swait.ge [sflag:s3], $0x1000  }
0x3e1: {  	[sflag:s3] =	ssyncset.done $0x0  }
0x3e2: {  	[sflag:s3] =	ssyncadd.s32 $0xFFFFF000  }
0x3e3: {  	_ =	swait.ge [sflag:s4], $0x1000  }
0x3e4: {  	[sflag:s4] =	ssyncset.done $0x0  }
0x3e5: {  	[sflag:s4] =	ssyncadd.s32 $0xFFFFF000  }
0x3e6: {  	_ =	swait.ge [sflag:s5], $0x1000  }
0x3e7: {  	[sflag:s5] =	ssyncset.done $0x0  }
0x3e8: {  	[sflag:s5] =	ssyncadd.s32 $0xFFFFF000  }
0x3e9: {  	_ =	swait.ge [sflag:s6], $0x1000  }
0x3ea: {  	[sflag:s6] =	ssyncset.done $0x0  }
0x3eb: {  	[sflag:s6] =	ssyncadd.s32 $0xFFFFF000  }
0x3ec: {  	_ =	swait.ge [sflag:s7], $0x1000  }
0x3ed: {  	[sflag:s7] =	ssyncset.done $0x0  }
0x3ee: {  	[sflag:s7] =	ssyncadd.s32 $0xFFFFF000  }
0x3ef: {  	_ =	swait.ge [sflag:s8], $0x1000  }
0x3f0: {  	s9 =	sadd.s32 $0x1, s9;
	s31 =	rddreg [dreg:$0x15]  }
0x3f1: {  	p0 =	sne.s32 s9, s31  }
.Ltmp8:
0x3f2: {  	_ = 	snop;
	(pc) =	sbr.rel @p0 .LBB2_1-.Ltmp8, $3  }
0x3f3: {  	_ =	sdelay $0x1  }
0x3f4: {  	[sflag:s8] =	ssyncset.done $0x0  }
0x3f5: {  	[sflag:s8] =	ssyncadd.s32 $0xFFFFF000  }
0x3f6: {  	_ =	sfence.sel $0x180000  }
0x3f7: {  	[bflag:$0x0] =	sbarrier.arrive $0xFFFF  }
0x3f8: {  	_ =	strace $0x90000047  }
0x3f9: {  	s0 =	stileid.u32;
	[bflag:$0x2] =	sbarrier.arrive $0xFFFF  }
0x3fa: {  	p0 =	sne.s32 s0, $0x0;
	s0 =	rddreg [dreg:$0x3]  }
0x3fb: {  	s0 =	sadd.s32 @!p0 $0x100000, s0  }
0x3fc: {  	[sflag:s0] =	ssyncadd.tile.s32 @!p0 $0x1;
	_ =	shalt  }
.Lfunc_end2:
_tile_overlayer_lowered:
.L_overlay_start_2:
0x3fd: {  	(tag) =	ssettag $0x2  }
0x3fe: {  	s0 =	rddreg [dreg:$0x0];
	s2 =	stileid.u32  }
0x3ff: {  	s1 =	rddreg [dreg:$0x1];
	p0 =	sne.s32 s2, $0x0  }
0x400: {  	s3 =	rddreg [dreg:$0x2];
	[bflag:$0x3] =	sbarrier.arrive $0xFFFF;
	s2 =	simm.s32 @!p0 $0x1C11  }
0x401: {  	[timem:s3], [sflag:s2] =	dma.local @!p0 [hbm:s0], s1  }
0x402: {  	s0 =	simm.s32 @!p0 $0x11  }
0x403: {  	_ =	swait.ge @!p0 [sflag:s0], s1  }
0x404: {  	s1 =	ssub.s32 @!p0 $0x0, s1;
	[sflag:s0] =	ssyncset.done @!p0 $0x0  }
0x405: {  	[sflag:s0] =	ssyncadd.s32 @!p0 s1  }
0x406: {  	[bflag:$0x3] =	sbarrier.arrive $0xFFFF  }
0x407: {  	_ =	shalt  }

</sc_bundles>
